<compile_context>
chip_gen: v7x
topology: tpu7x:2x2x1
jax: 0.10.2.dev20260603
libtpu: 0.0.44.dev20260713+nightly
codegen_flags: <defaults>
</compile_context>

<pallas_src>
import functools

import jax
import jax.numpy as jnp
from jax import lax
from jax.experimental import pallas as pl
from jax.experimental.pallas import tpu as pltpu
from jax.experimental.pallas import tpu_sc as plsc

NUM_CORES = 2
NUM_SUBCORES = 16
NUM_WORKERS = NUM_CORES * NUM_SUBCORES
LANES = 16
SLICE_W = 8


@jax.jit
def _score_pairs(idx_u_all, e_u_all, idx_i_all, e_i_all, *cols):
    batch = idx_u_all.shape[0]
    b_per_w = batch // NUM_WORKERS
    n_groups = b_per_w // LANES

    mesh = plsc.VectorSubcoreMesh(
        core_axis_name="c", subcore_axis_name="s",
        num_cores=NUM_CORES, num_subcores=NUM_SUBCORES)

    @functools.partial(
        pl.kernel,
        out_type=jax.ShapeDtypeStruct((batch,), jnp.float32),
        mesh=mesh,
        compiler_params=pltpu.CompilerParams(
            needs_layout_passes=False, use_tc_tiling_on_sc=False),
        scratch_types=[
            pltpu.VMEM((b_per_w,), jnp.int32),
            pltpu.VMEM((b_per_w,), jnp.int32),
            pltpu.VMEM((b_per_w,), jnp.int32),
            pltpu.VMEM((b_per_w,), jnp.int32),
            pltpu.VMEM((4 * b_per_w, SLICE_W), jnp.float32),
            pltpu.VMEM((4 * b_per_w, SLICE_W), jnp.float32),
            pltpu.VMEM((b_per_w,), jnp.float32),
            pltpu.SemaphoreType.DMA,
        ],
    )
    def run(iu_hbm, eu_hbm, ii_hbm, ei_hbm,
            ut_hbm, it_hbm, out_hbm,
            idx_u, e_u, idx_i, e_i, sl_u, sl_i, out_v, sem):
        wid = lax.axis_index("s") * NUM_CORES + lax.axis_index("c")
        base = wid * b_per_w

        pltpu.sync_copy(iu_hbm.at[pl.ds(base, b_per_w)], idx_u)
        pltpu.sync_copy(eu_hbm.at[pl.ds(base, b_per_w)], e_u)
        pltpu.sync_copy(ii_hbm.at[pl.ds(base, b_per_w)], idx_i)
        pltpu.sync_copy(ei_hbm.at[pl.ds(base, b_per_w)], e_i)

        copies = []
        for d in range(4):
            copies.append(pltpu.async_copy(
                ut_hbm.at[d].at[e_u],
                sl_u.at[pl.ds(d * b_per_w, b_per_w)], sem))
            copies.append(pltpu.async_copy(
                it_hbm.at[d].at[e_i],
                sl_i.at[pl.ds(d * b_per_w, b_per_w)], sem))
        for cp in copies:
            cp.wait()

        lanes = lax.iota(jnp.int32, LANES)
        for g in range(n_groups):
            sl = pl.ds(g * LANES, LANES)
            j = g * LANES + lanes
            wu = jnp.bitwise_and(idx_u[sl], SLICE_W - 1)
            wi = jnp.bitwise_and(idx_i[sl], SLICE_W - 1)
            acc = jnp.zeros((LANES,), jnp.float32)
            for d in range(4):
                row = d * b_per_w + j
                u = plsc.load_gather(sl_u, [row, wu])
                v = plsc.load_gather(sl_i, [row, wi])
                acc = acc + u * v
            out_v[sl] = acc

        pltpu.sync_copy(out_v, out_hbm.at[pl.ds(base, b_per_w)])

    return run(idx_u_all, e_u_all, idx_i_all, e_i_all, *cols)


def _colsT(table):
    return table.T.reshape(4, -1, SLICE_W)


def kernel(user_input, item_input, user_table, item_table):
    iu = user_input.astype(jnp.int32)
    ii = item_input.astype(jnp.int32)
    return _score_pairs(
        iu, iu // SLICE_W, ii, ii // SLICE_W,
        _colsT(user_table), _colsT(item_table))

# --- scband reference (transcript-rebuilt; emitter-appended) ---
"""Pipeline reference for scband-stub-trainable-model-16673063043425 (READ-ONLY COPY).

The authoritative reference and input builder live on the scoring server;
editing this copy changes nothing except your own understanding.
"""

import jax, jax.numpy as jnp
import numpy as np

NUM_USERS = 1000000
NUM_ITEMS = 1000000
EMBED_DIM = 4
BATCH = 16384

def setup_inputs(seed: int = 0) -> dict:
    key = jax.random.key(seed)
    k1, k2, k3, k4 = jax.random.split(key, 4)
    user_input = jax.random.randint(k1, (BATCH,), 0, NUM_USERS)
    item_input = jax.random.randint(k2, (BATCH,), 0, NUM_ITEMS)
    # Learned parameters sized per build_towers(num_users, num_items) with dim=4
    user_table = jax.random.normal(k3, (NUM_USERS, EMBED_DIM), dtype=jnp.float32)
    item_table = jax.random.normal(k4, (NUM_ITEMS, EMBED_DIM), dtype=jnp.float32)
    return {"user_input": user_input, "item_input": item_input, "user_table": user_table, "item_table": item_table}

def reference(user_input, item_input, user_table, item_table):
    # Faithful translation of StubTrainableModel.score_pairs:
    #   user_vectors = self.user_embeddings(user_input)
    #   item_vectors = self.item_embeddings(item_input)
    #   return (user_vectors * item_vectors).sum(dim=-1)
    user_vectors = jnp.take(user_table, user_input, axis=0)
    item_vectors = jnp.take(item_table, item_input, axis=0)
    return (user_vectors * item_vectors).sum(axis=-1)

if __name__ == "__main__":
    import jax
    _d = setup_inputs()
    print(jax.jit(kernel)(*tuple(_d.values())))

</pallas_src>

<mosaic_0001>
#map = affine_map<(d0, d1) -> (0)>
#map1 = affine_map<(d0, d1) -> (0, 0, 0)>
module attributes {stable_mosaic.version = 14 : i64} {
  func.func @run(%arg0: i32, %arg1: i32, %arg2: memref<16384xi32, #tpu.memory_space<hbm>>, %arg3: memref<16384xi32, #tpu.memory_space<hbm>>, %arg4: memref<16384xi32, #tpu.memory_space<hbm>>, %arg5: memref<16384xi32, #tpu.memory_space<hbm>>, %arg6: memref<4x125000x8xf32, #tpu.memory_space<hbm>>, %arg7: memref<4x125000x8xf32, #tpu.memory_space<hbm>>, %arg8: memref<16384xf32, #tpu.memory_space<hbm>>, %arg9: memref<512xi32, #tpu.memory_space<vmem>>, %arg10: memref<512xi32, #tpu.memory_space<vmem>>, %arg11: memref<512xi32, #tpu.memory_space<vmem>>, %arg12: memref<512xi32, #tpu.memory_space<vmem>>, %arg13: memref<2048x8xf32, #tpu.memory_space<vmem>>, %arg14: memref<2048x8xf32, #tpu.memory_space<vmem>>, %arg15: memref<512xf32, #tpu.memory_space<vmem>>, %arg16: memref<!tpu.dma_semaphore, #tpu.memory_space<semaphore_mem>>) attributes {dimension_semantics = [#tpu.dimension_semantics<core_parallel>, #tpu.dimension_semantics<subcore_parallel>], iteration_bounds = array<i64: 2, 16>, scalar_prefetch = 0 : i64, scratch_operands = 8 : i64, tpu.core_type = #tpu.core_type<sc_vector_subcore>, window_params = [{transform_indices = #map}, {transform_indices = #map}, {transform_indices = #map}, {transform_indices = #map}, {transform_indices = #map1}, {transform_indices = #map1}, {transform_indices = #map}]} {
    %mul3A = arith.constant 2 : i32
    %mul3A_0 = arith.muli %arg1, %mul3A : i32
    %add3A = arith.addi %mul3A_0, %arg0 : i32
    %mul3A_1 = arith.constant 512 : i32
    %mul3A_2 = arith.muli %add3A, %mul3A_1 : i32
    "tpu.region"() ({
      %run_scoped3A = tpu.sem_alloc : memref<!tpu.dma_semaphore, #tpu.memory_space<semaphore_mem>>
      %dma_start3A_1612 = tpu.memref_slice %arg2[%mul3A_2] : memref<16384xi32, #tpu.memory_space<hbm>> -> memref<512xi32, #tpu.memory_space<hbm>>
      %dma_start3A_1613 = tpu.memref_slice %arg2[%mul3A_2] : memref<16384xi32, #tpu.memory_space<hbm>> -> memref<512xi32, #tpu.memory_space<hbm>>
      tpu.enqueue_dma source(%dma_start3A_1613 : memref<512xi32, #tpu.memory_space<hbm>>) target(%arg9 : memref<512xi32, #tpu.memory_space<vmem>>) target_semaphore(%run_scoped3A : memref<!tpu.dma_semaphore, #tpu.memory_space<semaphore_mem>>)
      %dma_wait3A_1614 = tpu.memref_slice %arg2[%mul3A_2] : memref<16384xi32, #tpu.memory_space<hbm>> -> memref<512xi32, #tpu.memory_space<hbm>>
      %dma_wait3A_1615 = tpu.memref_slice %arg2[%mul3A_2] : memref<16384xi32, #tpu.memory_space<hbm>> -> memref<512xi32, #tpu.memory_space<hbm>>
      tpu.wait_dma2 semaphore(%run_scoped3A : memref<!tpu.dma_semaphore, #tpu.memory_space<semaphore_mem>>) src(%dma_wait3A_1615 : memref<512xi32, #tpu.memory_space<hbm>>) dst(%arg9 : memref<512xi32, #tpu.memory_space<vmem>>)
      tpu.yield
    }) : () -> ()
    "tpu.region"() ({
      %run_scoped3A = tpu.sem_alloc : memref<!tpu.dma_semaphore, #tpu.memory_space<semaphore_mem>>
      %dma_start3A_1612 = tpu.memref_slice %arg3[%mul3A_2] : memref<16384xi32, #tpu.memory_space<hbm>> -> memref<512xi32, #tpu.memory_space<hbm>>
      %dma_start3A_1613 = tpu.memref_slice %arg3[%mul3A_2] : memref<16384xi32, #tpu.memory_space<hbm>> -> memref<512xi32, #tpu.memory_space<hbm>>
      tpu.enqueue_dma source(%dma_start3A_1613 : memref<512xi32, #tpu.memory_space<hbm>>) target(%arg10 : memref<512xi32, #tpu.memory_space<vmem>>) target_semaphore(%run_scoped3A : memref<!tpu.dma_semaphore, #tpu.memory_space<semaphore_mem>>)
      %dma_wait3A_1614 = tpu.memref_slice %arg3[%mul3A_2] : memref<16384xi32, #tpu.memory_space<hbm>> -> memref<512xi32, #tpu.memory_space<hbm>>
      %dma_wait3A_1615 = tpu.memref_slice %arg3[%mul3A_2] : memref<16384xi32, #tpu.memory_space<hbm>> -> memref<512xi32, #tpu.memory_space<hbm>>
      tpu.wait_dma2 semaphore(%run_scoped3A : memref<!tpu.dma_semaphore, #tpu.memory_space<semaphore_mem>>) src(%dma_wait3A_1615 : memref<512xi32, #tpu.memory_space<hbm>>) dst(%arg10 : memref<512xi32, #tpu.memory_space<vmem>>)
      tpu.yield
    }) : () -> ()
    "tpu.region"() ({
      %run_scoped3A = tpu.sem_alloc : memref<!tpu.dma_semaphore, #tpu.memory_space<semaphore_mem>>
      %dma_start3A_1612 = tpu.memref_slice %arg4[%mul3A_2] : memref<16384xi32, #tpu.memory_space<hbm>> -> memref<512xi32, #tpu.memory_space<hbm>>
      %dma_start3A_1613 = tpu.memref_slice %arg4[%mul3A_2] : memref<16384xi32, #tpu.memory_space<hbm>> -> memref<512xi32, #tpu.memory_space<hbm>>
      tpu.enqueue_dma source(%dma_start3A_1613 : memref<512xi32, #tpu.memory_space<hbm>>) target(%arg11 : memref<512xi32, #tpu.memory_space<vmem>>) target_semaphore(%run_scoped3A : memref<!tpu.dma_semaphore, #tpu.memory_space<semaphore_mem>>)
      %dma_wait3A_1614 = tpu.memref_slice %arg4[%mul3A_2] : memref<16384xi32, #tpu.memory_space<hbm>> -> memref<512xi32, #tpu.memory_space<hbm>>
      %dma_wait3A_1615 = tpu.memref_slice %arg4[%mul3A_2] : memref<16384xi32, #tpu.memory_space<hbm>> -> memref<512xi32, #tpu.memory_space<hbm>>
      tpu.wait_dma2 semaphore(%run_scoped3A : memref<!tpu.dma_semaphore, #tpu.memory_space<semaphore_mem>>) src(%dma_wait3A_1615 : memref<512xi32, #tpu.memory_space<hbm>>) dst(%arg11 : memref<512xi32, #tpu.memory_space<vmem>>)
      tpu.yield
    }) : () -> ()
    "tpu.region"() ({
      %run_scoped3A = tpu.sem_alloc : memref<!tpu.dma_semaphore, #tpu.memory_space<semaphore_mem>>
      %dma_start3A_1612 = tpu.memref_slice %arg5[%mul3A_2] : memref<16384xi32, #tpu.memory_space<hbm>> -> memref<512xi32, #tpu.memory_space<hbm>>
      %dma_start3A_1613 = tpu.memref_slice %arg5[%mul3A_2] : memref<16384xi32, #tpu.memory_space<hbm>> -> memref<512xi32, #tpu.memory_space<hbm>>
      tpu.enqueue_dma source(%dma_start3A_1613 : memref<512xi32, #tpu.memory_space<hbm>>) target(%arg12 : memref<512xi32, #tpu.memory_space<vmem>>) target_semaphore(%run_scoped3A : memref<!tpu.dma_semaphore, #tpu.memory_space<semaphore_mem>>)
      %dma_wait3A_1614 = tpu.memref_slice %arg5[%mul3A_2] : memref<16384xi32, #tpu.memory_space<hbm>> -> memref<512xi32, #tpu.memory_space<hbm>>
      %dma_wait3A_1615 = tpu.memref_slice %arg5[%mul3A_2] : memref<16384xi32, #tpu.memory_space<hbm>> -> memref<512xi32, #tpu.memory_space<hbm>>
      tpu.wait_dma2 semaphore(%run_scoped3A : memref<!tpu.dma_semaphore, #tpu.memory_space<semaphore_mem>>) src(%dma_wait3A_1615 : memref<512xi32, #tpu.memory_space<hbm>>) dst(%arg12 : memref<512xi32, #tpu.memory_space<vmem>>)
      tpu.yield
    }) : () -> ()
    %dma_start3A = arith.constant 0 : i32
    %dma_start3A_3 = arith.constant 0 : i32
    %dma_start3A_4 = arith.constant 0 : i32
    %dma_start3A_5 = tpu.memref_slice %arg13[%dma_start3A_3, %dma_start3A_4] : memref<2048x8xf32, #tpu.memory_space<vmem>> -> memref<512x8xf32, #tpu.memory_space<vmem>>
    %dma_start3A_6 = arith.constant 0 : i32
    %dma_start3A_7 = arith.constant 0 : i32
    %dma_start3A_8 = tpu.memref_slice %arg6[%dma_start3A, %dma_start3A_6, %dma_start3A_7] : memref<4x125000x8xf32, #tpu.memory_space<hbm>> -> memref<1x125000x8xf32, #tpu.memory_space<hbm>>
    %dma_start3A_9 = tpu.memref_squeeze %dma_start3A_8 : memref<1x125000x8xf32, #tpu.memory_space<hbm>> -> memref<125000x8xf32, #tpu.memory_space<hbm>>
    %dma_start3A_10 = arith.constant 0 : i32
    %dma_start3A_11 = arith.constant 0 : i32
    %dma_start3A_12 = tpu.memref_slice %dma_start3A_9[%dma_start3A_10, %dma_start3A_11] : memref<125000x8xf32, #tpu.memory_space<hbm>> -> memref<125000x8xf32, #tpu.memory_space<hbm>>
    tpu.enqueue_indirect_dma source(%dma_start3A_12 : memref<125000x8xf32, #tpu.memory_space<hbm>>) target(%dma_start3A_5 : memref<512x8xf32, #tpu.memory_space<vmem>>) offsets(%arg10 : memref<512xi32, #tpu.memory_space<vmem>>) semaphore(%arg16 : memref<!tpu.dma_semaphore, #tpu.memory_space<semaphore_mem>>)
    %dma_start3A_13 = arith.constant 0 : i32
    %dma_start3A_14 = arith.constant 0 : i32
    %dma_start3A_15 = arith.constant 0 : i32
    %dma_start3A_16 = tpu.memref_slice %arg14[%dma_start3A_14, %dma_start3A_15] : memref<2048x8xf32, #tpu.memory_space<vmem>> -> memref<512x8xf32, #tpu.memory_space<vmem>>
    %dma_start3A_17 = arith.constant 0 : i32
    %dma_start3A_18 = arith.constant 0 : i32
    %dma_start3A_19 = tpu.memref_slice %arg7[%dma_start3A_13, %dma_start3A_17, %dma_start3A_18] : memref<4x125000x8xf32, #tpu.memory_space<hbm>> -> memref<1x125000x8xf32, #tpu.memory_space<hbm>>
    %dma_start3A_20 = tpu.memref_squeeze %dma_start3A_19 : memref<1x125000x8xf32, #tpu.memory_space<hbm>> -> memref<125000x8xf32, #tpu.memory_space<hbm>>
    %dma_start3A_21 = arith.constant 0 : i32
    %dma_start3A_22 = arith.constant 0 : i32
    %dma_start3A_23 = tpu.memref_slice %dma_start3A_20[%dma_start3A_21, %dma_start3A_22] : memref<125000x8xf32, #tpu.memory_space<hbm>> -> memref<125000x8xf32, #tpu.memory_space<hbm>>
    tpu.enqueue_indirect_dma source(%dma_start3A_23 : memref<125000x8xf32, #tpu.memory_space<hbm>>) target(%dma_start3A_16 : memref<512x8xf32, #tpu.memory_space<vmem>>) offsets(%arg12 : memref<512xi32, #tpu.memory_space<vmem>>) semaphore(%arg16 : memref<!tpu.dma_semaphore, #tpu.memory_space<semaphore_mem>>)
    %dma_start3A_24 = arith.constant 1 : i32
    %dma_start3A_25 = arith.constant 512 : i32
    %dma_start3A_26 = arith.constant 0 : i32
    %dma_start3A_27 = tpu.memref_slice %arg13[%dma_start3A_25, %dma_start3A_26] : memref<2048x8xf32, #tpu.memory_space<vmem>> -> memref<512x8xf32, #tpu.memory_space<vmem>>
    %dma_start3A_28 = arith.constant 0 : i32
    %dma_start3A_29 = arith.constant 0 : i32
    %dma_start3A_30 = tpu.memref_slice %arg6[%dma_start3A_24, %dma_start3A_28, %dma_start3A_29] : memref<4x125000x8xf32, #tpu.memory_space<hbm>> -> memref<1x125000x8xf32, #tpu.memory_space<hbm>>
    %dma_start3A_31 = tpu.memref_squeeze %dma_start3A_30 : memref<1x125000x8xf32, #tpu.memory_space<hbm>> -> memref<125000x8xf32, #tpu.memory_space<hbm>>
    %dma_start3A_32 = arith.constant 0 : i32
    %dma_start3A_33 = arith.constant 0 : i32
    %dma_start3A_34 = tpu.memref_slice %dma_start3A_31[%dma_start3A_32, %dma_start3A_33] : memref<125000x8xf32, #tpu.memory_space<hbm>> -> memref<125000x8xf32, #tpu.memory_space<hbm>>
    tpu.enqueue_indirect_dma source(%dma_start3A_34 : memref<125000x8xf32, #tpu.memory_space<hbm>>) target(%dma_start3A_27 : memref<512x8xf32, #tpu.memory_space<vmem>>) offsets(%arg10 : memref<512xi32, #tpu.memory_space<vmem>>) semaphore(%arg16 : memref<!tpu.dma_semaphore, #tpu.memory_space<semaphore_mem>>)
    %dma_start3A_35 = arith.constant 1 : i32
    %dma_start3A_36 = arith.constant 512 : i32
    %dma_start3A_37 = arith.constant 0 : i32
    %dma_start3A_38 = tpu.memref_slice %arg14[%dma_start3A_36, %dma_start3A_37] : memref<2048x8xf32, #tpu.memory_space<vmem>> -> memref<512x8xf32, #tpu.memory_space<vmem>>
    %dma_start3A_39 = arith.constant 0 : i32
    %dma_start3A_40 = arith.constant 0 : i32
    %dma_start3A_41 = tpu.memref_slice %arg7[%dma_start3A_35, %dma_start3A_39, %dma_start3A_40] : memref<4x125000x8xf32, #tpu.memory_space<hbm>> -> memref<1x125000x8xf32, #tpu.memory_space<hbm>>
    %dma_start3A_42 = tpu.memref_squeeze %dma_start3A_41 : memref<1x125000x8xf32, #tpu.memory_space<hbm>> -> memref<125000x8xf32, #tpu.memory_space<hbm>>
    %dma_start3A_43 = arith.constant 0 : i32
    %dma_start3A_44 = arith.constant 0 : i32
    %dma_start3A_45 = tpu.memref_slice %dma_start3A_42[%dma_start3A_43, %dma_start3A_44] : memref<125000x8xf32, #tpu.memory_space<hbm>> -> memref<125000x8xf32, #tpu.memory_space<hbm>>
    tpu.enqueue_indirect_dma source(%dma_start3A_45 : memref<125000x8xf32, #tpu.memory_space<hbm>>) target(%dma_start3A_38 : memref<512x8xf32, #tpu.memory_space<vmem>>) offsets(%arg12 : memref<512xi32, #tpu.memory_space<vmem>>) semaphore(%arg16 : memref<!tpu.dma_semaphore, #tpu.memory_space<semaphore_mem>>)
    %dma_start3A_46 = arith.constant 2 : i32
    %dma_start3A_47 = arith.constant 1024 : i32
    %dma_start3A_48 = arith.constant 0 : i32
    %dma_start3A_49 = tpu.memref_slice %arg13[%dma_start3A_47, %dma_start3A_48] : memref<2048x8xf32, #tpu.memory_space<vmem>> -> memref<512x8xf32, #tpu.memory_space<vmem>>
    %dma_start3A_50 = arith.constant 0 : i32
    %dma_start3A_51 = arith.constant 0 : i32
    %dma_start3A_52 = tpu.memref_slice %arg6[%dma_start3A_46, %dma_start3A_50, %dma_start3A_51] : memref<4x125000x8xf32, #tpu.memory_space<hbm>> -> memref<1x125000x8xf32, #tpu.memory_space<hbm>>
    %dma_start3A_53 = tpu.memref_squeeze %dma_start3A_52 : memref<1x125000x8xf32, #tpu.memory_space<hbm>> -> memref<125000x8xf32, #tpu.memory_space<hbm>>
    %dma_start3A_54 = arith.constant 0 : i32
    %dma_start3A_55 = arith.constant 0 : i32
    %dma_start3A_56 = tpu.memref_slice %dma_start3A_53[%dma_start3A_54, %dma_start3A_55] : memref<125000x8xf32, #tpu.memory_space<hbm>> -> memref<125000x8xf32, #tpu.memory_space<hbm>>
    tpu.enqueue_indirect_dma source(%dma_start3A_56 : memref<125000x8xf32, #tpu.memory_space<hbm>>) target(%dma_start3A_49 : memref<512x8xf32, #tpu.memory_space<vmem>>) offsets(%arg10 : memref<512xi32, #tpu.memory_space<vmem>>) semaphore(%arg16 : memref<!tpu.dma_semaphore, #tpu.memory_space<semaphore_mem>>)
    %dma_start3A_57 = arith.constant 2 : i32
    %dma_start3A_58 = arith.constant 1024 : i32
    %dma_start3A_59 = arith.constant 0 : i32
    %dma_start3A_60 = tpu.memref_slice %arg14[%dma_start3A_58, %dma_start3A_59] : memref<2048x8xf32, #tpu.memory_space<vmem>> -> memref<512x8xf32, #tpu.memory_space<vmem>>
    %dma_start3A_61 = arith.constant 0 : i32
    %dma_start3A_62 = arith.constant 0 : i32
    %dma_start3A_63 = tpu.memref_slice %arg7[%dma_start3A_57, %dma_start3A_61, %dma_start3A_62] : memref<4x125000x8xf32, #tpu.memory_space<hbm>> -> memref<1x125000x8xf32, #tpu.memory_space<hbm>>
    %dma_start3A_64 = tpu.memref_squeeze %dma_start3A_63 : memref<1x125000x8xf32, #tpu.memory_space<hbm>> -> memref<125000x8xf32, #tpu.memory_space<hbm>>
    %dma_start3A_65 = arith.constant 0 : i32
    %dma_start3A_66 = arith.constant 0 : i32
    %dma_start3A_67 = tpu.memref_slice %dma_start3A_64[%dma_start3A_65, %dma_start3A_66] : memref<125000x8xf32, #tpu.memory_space<hbm>> -> memref<125000x8xf32, #tpu.memory_space<hbm>>
    tpu.enqueue_indirect_dma source(%dma_start3A_67 : memref<125000x8xf32, #tpu.memory_space<hbm>>) target(%dma_start3A_60 : memref<512x8xf32, #tpu.memory_space<vmem>>) offsets(%arg12 : memref<512xi32, #tpu.memory_space<vmem>>) semaphore(%arg16 : memref<!tpu.dma_semaphore, #tpu.memory_space<semaphore_mem>>)
    %dma_start3A_68 = arith.constant 3 : i32
    %dma_start3A_69 = arith.constant 1536 : i32
    %dma_start3A_70 = arith.constant 0 : i32
    %dma_start3A_71 = tpu.memref_slice %arg13[%dma_start3A_69, %dma_start3A_70] : memref<2048x8xf32, #tpu.memory_space<vmem>> -> memref<512x8xf32, #tpu.memory_space<vmem>>
    %dma_start3A_72 = arith.constant 0 : i32
    %dma_start3A_73 = arith.constant 0 : i32
    %dma_start3A_74 = tpu.memref_slice %arg6[%dma_start3A_68, %dma_start3A_72, %dma_start3A_73] : memref<4x125000x8xf32, #tpu.memory_space<hbm>> -> memref<1x125000x8xf32, #tpu.memory_space<hbm>>
    %dma_start3A_75 = tpu.memref_squeeze %dma_start3A_74 : memref<1x125000x8xf32, #tpu.memory_space<hbm>> -> memref<125000x8xf32, #tpu.memory_space<hbm>>
    %dma_start3A_76 = arith.constant 0 : i32
    %dma_start3A_77 = arith.constant 0 : i32
    %dma_start3A_78 = tpu.memref_slice %dma_start3A_75[%dma_start3A_76, %dma_start3A_77] : memref<125000x8xf32, #tpu.memory_space<hbm>> -> memref<125000x8xf32, #tpu.memory_space<hbm>>
    tpu.enqueue_indirect_dma source(%dma_start3A_78 : memref<125000x8xf32, #tpu.memory_space<hbm>>) target(%dma_start3A_71 : memref<512x8xf32, #tpu.memory_space<vmem>>) offsets(%arg10 : memref<512xi32, #tpu.memory_space<vmem>>) semaphore(%arg16 : memref<!tpu.dma_semaphore, #tpu.memory_space<semaphore_mem>>)
    %dma_start3A_79 = arith.constant 3 : i32
    %dma_start3A_80 = arith.constant 1536 : i32
    %dma_start3A_81 = arith.constant 0 : i32
    %dma_start3A_82 = tpu.memref_slice %arg14[%dma_start3A_80, %dma_start3A_81] : memref<2048x8xf32, #tpu.memory_space<vmem>> -> memref<512x8xf32, #tpu.memory_space<vmem>>
    %dma_start3A_83 = arith.constant 0 : i32
    %dma_start3A_84 = arith.constant 0 : i32
    %dma_start3A_85 = tpu.memref_slice %arg7[%dma_start3A_79, %dma_start3A_83, %dma_start3A_84] : memref<4x125000x8xf32, #tpu.memory_space<hbm>> -> memref<1x125000x8xf32, #tpu.memory_space<hbm>>
    %dma_start3A_86 = tpu.memref_squeeze %dma_start3A_85 : memref<1x125000x8xf32, #tpu.memory_space<hbm>> -> memref<125000x8xf32, #tpu.memory_space<hbm>>
    %dma_start3A_87 = arith.constant 0 : i32
    %dma_start3A_88 = arith.constant 0 : i32
    %dma_start3A_89 = tpu.memref_slice %dma_start3A_86[%dma_start3A_87, %dma_start3A_88] : memref<125000x8xf32, #tpu.memory_space<hbm>> -> memref<125000x8xf32, #tpu.memory_space<hbm>>
    tpu.enqueue_indirect_dma source(%dma_start3A_89 : memref<125000x8xf32, #tpu.memory_space<hbm>>) target(%dma_start3A_82 : memref<512x8xf32, #tpu.memory_space<vmem>>) offsets(%arg12 : memref<512xi32, #tpu.memory_space<vmem>>) semaphore(%arg16 : memref<!tpu.dma_semaphore, #tpu.memory_space<semaphore_mem>>)
    %dma_wait3A = arith.constant 0 : i32
    %dma_wait3A_90 = arith.constant 0 : i32
    %dma_wait3A_91 = arith.constant 0 : i32
    %dma_wait3A_92 = tpu.memref_slice %arg13[%dma_wait3A_90, %dma_wait3A_91] : memref<2048x8xf32, #tpu.memory_space<vmem>> -> memref<512x8xf32, #tpu.memory_space<vmem>>
    %dma_wait3A_93 = arith.constant 0 : i32
    %dma_wait3A_94 = arith.constant 0 : i32
    %dma_wait3A_95 = tpu.memref_slice %arg6[%dma_wait3A, %dma_wait3A_93, %dma_wait3A_94] : memref<4x125000x8xf32, #tpu.memory_space<hbm>> -> memref<1x125000x8xf32, #tpu.memory_space<hbm>>
    %dma_wait3A_96 = tpu.memref_squeeze %dma_wait3A_95 : memref<1x125000x8xf32, #tpu.memory_space<hbm>> -> memref<125000x8xf32, #tpu.memory_space<hbm>>
    %dma_wait3A_97 = arith.constant 0 : i32
    %dma_wait3A_98 = arith.constant 0 : i32
    %dma_wait3A_99 = tpu.memref_slice %dma_wait3A_96[%dma_wait3A_97, %dma_wait3A_98] : memref<125000x8xf32, #tpu.memory_space<hbm>> -> memref<125000x8xf32, #tpu.memory_space<hbm>>
    tpu.wait_indirect_dma semaphore(%arg16 : memref<!tpu.dma_semaphore, #tpu.memory_space<semaphore_mem>>) src(%dma_wait3A_99 : memref<125000x8xf32, #tpu.memory_space<hbm>>) dst(%dma_wait3A_92 : memref<512x8xf32, #tpu.memory_space<vmem>>)
    %dma_wait3A_100 = arith.constant 0 : i32
    %dma_wait3A_101 = arith.constant 0 : i32
    %dma_wait3A_102 = arith.constant 0 : i32
    %dma_wait3A_103 = tpu.memref_slice %arg14[%dma_wait3A_101, %dma_wait3A_102] : memref<2048x8xf32, #tpu.memory_space<vmem>> -> memref<512x8xf32, #tpu.memory_space<vmem>>
    %dma_wait3A_104 = arith.constant 0 : i32
    %dma_wait3A_105 = arith.constant 0 : i32
    %dma_wait3A_106 = tpu.memref_slice %arg7[%dma_wait3A_100, %dma_wait3A_104, %dma_wait3A_105] : memref<4x125000x8xf32, #tpu.memory_space<hbm>> -> memref<1x125000x8xf32, #tpu.memory_space<hbm>>
    %dma_wait3A_107 = tpu.memref_squeeze %dma_wait3A_106 : memref<1x125000x8xf32, #tpu.memory_space<hbm>> -> memref<125000x8xf32, #tpu.memory_space<hbm>>
    %dma_wait3A_108 = arith.constant 0 : i32
    %dma_wait3A_109 = arith.constant 0 : i32
    %dma_wait3A_110 = tpu.memref_slice %dma_wait3A_107[%dma_wait3A_108, %dma_wait3A_109] : memref<125000x8xf32, #tpu.memory_space<hbm>> -> memref<125000x8xf32, #tpu.memory_space<hbm>>
    tpu.wait_indirect_dma semaphore(%arg16 : memref<!tpu.dma_semaphore, #tpu.memory_space<semaphore_mem>>) src(%dma_wait3A_110 : memref<125000x8xf32, #tpu.memory_space<hbm>>) dst(%dma_wait3A_103 : memref<512x8xf32, #tpu.memory_space<vmem>>)
    %dma_wait3A_111 = arith.constant 1 : i32
    %dma_wait3A_112 = arith.constant 512 : i32
    %dma_wait3A_113 = arith.constant 0 : i32
    %dma_wait3A_114 = tpu.memref_slice %arg13[%dma_wait3A_112, %dma_wait3A_113] : memref<2048x8xf32, #tpu.memory_space<vmem>> -> memref<512x8xf32, #tpu.memory_space<vmem>>
    %dma_wait3A_115 = arith.constant 0 : i32
    %dma_wait3A_116 = arith.constant 0 : i32
    %dma_wait3A_117 = tpu.memref_slice %arg6[%dma_wait3A_111, %dma_wait3A_115, %dma_wait3A_116] : memref<4x125000x8xf32, #tpu.memory_space<hbm>> -> memref<1x125000x8xf32, #tpu.memory_space<hbm>>
    %dma_wait3A_118 = tpu.memref_squeeze %dma_wait3A_117 : memref<1x125000x8xf32, #tpu.memory_space<hbm>> -> memref<125000x8xf32, #tpu.memory_space<hbm>>
    %dma_wait3A_119 = arith.constant 0 : i32
    %dma_wait3A_120 = arith.constant 0 : i32
    %dma_wait3A_121 = tpu.memref_slice %dma_wait3A_118[%dma_wait3A_119, %dma_wait3A_120] : memref<125000x8xf32, #tpu.memory_space<hbm>> -> memref<125000x8xf32, #tpu.memory_space<hbm>>
    tpu.wait_indirect_dma semaphore(%arg16 : memref<!tpu.dma_semaphore, #tpu.memory_space<semaphore_mem>>) src(%dma_wait3A_121 : memref<125000x8xf32, #tpu.memory_space<hbm>>) dst(%dma_wait3A_114 : memref<512x8xf32, #tpu.memory_space<vmem>>)
    %dma_wait3A_122 = arith.constant 1 : i32
    %dma_wait3A_123 = arith.constant 512 : i32
    %dma_wait3A_124 = arith.constant 0 : i32
    %dma_wait3A_125 = tpu.memref_slice %arg14[%dma_wait3A_123, %dma_wait3A_124] : memref<2048x8xf32, #tpu.memory_space<vmem>> -> memref<512x8xf32, #tpu.memory_space<vmem>>
    %dma_wait3A_126 = arith.constant 0 : i32
    %dma_wait3A_127 = arith.constant 0 : i32
    %dma_wait3A_128 = tpu.memref_slice %arg7[%dma_wait3A_122, %dma_wait3A_126, %dma_wait3A_127] : memref<4x125000x8xf32, #tpu.memory_space<hbm>> -> memref<1x125000x8xf32, #tpu.memory_space<hbm>>
    %dma_wait3A_129 = tpu.memref_squeeze %dma_wait3A_128 : memref<1x125000x8xf32, #tpu.memory_space<hbm>> -> memref<125000x8xf32, #tpu.memory_space<hbm>>
    %dma_wait3A_130 = arith.constant 0 : i32
    %dma_wait3A_131 = arith.constant 0 : i32
    %dma_wait3A_132 = tpu.memref_slice %dma_wait3A_129[%dma_wait3A_130, %dma_wait3A_131] : memref<125000x8xf32, #tpu.memory_space<hbm>> -> memref<125000x8xf32, #tpu.memory_space<hbm>>
    tpu.wait_indirect_dma semaphore(%arg16 : memref<!tpu.dma_semaphore, #tpu.memory_space<semaphore_mem>>) src(%dma_wait3A_132 : memref<125000x8xf32, #tpu.memory_space<hbm>>) dst(%dma_wait3A_125 : memref<512x8xf32, #tpu.memory_space<vmem>>)
    %dma_wait3A_133 = arith.constant 2 : i32
    %dma_wait3A_134 = arith.constant 1024 : i32
    %dma_wait3A_135 = arith.constant 0 : i32
    %dma_wait3A_136 = tpu.memref_slice %arg13[%dma_wait3A_134, %dma_wait3A_135] : memref<2048x8xf32, #tpu.memory_space<vmem>> -> memref<512x8xf32, #tpu.memory_space<vmem>>
    %dma_wait3A_137 = arith.constant 0 : i32
    %dma_wait3A_138 = arith.constant 0 : i32
    %dma_wait3A_139 = tpu.memref_slice %arg6[%dma_wait3A_133, %dma_wait3A_137, %dma_wait3A_138] : memref<4x125000x8xf32, #tpu.memory_space<hbm>> -> memref<1x125000x8xf32, #tpu.memory_space<hbm>>
    %dma_wait3A_140 = tpu.memref_squeeze %dma_wait3A_139 : memref<1x125000x8xf32, #tpu.memory_space<hbm>> -> memref<125000x8xf32, #tpu.memory_space<hbm>>
    %dma_wait3A_141 = arith.constant 0 : i32
    %dma_wait3A_142 = arith.constant 0 : i32
    %dma_wait3A_143 = tpu.memref_slice %dma_wait3A_140[%dma_wait3A_141, %dma_wait3A_142] : memref<125000x8xf32, #tpu.memory_space<hbm>> -> memref<125000x8xf32, #tpu.memory_space<hbm>>
    tpu.wait_indirect_dma semaphore(%arg16 : memref<!tpu.dma_semaphore, #tpu.memory_space<semaphore_mem>>) src(%dma_wait3A_143 : memref<125000x8xf32, #tpu.memory_space<hbm>>) dst(%dma_wait3A_136 : memref<512x8xf32, #tpu.memory_space<vmem>>)
    %dma_wait3A_144 = arith.constant 2 : i32
    %dma_wait3A_145 = arith.constant 1024 : i32
    %dma_wait3A_146 = arith.constant 0 : i32
    %dma_wait3A_147 = tpu.memref_slice %arg14[%dma_wait3A_145, %dma_wait3A_146] : memref<2048x8xf32, #tpu.memory_space<vmem>> -> memref<512x8xf32, #tpu.memory_space<vmem>>
    %dma_wait3A_148 = arith.constant 0 : i32
    %dma_wait3A_149 = arith.constant 0 : i32
    %dma_wait3A_150 = tpu.memref_slice %arg7[%dma_wait3A_144, %dma_wait3A_148, %dma_wait3A_149] : memref<4x125000x8xf32, #tpu.memory_space<hbm>> -> memref<1x125000x8xf32, #tpu.memory_space<hbm>>
    %dma_wait3A_151 = tpu.memref_squeeze %dma_wait3A_150 : memref<1x125000x8xf32, #tpu.memory_space<hbm>> -> memref<125000x8xf32, #tpu.memory_space<hbm>>
    %dma_wait3A_152 = arith.constant 0 : i32
    %dma_wait3A_153 = arith.constant 0 : i32
    %dma_wait3A_154 = tpu.memref_slice %dma_wait3A_151[%dma_wait3A_152, %dma_wait3A_153] : memref<125000x8xf32, #tpu.memory_space<hbm>> -> memref<125000x8xf32, #tpu.memory_space<hbm>>
    tpu.wait_indirect_dma semaphore(%arg16 : memref<!tpu.dma_semaphore, #tpu.memory_space<semaphore_mem>>) src(%dma_wait3A_154 : memref<125000x8xf32, #tpu.memory_space<hbm>>) dst(%dma_wait3A_147 : memref<512x8xf32, #tpu.memory_space<vmem>>)
    %dma_wait3A_155 = arith.constant 3 : i32
    %dma_wait3A_156 = arith.constant 1536 : i32
    %dma_wait3A_157 = arith.constant 0 : i32
    %dma_wait3A_158 = tpu.memref_slice %arg13[%dma_wait3A_156, %dma_wait3A_157] : memref<2048x8xf32, #tpu.memory_space<vmem>> -> memref<512x8xf32, #tpu.memory_space<vmem>>
    %dma_wait3A_159 = arith.constant 0 : i32
    %dma_wait3A_160 = arith.constant 0 : i32
    %dma_wait3A_161 = tpu.memref_slice %arg6[%dma_wait3A_155, %dma_wait3A_159, %dma_wait3A_160] : memref<4x125000x8xf32, #tpu.memory_space<hbm>> -> memref<1x125000x8xf32, #tpu.memory_space<hbm>>
    %dma_wait3A_162 = tpu.memref_squeeze %dma_wait3A_161 : memref<1x125000x8xf32, #tpu.memory_space<hbm>> -> memref<125000x8xf32, #tpu.memory_space<hbm>>
    %dma_wait3A_163 = arith.constant 0 : i32
    %dma_wait3A_164 = arith.constant 0 : i32
    %dma_wait3A_165 = tpu.memref_slice %dma_wait3A_162[%dma_wait3A_163, %dma_wait3A_164] : memref<125000x8xf32, #tpu.memory_space<hbm>> -> memref<125000x8xf32, #tpu.memory_space<hbm>>
    tpu.wait_indirect_dma semaphore(%arg16 : memref<!tpu.dma_semaphore, #tpu.memory_space<semaphore_mem>>) src(%dma_wait3A_165 : memref<125000x8xf32, #tpu.memory_space<hbm>>) dst(%dma_wait3A_158 : memref<512x8xf32, #tpu.memory_space<vmem>>)
    %dma_wait3A_166 = arith.constant 3 : i32
    %dma_wait3A_167 = arith.constant 1536 : i32
    %dma_wait3A_168 = arith.constant 0 : i32
    %dma_wait3A_169 = tpu.memref_slice %arg14[%dma_wait3A_167, %dma_wait3A_168] : memref<2048x8xf32, #tpu.memory_space<vmem>> -> memref<512x8xf32, #tpu.memory_space<vmem>>
    %dma_wait3A_170 = arith.constant 0 : i32
    %dma_wait3A_171 = arith.constant 0 : i32
    %dma_wait3A_172 = tpu.memref_slice %arg7[%dma_wait3A_166, %dma_wait3A_170, %dma_wait3A_171] : memref<4x125000x8xf32, #tpu.memory_space<hbm>> -> memref<1x125000x8xf32, #tpu.memory_space<hbm>>
    %dma_wait3A_173 = tpu.memref_squeeze %dma_wait3A_172 : memref<1x125000x8xf32, #tpu.memory_space<hbm>> -> memref<125000x8xf32, #tpu.memory_space<hbm>>
    %dma_wait3A_174 = arith.constant 0 : i32
    %dma_wait3A_175 = arith.constant 0 : i32
    %dma_wait3A_176 = tpu.memref_slice %dma_wait3A_173[%dma_wait3A_174, %dma_wait3A_175] : memref<125000x8xf32, #tpu.memory_space<hbm>> -> memref<125000x8xf32, #tpu.memory_space<hbm>>
    tpu.wait_indirect_dma semaphore(%arg16 : memref<!tpu.dma_semaphore, #tpu.memory_space<semaphore_mem>>) src(%dma_wait3A_176 : memref<125000x8xf32, #tpu.memory_space<hbm>>) dst(%dma_wait3A_169 : memref<512x8xf32, #tpu.memory_space<vmem>>)
    %iota3A = tpu.iota {dimensions = array<i32: 0>} : vector<16xi32>
    %add3A_177 = arith.constant 0 : i32
    %add3A_178 = vector.broadcast %add3A_177 : i32 to vector<16xi32>
    %add3A_179 = arith.addi %add3A_178, %iota3A : vector<16xi32>
    %get3A = arith.constant 0 : index
    %get3A_180 = tpu.vector_load %arg9[%get3A] {strides = array<i32>} : memref<512xi32, #tpu.memory_space<vmem>>, vector<16xi32>,
    %and3A = arith.constant 7 : i32
    %and3A_181 = vector.broadcast %and3A : i32 to vector<16xi32>
    %and3A_182 = arith.andi %get3A_180, %and3A_181 : vector<16xi32>
    %get3A_183 = arith.constant 0 : index
    %get3A_184 = tpu.vector_load %arg11[%get3A_183] {strides = array<i32>} : memref<512xi32, #tpu.memory_space<vmem>>, vector<16xi32>,
    %and3A_185 = arith.constant 7 : i32
    %and3A_186 = vector.broadcast %and3A_185 : i32 to vector<16xi32>
    %and3A_187 = arith.andi %get3A_184, %and3A_186 : vector<16xi32>
    %broadcast_in_dim3A = arith.constant 0.000000e+00 : f32
    %broadcast_in_dim3A_188 = vector.broadcast %broadcast_in_dim3A : f32 to vector<16xf32>
    %add3A_189 = arith.constant 0 : i32
    %add3A_190 = vector.broadcast %add3A_189 : i32 to vector<16xi32>
    %add3A_191 = arith.addi %add3A_190, %add3A_179 : vector<16xi32>
    %gather3A = tpu.vector_load_idx %arg13[%add3A_191, %and3A_182] : memref<2048x8xf32, #tpu.memory_space<vmem>>[vector<16xi32>, vector<16xi32>], vector<16xf32>,
    %gather3A_192 = tpu.vector_load_idx %arg14[%add3A_191, %and3A_187] : memref<2048x8xf32, #tpu.memory_space<vmem>>[vector<16xi32>, vector<16xi32>], vector<16xf32>,
    %mul3A_193 = arith.mulf %gather3A, %gather3A_192 : vector<16xf32>
    %add3A_194 = arith.addf %broadcast_in_dim3A_188, %mul3A_193 : vector<16xf32>
    %add3A_195 = arith.constant 512 : i32
    %add3A_196 = vector.broadcast %add3A_195 : i32 to vector<16xi32>
    %add3A_197 = arith.addi %add3A_196, %add3A_179 : vector<16xi32>
    %gather3A_198 = tpu.vector_load_idx %arg13[%add3A_197, %and3A_182] : memref<2048x8xf32, #tpu.memory_space<vmem>>[vector<16xi32>, vector<16xi32>], vector<16xf32>,
    %gather3A_199 = tpu.vector_load_idx %arg14[%add3A_197, %and3A_187] : memref<2048x8xf32, #tpu.memory_space<vmem>>[vector<16xi32>, vector<16xi32>], vector<16xf32>,
    %mul3A_200 = arith.mulf %gather3A_198, %gather3A_199 : vector<16xf32>
    %add3A_201 = arith.addf %add3A_194, %mul3A_200 : vector<16xf32>
    %add3A_202 = arith.constant 1024 : i32
    %add3A_203 = vector.broadcast %add3A_202 : i32 to vector<16xi32>
    %add3A_204 = arith.addi %add3A_203, %add3A_179 : vector<16xi32>
    %gather3A_205 = tpu.vector_load_idx %arg13[%add3A_204, %and3A_182] : memref<2048x8xf32, #tpu.memory_space<vmem>>[vector<16xi32>, vector<16xi32>], vector<16xf32>,
    %gather3A_206 = tpu.vector_load_idx %arg14[%add3A_204, %and3A_187] : memref<2048x8xf32, #tpu.memory_space<vmem>>[vector<16xi32>, vector<16xi32>], vector<16xf32>,
    %mul3A_207 = arith.mulf %gather3A_205, %gather3A_206 : vector<16xf32>
    %add3A_208 = arith.addf %add3A_201, %mul3A_207 : vector<16xf32>
    %add3A_209 = arith.constant 1536 : i32
    %add3A_210 = vector.broadcast %add3A_209 : i32 to vector<16xi32>
    %add3A_211 = arith.addi %add3A_210, %add3A_179 : vector<16xi32>
    %gather3A_212 = tpu.vector_load_idx %arg13[%add3A_211, %and3A_182] : memref<2048x8xf32, #tpu.memory_space<vmem>>[vector<16xi32>, vector<16xi32>], vector<16xf32>,
    %gather3A_213 = tpu.vector_load_idx %arg14[%add3A_211, %and3A_187] : memref<2048x8xf32, #tpu.memory_space<vmem>>[vector<16xi32>, vector<16xi32>], vector<16xf32>,
    %mul3A_214 = arith.mulf %gather3A_212, %gather3A_213 : vector<16xf32>
    %add3A_215 = arith.addf %add3A_208, %mul3A_214 : vector<16xf32>
    %swap3A = arith.constant 0 : index
    %swap3A_216 = tpu.vector_load %arg15[%swap3A] {strides = array<i32>} : memref<512xf32, #tpu.memory_space<vmem>>, vector<16xf32>,
    tpu.vector_store %arg15[%swap3A], %add3A_215 {strides = array<i32>} : memref<512xf32, #tpu.memory_space<vmem>>, vector<16xf32>,
    %add3A_217 = arith.constant 16 : i32
    %add3A_218 = vector.broadcast %add3A_217 : i32 to vector<16xi32>
    %add3A_219 = arith.addi %add3A_218, %iota3A : vector<16xi32>
    %get3A_220 = arith.constant 16 : index
    %get3A_221 = tpu.vector_load %arg9[%get3A_220] {strides = array<i32>} : memref<512xi32, #tpu.memory_space<vmem>>, vector<16xi32>,
    %and3A_222 = arith.constant 7 : i32
    %and3A_223 = vector.broadcast %and3A_222 : i32 to vector<16xi32>
    %and3A_224 = arith.andi %get3A_221, %and3A_223 : vector<16xi32>
    %get3A_225 = arith.constant 16 : index
    %get3A_226 = tpu.vector_load %arg11[%get3A_225] {strides = array<i32>} : memref<512xi32, #tpu.memory_space<vmem>>, vector<16xi32>,
    %and3A_227 = arith.constant 7 : i32
    %and3A_228 = vector.broadcast %and3A_227 : i32 to vector<16xi32>
    %and3A_229 = arith.andi %get3A_226, %and3A_228 : vector<16xi32>
    %broadcast_in_dim3A_230 = arith.constant 0.000000e+00 : f32
    %broadcast_in_dim3A_231 = vector.broadcast %broadcast_in_dim3A_230 : f32 to vector<16xf32>
    %add3A_232 = arith.constant 0 : i32
    %add3A_233 = vector.broadcast %add3A_232 : i32 to vector<16xi32>
    %add3A_234 = arith.addi %add3A_233, %add3A_219 : vector<16xi32>
    %gather3A_235 = tpu.vector_load_idx %arg13[%add3A_234, %and3A_224] : memref<2048x8xf32, #tpu.memory_space<vmem>>[vector<16xi32>, vector<16xi32>], vector<16xf32>,
    %gather3A_236 = tpu.vector_load_idx %arg14[%add3A_234, %and3A_229] : memref<2048x8xf32, #tpu.memory_space<vmem>>[vector<16xi32>, vector<16xi32>], vector<16xf32>,
    %mul3A_237 = arith.mulf %gather3A_235, %gather3A_236 : vector<16xf32>
    %add3A_238 = arith.addf %broadcast_in_dim3A_231, %mul3A_237 : vector<16xf32>
    %add3A_239 = arith.constant 512 : i32
    %add3A_240 = vector.broadcast %add3A_239 : i32 to vector<16xi32>
    %add3A_241 = arith.addi %add3A_240, %add3A_219 : vector<16xi32>
    %gather3A_242 = tpu.vector_load_idx %arg13[%add3A_241, %and3A_224] : memref<2048x8xf32, #tpu.memory_space<vmem>>[vector<16xi32>, vector<16xi32>], vector<16xf32>,
    %gather3A_243 = tpu.vector_load_idx %arg14[%add3A_241, %and3A_229] : memref<2048x8xf32, #tpu.memory_space<vmem>>[vector<16xi32>, vector<16xi32>], vector<16xf32>,
    %mul3A_244 = arith.mulf %gather3A_242, %gather3A_243 : vector<16xf32>
    %add3A_245 = arith.addf %add3A_238, %mul3A_244 : vector<16xf32>
    %add3A_246 = arith.constant 1024 : i32
    %add3A_247 = vector.broadcast %add3A_246 : i32 to vector<16xi32>
    %add3A_248 = arith.addi %add3A_247, %add3A_219 : vector<16xi32>
    %gather3A_249 = tpu.vector_load_idx %arg13[%add3A_248, %and3A_224] : memref<2048x8xf32, #tpu.memory_space<vmem>>[vector<16xi32>, vector<16xi32>], vector<16xf32>,
    %gather3A_250 = tpu.vector_load_idx %arg14[%add3A_248, %and3A_229] : memref<2048x8xf32, #tpu.memory_space<vmem>>[vector<16xi32>, vector<16xi32>], vector<16xf32>,
    %mul3A_251 = arith.mulf %gather3A_249, %gather3A_250 : vector<16xf32>
    %add3A_252 = arith.addf %add3A_245, %mul3A_251 : vector<16xf32>
    %add3A_253 = arith.constant 1536 : i32
    %add3A_254 = vector.broadcast %add3A_253 : i32 to vector<16xi32>
    %add3A_255 = arith.addi %add3A_254, %add3A_219 : vector<16xi32>
    %gather3A_256 = tpu.vector_load_idx %arg13[%add3A_255, %and3A_224] : memref<2048x8xf32, #tpu.memory_space<vmem>>[vector<16xi32>, vector<16xi32>], vector<16xf32>,
    %gather3A_257 = tpu.vector_load_idx %arg14[%add3A_255, %and3A_229] : memref<2048x8xf32, #tpu.memory_space<vmem>>[vector<16xi32>, vector<16xi32>], vector<16xf32>,
    %mul3A_258 = arith.mulf %gather3A_256, %gather3A_257 : vector<16xf32>
    %add3A_259 = arith.addf %add3A_252, %mul3A_258 : vector<16xf32>
    %swap3A_260 = arith.constant 16 : index
    %swap3A_261 = tpu.vector_load %arg15[%swap3A_260] {strides = array<i32>} : memref<512xf32, #tpu.memory_space<vmem>>, vector<16xf32>,
    tpu.vector_store %arg15[%swap3A_260], %add3A_259 {strides = array<i32>} : memref<512xf32, #tpu.memory_space<vmem>>, vector<16xf32>,
    %add3A_262 = arith.constant 32 : i32
    %add3A_263 = vector.broadcast %add3A_262 : i32 to vector<16xi32>
    %add3A_264 = arith.addi %add3A_263, %iota3A : vector<16xi32>
    %get3A_265 = arith.constant 32 : index
    %get3A_266 = tpu.vector_load %arg9[%get3A_265] {strides = array<i32>} : memref<512xi32, #tpu.memory_space<vmem>>, vector<16xi32>,
    %and3A_267 = arith.constant 7 : i32
    %and3A_268 = vector.broadcast %and3A_267 : i32 to vector<16xi32>
    %and3A_269 = arith.andi %get3A_266, %and3A_268 : vector<16xi32>
    %get3A_270 = arith.constant 32 : index
    %get3A_271 = tpu.vector_load %arg11[%get3A_270] {strides = array<i32>} : memref<512xi32, #tpu.memory_space<vmem>>, vector<16xi32>,
    %and3A_272 = arith.constant 7 : i32
    %and3A_273 = vector.broadcast %and3A_272 : i32 to vector<16xi32>
    %and3A_274 = arith.andi %get3A_271, %and3A_273 : vector<16xi32>
    %broadcast_in_dim3A_275 = arith.constant 0.000000e+00 : f32
    %broadcast_in_dim3A_276 = vector.broadcast %broadcast_in_dim3A_275 : f32 to vector<16xf32>
    %add3A_277 = arith.constant 0 : i32
    %add3A_278 = vector.broadcast %add3A_277 : i32 to vector<16xi32>
    %add3A_279 = arith.addi %add3A_278, %add3A_264 : vector<16xi32>
    %gather3A_280 = tpu.vector_load_idx %arg13[%add3A_279, %and3A_269] : memref<2048x8xf32, #tpu.memory_space<vmem>>[vector<16xi32>, vector<16xi32>], vector<16xf32>,
    %gather3A_281 = tpu.vector_load_idx %arg14[%add3A_279, %and3A_274] : memref<2048x8xf32, #tpu.memory_space<vmem>>[vector<16xi32>, vector<16xi32>], vector<16xf32>,
    %mul3A_282 = arith.mulf %gather3A_280, %gather3A_281 : vector<16xf32>
    %add3A_283 = arith.addf %broadcast_in_dim3A_276, %mul3A_282 : vector<16xf32>
    %add3A_284 = arith.constant 512 : i32
    %add3A_285 = vector.broadcast %add3A_284 : i32 to vector<16xi32>
    %add3A_286 = arith.addi %add3A_285, %add3A_264 : vector<16xi32>
    %gather3A_287 = tpu.vector_load_idx %arg13[%add3A_286, %and3A_269] : memref<2048x8xf32, #tpu.memory_space<vmem>>[vector<16xi32>, vector<16xi32>], vector<16xf32>,
    %gather3A_288 = tpu.vector_load_idx %arg14[%add3A_286, %and3A_274] : memref<2048x8xf32, #tpu.memory_space<vmem>>[vector<16xi32>, vector<16xi32>], vector<16xf32>,
    %mul3A_289 = arith.mulf %gather3A_287, %gather3A_288 : vector<16xf32>
    %add3A_290 = arith.addf %add3A_283, %mul3A_289 : vector<16xf32>
    %add3A_291 = arith.constant 1024 : i32
    %add3A_292 = vector.broadcast %add3A_291 : i32 to vector<16xi32>
    %add3A_293 = arith.addi %add3A_292, %add3A_264 : vector<16xi32>
    %gather3A_294 = tpu.vector_load_idx %arg13[%add3A_293, %and3A_269] : memref<2048x8xf32, #tpu.memory_space<vmem>>[vector<16xi32>, vector<16xi32>], vector<16xf32>,
    %gather3A_295 = tpu.vector_load_idx %arg14[%add3A_293, %and3A_274] : memref<2048x8xf32, #tpu.memory_space<vmem>>[vector<16xi32>, vector<16xi32>], vector<16xf32>,
    %mul3A_296 = arith.mulf %gather3A_294, %gather3A_295 : vector<16xf32>
    %add3A_297 = arith.addf %add3A_290, %mul3A_296 : vector<16xf32>
    %add3A_298 = arith.constant 1536 : i32
    %add3A_299 = vector.broadcast %add3A_298 : i32 to vector<16xi32>
    %add3A_300 = arith.addi %add3A_299, %add3A_264 : vector<16xi32>
    %gather3A_301 = tpu.vector_load_idx %arg13[%add3A_300, %and3A_269] : memref<2048x8xf32, #tpu.memory_space<vmem>>[vector<16xi32>, vector<16xi32>], vector<16xf32>,
    %gather3A_302 = tpu.vector_load_idx %arg14[%add3A_300, %and3A_274] : memref<2048x8xf32, #tpu.memory_space<vmem>>[vector<16xi32>, vector<16xi32>], vector<16xf32>,
    %mul3A_303 = arith.mulf %gather3A_301, %gather3A_302 : vector<16xf32>
    %add3A_304 = arith.addf %add3A_297, %mul3A_303 : vector<16xf32>
    %swap3A_305 = arith.constant 32 : index
    %swap3A_306 = tpu.vector_load %arg15[%swap3A_305] {strides = array<i32>} : memref<512xf32, #tpu.memory_space<vmem>>, vector<16xf32>,
    tpu.vector_store %arg15[%swap3A_305], %add3A_304 {strides = array<i32>} : memref<512xf32, #tpu.memory_space<vmem>>, vector<16xf32>,
    %add3A_307 = arith.constant 48 : i32
    %add3A_308 = vector.broadcast %add3A_307 : i32 to vector<16xi32>
    %add3A_309 = arith.addi %add3A_308, %iota3A : vector<16xi32>
    %get3A_310 = arith.constant 48 : index
    %get3A_311 = tpu.vector_load %arg9[%get3A_310] {strides = array<i32>} : memref<512xi32, #tpu.memory_space<vmem>>, vector<16xi32>,
    %and3A_312 = arith.constant 7 : i32
    %and3A_313 = vector.broadcast %and3A_312 : i32 to vector<16xi32>
    %and3A_314 = arith.andi %get3A_311, %and3A_313 : vector<16xi32>
    %get3A_315 = arith.constant 48 : index
    %get3A_316 = tpu.vector_load %arg11[%get3A_315] {strides = array<i32>} : memref<512xi32, #tpu.memory_space<vmem>>, vector<16xi32>,
    %and3A_317 = arith.constant 7 : i32
    %and3A_318 = vector.broadcast %and3A_317 : i32 to vector<16xi32>
    %and3A_319 = arith.andi %get3A_316, %and3A_318 : vector<16xi32>
    %broadcast_in_dim3A_320 = arith.constant 0.000000e+00 : f32
    %broadcast_in_dim3A_321 = vector.broadcast %broadcast_in_dim3A_320 : f32 to vector<16xf32>
    %add3A_322 = arith.constant 0 : i32
    %add3A_323 = vector.broadcast %add3A_322 : i32 to vector<16xi32>
    %add3A_324 = arith.addi %add3A_323, %add3A_309 : vector<16xi32>
    %gather3A_325 = tpu.vector_load_idx %arg13[%add3A_324, %and3A_314] : memref<2048x8xf32, #tpu.memory_space<vmem>>[vector<16xi32>, vector<16xi32>], vector<16xf32>,
    %gather3A_326 = tpu.vector_load_idx %arg14[%add3A_324, %and3A_319] : memref<2048x8xf32, #tpu.memory_space<vmem>>[vector<16xi32>, vector<16xi32>], vector<16xf32>,
    %mul3A_327 = arith.mulf %gather3A_325, %gather3A_326 : vector<16xf32>
    %add3A_328 = arith.addf %broadcast_in_dim3A_321, %mul3A_327 : vector<16xf32>
    %add3A_329 = arith.constant 512 : i32
    %add3A_330 = vector.broadcast %add3A_329 : i32 to vector<16xi32>
    %add3A_331 = arith.addi %add3A_330, %add3A_309 : vector<16xi32>
    %gather3A_332 = tpu.vector_load_idx %arg13[%add3A_331, %and3A_314] : memref<2048x8xf32, #tpu.memory_space<vmem>>[vector<16xi32>, vector<16xi32>], vector<16xf32>,
    %gather3A_333 = tpu.vector_load_idx %arg14[%add3A_331, %and3A_319] : memref<2048x8xf32, #tpu.memory_space<vmem>>[vector<16xi32>, vector<16xi32>], vector<16xf32>,
    %mul3A_334 = arith.mulf %gather3A_332, %gather3A_333 : vector<16xf32>
    %add3A_335 = arith.addf %add3A_328, %mul3A_334 : vector<16xf32>
    %add3A_336 = arith.constant 1024 : i32
    %add3A_337 = vector.broadcast %add3A_336 : i32 to vector<16xi32>
    %add3A_338 = arith.addi %add3A_337, %add3A_309 : vector<16xi32>
    %gather3A_339 = tpu.vector_load_idx %arg13[%add3A_338, %and3A_314] : memref<2048x8xf32, #tpu.memory_space<vmem>>[vector<16xi32>, vector<16xi32>], vector<16xf32>,
    %gather3A_340 = tpu.vector_load_idx %arg14[%add3A_338, %and3A_319] : memref<2048x8xf32, #tpu.memory_space<vmem>>[vector<16xi32>, vector<16xi32>], vector<16xf32>,
    %mul3A_341 = arith.mulf %gather3A_339, %gather3A_340 : vector<16xf32>
    %add3A_342 = arith.addf %add3A_335, %mul3A_341 : vector<16xf32>
    %add3A_343 = arith.constant 1536 : i32
    %add3A_344 = vector.broadcast %add3A_343 : i32 to vector<16xi32>
    %add3A_345 = arith.addi %add3A_344, %add3A_309 : vector<16xi32>
    %gather3A_346 = tpu.vector_load_idx %arg13[%add3A_345, %and3A_314] : memref<2048x8xf32, #tpu.memory_space<vmem>>[vector<16xi32>, vector<16xi32>], vector<16xf32>,
    %gather3A_347 = tpu.vector_load_idx %arg14[%add3A_345, %and3A_319] : memref<2048x8xf32, #tpu.memory_space<vmem>>[vector<16xi32>, vector<16xi32>], vector<16xf32>,
    %mul3A_348 = arith.mulf %gather3A_346, %gather3A_347 : vector<16xf32>
    %add3A_349 = arith.addf %add3A_342, %mul3A_348 : vector<16xf32>
    %swap3A_350 = arith.constant 48 : index
    %swap3A_351 = tpu.vector_load %arg15[%swap3A_350] {strides = array<i32>} : memref<512xf32, #tpu.memory_space<vmem>>, vector<16xf32>,
    tpu.vector_store %arg15[%swap3A_350], %add3A_349 {strides = array<i32>} : memref<512xf32, #tpu.memory_space<vmem>>, vector<16xf32>,
    %add3A_352 = arith.constant 64 : i32
    %add3A_353 = vector.broadcast %add3A_352 : i32 to vector<16xi32>
    %add3A_354 = arith.addi %add3A_353, %iota3A : vector<16xi32>
    %get3A_355 = arith.constant 64 : index
    %get3A_356 = tpu.vector_load %arg9[%get3A_355] {strides = array<i32>} : memref<512xi32, #tpu.memory_space<vmem>>, vector<16xi32>,
    %and3A_357 = arith.constant 7 : i32
    %and3A_358 = vector.broadcast %and3A_357 : i32 to vector<16xi32>
    %and3A_359 = arith.andi %get3A_356, %and3A_358 : vector<16xi32>
    %get3A_360 = arith.constant 64 : index
    %get3A_361 = tpu.vector_load %arg11[%get3A_360] {strides = array<i32>} : memref<512xi32, #tpu.memory_space<vmem>>, vector<16xi32>,
    %and3A_362 = arith.constant 7 : i32
    %and3A_363 = vector.broadcast %and3A_362 : i32 to vector<16xi32>
    %and3A_364 = arith.andi %get3A_361, %and3A_363 : vector<16xi32>
    %broadcast_in_dim3A_365 = arith.constant 0.000000e+00 : f32
    %broadcast_in_dim3A_366 = vector.broadcast %broadcast_in_dim3A_365 : f32 to vector<16xf32>
    %add3A_367 = arith.constant 0 : i32
    %add3A_368 = vector.broadcast %add3A_367 : i32 to vector<16xi32>
    %add3A_369 = arith.addi %add3A_368, %add3A_354 : vector<16xi32>
    %gather3A_370 = tpu.vector_load_idx %arg13[%add3A_369, %and3A_359] : memref<2048x8xf32, #tpu.memory_space<vmem>>[vector<16xi32>, vector<16xi32>], vector<16xf32>,
    %gather3A_371 = tpu.vector_load_idx %arg14[%add3A_369, %and3A_364] : memref<2048x8xf32, #tpu.memory_space<vmem>>[vector<16xi32>, vector<16xi32>], vector<16xf32>,
    %mul3A_372 = arith.mulf %gather3A_370, %gather3A_371 : vector<16xf32>
    %add3A_373 = arith.addf %broadcast_in_dim3A_366, %mul3A_372 : vector<16xf32>
    %add3A_374 = arith.constant 512 : i32
    %add3A_375 = vector.broadcast %add3A_374 : i32 to vector<16xi32>
    %add3A_376 = arith.addi %add3A_375, %add3A_354 : vector<16xi32>
    %gather3A_377 = tpu.vector_load_idx %arg13[%add3A_376, %and3A_359] : memref<2048x8xf32, #tpu.memory_space<vmem>>[vector<16xi32>, vector<16xi32>], vector<16xf32>,
    %gather3A_378 = tpu.vector_load_idx %arg14[%add3A_376, %and3A_364] : memref<2048x8xf32, #tpu.memory_space<vmem>>[vector<16xi32>, vector<16xi32>], vector<16xf32>,
    %mul3A_379 = arith.mulf %gather3A_377, %gather3A_378 : vector<16xf32>
    %add3A_380 = arith.addf %add3A_373, %mul3A_379 : vector<16xf32>
    %add3A_381 = arith.constant 1024 : i32
    %add3A_382 = vector.broadcast %add3A_381 : i32 to vector<16xi32>
    %add3A_383 = arith.addi %add3A_382, %add3A_354 : vector<16xi32>
    %gather3A_384 = tpu.vector_load_idx %arg13[%add3A_383, %and3A_359] : memref<2048x8xf32, #tpu.memory_space<vmem>>[vector<16xi32>, vector<16xi32>], vector<16xf32>,
    %gather3A_385 = tpu.vector_load_idx %arg14[%add3A_383, %and3A_364] : memref<2048x8xf32, #tpu.memory_space<vmem>>[vector<16xi32>, vector<16xi32>], vector<16xf32>,
    %mul3A_386 = arith.mulf %gather3A_384, %gather3A_385 : vector<16xf32>
    %add3A_387 = arith.addf %add3A_380, %mul3A_386 : vector<16xf32>
    %add3A_388 = arith.constant 1536 : i32
    %add3A_389 = vector.broadcast %add3A_388 : i32 to vector<16xi32>
    %add3A_390 = arith.addi %add3A_389, %add3A_354 : vector<16xi32>
    %gather3A_391 = tpu.vector_load_idx %arg13[%add3A_390, %and3A_359] : memref<2048x8xf32, #tpu.memory_space<vmem>>[vector<16xi32>, vector<16xi32>], vector<16xf32>,
    %gather3A_392 = tpu.vector_load_idx %arg14[%add3A_390, %and3A_364] : memref<2048x8xf32, #tpu.memory_space<vmem>>[vector<16xi32>, vector<16xi32>], vector<16xf32>,
    %mul3A_393 = arith.mulf %gather3A_391, %gather3A_392 : vector<16xf32>
    %add3A_394 = arith.addf %add3A_387, %mul3A_393 : vector<16xf32>
    %swap3A_395 = arith.constant 64 : index
    %swap3A_396 = tpu.vector_load %arg15[%swap3A_395] {strides = array<i32>} : memref<512xf32, #tpu.memory_space<vmem>>, vector<16xf32>,
    tpu.vector_store %arg15[%swap3A_395], %add3A_394 {strides = array<i32>} : memref<512xf32, #tpu.memory_space<vmem>>, vector<16xf32>,
    %add3A_397 = arith.constant 80 : i32
    %add3A_398 = vector.broadcast %add3A_397 : i32 to vector<16xi32>
    %add3A_399 = arith.addi %add3A_398, %iota3A : vector<16xi32>
    %get3A_400 = arith.constant 80 : index
    %get3A_401 = tpu.vector_load %arg9[%get3A_400] {strides = array<i32>} : memref<512xi32, #tpu.memory_space<vmem>>, vector<16xi32>,
    %and3A_402 = arith.constant 7 : i32
    %and3A_403 = vector.broadcast %and3A_402 : i32 to vector<16xi32>
    %and3A_404 = arith.andi %get3A_401, %and3A_403 : vector<16xi32>
    %get3A_405 = arith.constant 80 : index
    %get3A_406 = tpu.vector_load %arg11[%get3A_405] {strides = array<i32>} : memref<512xi32, #tpu.memory_space<vmem>>, vector<16xi32>,
    %and3A_407 = arith.constant 7 : i32
    %and3A_408 = vector.broadcast %and3A_407 : i32 to vector<16xi32>
    %and3A_409 = arith.andi %get3A_406, %and3A_408 : vector<16xi32>
    %broadcast_in_dim3A_410 = arith.constant 0.000000e+00 : f32
    %broadcast_in_dim3A_411 = vector.broadcast %broadcast_in_dim3A_410 : f32 to vector<16xf32>
    %add3A_412 = arith.constant 0 : i32
    %add3A_413 = vector.broadcast %add3A_412 : i32 to vector<16xi32>
    %add3A_414 = arith.addi %add3A_413, %add3A_399 : vector<16xi32>
    %gather3A_415 = tpu.vector_load_idx %arg13[%add3A_414, %and3A_404] : memref<2048x8xf32, #tpu.memory_space<vmem>>[vector<16xi32>, vector<16xi32>], vector<16xf32>,
    %gather3A_416 = tpu.vector_load_idx %arg14[%add3A_414, %and3A_409] : memref<2048x8xf32, #tpu.memory_space<vmem>>[vector<16xi32>, vector<16xi32>], vector<16xf32>,
    %mul3A_417 = arith.mulf %gather3A_415, %gather3A_416 : vector<16xf32>
    %add3A_418 = arith.addf %broadcast_in_dim3A_411, %mul3A_417 : vector<16xf32>
    %add3A_419 = arith.constant 512 : i32
    %add3A_420 = vector.broadcast %add3A_419 : i32 to vector<16xi32>
    %add3A_421 = arith.addi %add3A_420, %add3A_399 : vector<16xi32>
    %gather3A_422 = tpu.vector_load_idx %arg13[%add3A_421, %and3A_404] : memref<2048x8xf32, #tpu.memory_space<vmem>>[vector<16xi32>, vector<16xi32>], vector<16xf32>,
    %gather3A_423 = tpu.vector_load_idx %arg14[%add3A_421, %and3A_409] : memref<2048x8xf32, #tpu.memory_space<vmem>>[vector<16xi32>, vector<16xi32>], vector<16xf32>,
    %mul3A_424 = arith.mulf %gather3A_422, %gather3A_423 : vector<16xf32>
    %add3A_425 = arith.addf %add3A_418, %mul3A_424 : vector<16xf32>
    %add3A_426 = arith.constant 1024 : i32
    %add3A_427 = vector.broadcast %add3A_426 : i32 to vector<16xi32>
    %add3A_428 = arith.addi %add3A_427, %add3A_399 : vector<16xi32>
    %gather3A_429 = tpu.vector_load_idx %arg13[%add3A_428, %and3A_404] : memref<2048x8xf32, #tpu.memory_space<vmem>>[vector<16xi32>, vector<16xi32>], vector<16xf32>,
    %gather3A_430 = tpu.vector_load_idx %arg14[%add3A_428, %and3A_409] : memref<2048x8xf32, #tpu.memory_space<vmem>>[vector<16xi32>, vector<16xi32>], vector<16xf32>,
    %mul3A_431 = arith.mulf %gather3A_429, %gather3A_430 : vector<16xf32>
    %add3A_432 = arith.addf %add3A_425, %mul3A_431 : vector<16xf32>
    %add3A_433 = arith.constant 1536 : i32
    %add3A_434 = vector.broadcast %add3A_433 : i32 to vector<16xi32>
    %add3A_435 = arith.addi %add3A_434, %add3A_399 : vector<16xi32>
    %gather3A_436 = tpu.vector_load_idx %arg13[%add3A_435, %and3A_404] : memref<2048x8xf32, #tpu.memory_space<vmem>>[vector<16xi32>, vector<16xi32>], vector<16xf32>,
    %gather3A_437 = tpu.vector_load_idx %arg14[%add3A_435, %and3A_409] : memref<2048x8xf32, #tpu.memory_space<vmem>>[vector<16xi32>, vector<16xi32>], vector<16xf32>,
    %mul3A_438 = arith.mulf %gather3A_436, %gather3A_437 : vector<16xf32>
    %add3A_439 = arith.addf %add3A_432, %mul3A_438 : vector<16xf32>
    %swap3A_440 = arith.constant 80 : index
    %swap3A_441 = tpu.vector_load %arg15[%swap3A_440] {strides = array<i32>} : memref<512xf32, #tpu.memory_space<vmem>>, vector<16xf32>,
    tpu.vector_store %arg15[%swap3A_440], %add3A_439 {strides = array<i32>} : memref<512xf32, #tpu.memory_space<vmem>>, vector<16xf32>,
    %add3A_442 = arith.constant 96 : i32
    %add3A_443 = vector.broadcast %add3A_442 : i32 to vector<16xi32>
    %add3A_444 = arith.addi %add3A_443, %iota3A : vector<16xi32>
    %get3A_445 = arith.constant 96 : index
    %get3A_446 = tpu.vector_load %arg9[%get3A_445] {strides = array<i32>} : memref<512xi32, #tpu.memory_space<vmem>>, vector<16xi32>,
    %and3A_447 = arith.constant 7 : i32
    %and3A_448 = vector.broadcast %and3A_447 : i32 to vector<16xi32>
    %and3A_449 = arith.andi %get3A_446, %and3A_448 : vector<16xi32>
    %get3A_450 = arith.constant 96 : index
    %get3A_451 = tpu.vector_load %arg11[%get3A_450] {strides = array<i32>} : memref<512xi32, #tpu.memory_space<vmem>>, vector<16xi32>,
    %and3A_452 = arith.constant 7 : i32
    %and3A_453 = vector.broadcast %and3A_452 : i32 to vector<16xi32>
    %and3A_454 = arith.andi %get3A_451, %and3A_453 : vector<16xi32>
    %broadcast_in_dim3A_455 = arith.constant 0.000000e+00 : f32
    %broadcast_in_dim3A_456 = vector.broadcast %broadcast_in_dim3A_455 : f32 to vector<16xf32>
    %add3A_457 = arith.constant 0 : i32
    %add3A_458 = vector.broadcast %add3A_457 : i32 to vector<16xi32>
    %add3A_459 = arith.addi %add3A_458, %add3A_444 : vector<16xi32>
    %gather3A_460 = tpu.vector_load_idx %arg13[%add3A_459, %and3A_449] : memref<2048x8xf32, #tpu.memory_space<vmem>>[vector<16xi32>, vector<16xi32>], vector<16xf32>,
    %gather3A_461 = tpu.vector_load_idx %arg14[%add3A_459, %and3A_454] : memref<2048x8xf32, #tpu.memory_space<vmem>>[vector<16xi32>, vector<16xi32>], vector<16xf32>,
    %mul3A_462 = arith.mulf %gather3A_460, %gather3A_461 : vector<16xf32>
    %add3A_463 = arith.addf %broadcast_in_dim3A_456, %mul3A_462 : vector<16xf32>
    %add3A_464 = arith.constant 512 : i32
    %add3A_465 = vector.broadcast %add3A_464 : i32 to vector<16xi32>
    %add3A_466 = arith.addi %add3A_465, %add3A_444 : vector<16xi32>
    %gather3A_467 = tpu.vector_load_idx %arg13[%add3A_466, %and3A_449] : memref<2048x8xf32, #tpu.memory_space<vmem>>[vector<16xi32>, vector<16xi32>], vector<16xf32>,
    %gather3A_468 = tpu.vector_load_idx %arg14[%add3A_466, %and3A_454] : memref<2048x8xf32, #tpu.memory_space<vmem>>[vector<16xi32>, vector<16xi32>], vector<16xf32>,
    %mul3A_469 = arith.mulf %gather3A_467, %gather3A_468 : vector<16xf32>
    %add3A_470 = arith.addf %add3A_463, %mul3A_469 : vector<16xf32>
    %add3A_471 = arith.constant 1024 : i32
    %add3A_472 = vector.broadcast %add3A_471 : i32 to vector<16xi32>
    %add3A_473 = arith.addi %add3A_472, %add3A_444 : vector<16xi32>
    %gather3A_474 = tpu.vector_load_idx %arg13[%add3A_473, %and3A_449] : memref<2048x8xf32, #tpu.memory_space<vmem>>[vector<16xi32>, vector<16xi32>], vector<16xf32>,
    %gather3A_475 = tpu.vector_load_idx %arg14[%add3A_473, %and3A_454] : memref<2048x8xf32, #tpu.memory_space<vmem>>[vector<16xi32>, vector<16xi32>], vector<16xf32>,
    %mul3A_476 = arith.mulf %gather3A_474, %gather3A_475 : vector<16xf32>
    %add3A_477 = arith.addf %add3A_470, %mul3A_476 : vector<16xf32>
    %add3A_478 = arith.constant 1536 : i32
    %add3A_479 = vector.broadcast %add3A_478 : i32 to vector<16xi32>
    %add3A_480 = arith.addi %add3A_479, %add3A_444 : vector<16xi32>
    %gather3A_481 = tpu.vector_load_idx %arg13[%add3A_480, %and3A_449] : memref<2048x8xf32, #tpu.memory_space<vmem>>[vector<16xi32>, vector<16xi32>], vector<16xf32>,
    %gather3A_482 = tpu.vector_load_idx %arg14[%add3A_480, %and3A_454] : memref<2048x8xf32, #tpu.memory_space<vmem>>[vector<16xi32>, vector<16xi32>], vector<16xf32>,
    %mul3A_483 = arith.mulf %gather3A_481, %gather3A_482 : vector<16xf32>
    %add3A_484 = arith.addf %add3A_477, %mul3A_483 : vector<16xf32>
    %swap3A_485 = arith.constant 96 : index
    %swap3A_486 = tpu.vector_load %arg15[%swap3A_485] {strides = array<i32>} : memref<512xf32, #tpu.memory_space<vmem>>, vector<16xf32>,
    tpu.vector_store %arg15[%swap3A_485], %add3A_484 {strides = array<i32>} : memref<512xf32, #tpu.memory_space<vmem>>, vector<16xf32>,
    %add3A_487 = arith.constant 112 : i32
    %add3A_488 = vector.broadcast %add3A_487 : i32 to vector<16xi32>
    %add3A_489 = arith.addi %add3A_488, %iota3A : vector<16xi32>
    %get3A_490 = arith.constant 112 : index
    %get3A_491 = tpu.vector_load %arg9[%get3A_490] {strides = array<i32>} : memref<512xi32, #tpu.memory_space<vmem>>, vector<16xi32>,
    %and3A_492 = arith.constant 7 : i32
    %and3A_493 = vector.broadcast %and3A_492 : i32 to vector<16xi32>
    %and3A_494 = arith.andi %get3A_491, %and3A_493 : vector<16xi32>
    %get3A_495 = arith.constant 112 : index
    %get3A_496 = tpu.vector_load %arg11[%get3A_495] {strides = array<i32>} : memref<512xi32, #tpu.memory_space<vmem>>, vector<16xi32>,
    %and3A_497 = arith.constant 7 : i32
    %and3A_498 = vector.broadcast %and3A_497 : i32 to vector<16xi32>
    %and3A_499 = arith.andi %get3A_496, %and3A_498 : vector<16xi32>
    %broadcast_in_dim3A_500 = arith.constant 0.000000e+00 : f32
    %broadcast_in_dim3A_501 = vector.broadcast %broadcast_in_dim3A_500 : f32 to vector<16xf32>
    %add3A_502 = arith.constant 0 : i32
    %add3A_503 = vector.broadcast %add3A_502 : i32 to vector<16xi32>
    %add3A_504 = arith.addi %add3A_503, %add3A_489 : vector<16xi32>
    %gather3A_505 = tpu.vector_load_idx %arg13[%add3A_504, %and3A_494] : memref<2048x8xf32, #tpu.memory_space<vmem>>[vector<16xi32>, vector<16xi32>], vector<16xf32>,
    %gather3A_506 = tpu.vector_load_idx %arg14[%add3A_504, %and3A_499] : memref<2048x8xf32, #tpu.memory_space<vmem>>[vector<16xi32>, vector<16xi32>], vector<16xf32>,
    %mul3A_507 = arith.mulf %gather3A_505, %gather3A_506 : vector<16xf32>
    %add3A_508 = arith.addf %broadcast_in_dim3A_501, %mul3A_507 : vector<16xf32>
    %add3A_509 = arith.constant 512 : i32
    %add3A_510 = vector.broadcast %add3A_509 : i32 to vector<16xi32>
    %add3A_511 = arith.addi %add3A_510, %add3A_489 : vector<16xi32>
    %gather3A_512 = tpu.vector_load_idx %arg13[%add3A_511, %and3A_494] : memref<2048x8xf32, #tpu.memory_space<vmem>>[vector<16xi32>, vector<16xi32>], vector<16xf32>,
    %gather3A_513 = tpu.vector_load_idx %arg14[%add3A_511, %and3A_499] : memref<2048x8xf32, #tpu.memory_space<vmem>>[vector<16xi32>, vector<16xi32>], vector<16xf32>,
    %mul3A_514 = arith.mulf %gather3A_512, %gather3A_513 : vector<16xf32>
    %add3A_515 = arith.addf %add3A_508, %mul3A_514 : vector<16xf32>
    %add3A_516 = arith.constant 1024 : i32
    %add3A_517 = vector.broadcast %add3A_516 : i32 to vector<16xi32>
    %add3A_518 = arith.addi %add3A_517, %add3A_489 : vector<16xi32>
    %gather3A_519 = tpu.vector_load_idx %arg13[%add3A_518, %and3A_494] : memref<2048x8xf32, #tpu.memory_space<vmem>>[vector<16xi32>, vector<16xi32>], vector<16xf32>,
    %gather3A_520 = tpu.vector_load_idx %arg14[%add3A_518, %and3A_499] : memref<2048x8xf32, #tpu.memory_space<vmem>>[vector<16xi32>, vector<16xi32>], vector<16xf32>,
    %mul3A_521 = arith.mulf %gather3A_519, %gather3A_520 : vector<16xf32>
    %add3A_522 = arith.addf %add3A_515, %mul3A_521 : vector<16xf32>
    %add3A_523 = arith.constant 1536 : i32
    %add3A_524 = vector.broadcast %add3A_523 : i32 to vector<16xi32>
    %add3A_525 = arith.addi %add3A_524, %add3A_489 : vector<16xi32>
    %gather3A_526 = tpu.vector_load_idx %arg13[%add3A_525, %and3A_494] : memref<2048x8xf32, #tpu.memory_space<vmem>>[vector<16xi32>, vector<16xi32>], vector<16xf32>,
    %gather3A_527 = tpu.vector_load_idx %arg14[%add3A_525, %and3A_499] : memref<2048x8xf32, #tpu.memory_space<vmem>>[vector<16xi32>, vector<16xi32>], vector<16xf32>,
    %mul3A_528 = arith.mulf %gather3A_526, %gather3A_527 : vector<16xf32>
    %add3A_529 = arith.addf %add3A_522, %mul3A_528 : vector<16xf32>
    %swap3A_530 = arith.constant 112 : index
    %swap3A_531 = tpu.vector_load %arg15[%swap3A_530] {strides = array<i32>} : memref<512xf32, #tpu.memory_space<vmem>>, vector<16xf32>,
    tpu.vector_store %arg15[%swap3A_530], %add3A_529 {strides = array<i32>} : memref<512xf32, #tpu.memory_space<vmem>>, vector<16xf32>,
    %add3A_532 = arith.constant 128 : i32
    %add3A_533 = vector.broadcast %add3A_532 : i32 to vector<16xi32>
    %add3A_534 = arith.addi %add3A_533, %iota3A : vector<16xi32>
    %get3A_535 = arith.constant 128 : index
    %get3A_536 = tpu.vector_load %arg9[%get3A_535] {strides = array<i32>} : memref<512xi32, #tpu.memory_space<vmem>>, vector<16xi32>,
    %and3A_537 = arith.constant 7 : i32
    %and3A_538 = vector.broadcast %and3A_537 : i32 to vector<16xi32>
    %and3A_539 = arith.andi %get3A_536, %and3A_538 : vector<16xi32>
    %get3A_540 = arith.constant 128 : index
    %get3A_541 = tpu.vector_load %arg11[%get3A_540] {strides = array<i32>} : memref<512xi32, #tpu.memory_space<vmem>>, vector<16xi32>,
    %and3A_542 = arith.constant 7 : i32
    %and3A_543 = vector.broadcast %and3A_542 : i32 to vector<16xi32>
    %and3A_544 = arith.andi %get3A_541, %and3A_543 : vector<16xi32>
    %broadcast_in_dim3A_545 = arith.constant 0.000000e+00 : f32
    %broadcast_in_dim3A_546 = vector.broadcast %broadcast_in_dim3A_545 : f32 to vector<16xf32>
    %add3A_547 = arith.constant 0 : i32
    %add3A_548 = vector.broadcast %add3A_547 : i32 to vector<16xi32>
    %add3A_549 = arith.addi %add3A_548, %add3A_534 : vector<16xi32>
    %gather3A_550 = tpu.vector_load_idx %arg13[%add3A_549, %and3A_539] : memref<2048x8xf32, #tpu.memory_space<vmem>>[vector<16xi32>, vector<16xi32>], vector<16xf32>,
    %gather3A_551 = tpu.vector_load_idx %arg14[%add3A_549, %and3A_544] : memref<2048x8xf32, #tpu.memory_space<vmem>>[vector<16xi32>, vector<16xi32>], vector<16xf32>,
    %mul3A_552 = arith.mulf %gather3A_550, %gather3A_551 : vector<16xf32>
    %add3A_553 = arith.addf %broadcast_in_dim3A_546, %mul3A_552 : vector<16xf32>
    %add3A_554 = arith.constant 512 : i32
    %add3A_555 = vector.broadcast %add3A_554 : i32 to vector<16xi32>
    %add3A_556 = arith.addi %add3A_555, %add3A_534 : vector<16xi32>
    %gather3A_557 = tpu.vector_load_idx %arg13[%add3A_556, %and3A_539] : memref<2048x8xf32, #tpu.memory_space<vmem>>[vector<16xi32>, vector<16xi32>], vector<16xf32>,
    %gather3A_558 = tpu.vector_load_idx %arg14[%add3A_556, %and3A_544] : memref<2048x8xf32, #tpu.memory_space<vmem>>[vector<16xi32>, vector<16xi32>], vector<16xf32>,
    %mul3A_559 = arith.mulf %gather3A_557, %gather3A_558 : vector<16xf32>
    %add3A_560 = arith.addf %add3A_553, %mul3A_559 : vector<16xf32>
    %add3A_561 = arith.constant 1024 : i32
    %add3A_562 = vector.broadcast %add3A_561 : i32 to vector<16xi32>
    %add3A_563 = arith.addi %add3A_562, %add3A_534 : vector<16xi32>
    %gather3A_564 = tpu.vector_load_idx %arg13[%add3A_563, %and3A_539] : memref<2048x8xf32, #tpu.memory_space<vmem>>[vector<16xi32>, vector<16xi32>], vector<16xf32>,
    %gather3A_565 = tpu.vector_load_idx %arg14[%add3A_563, %and3A_544] : memref<2048x8xf32, #tpu.memory_space<vmem>>[vector<16xi32>, vector<16xi32>], vector<16xf32>,
    %mul3A_566 = arith.mulf %gather3A_564, %gather3A_565 : vector<16xf32>
    %add3A_567 = arith.addf %add3A_560, %mul3A_566 : vector<16xf32>
    %add3A_568 = arith.constant 1536 : i32
    %add3A_569 = vector.broadcast %add3A_568 : i32 to vector<16xi32>
    %add3A_570 = arith.addi %add3A_569, %add3A_534 : vector<16xi32>
    %gather3A_571 = tpu.vector_load_idx %arg13[%add3A_570, %and3A_539] : memref<2048x8xf32, #tpu.memory_space<vmem>>[vector<16xi32>, vector<16xi32>], vector<16xf32>,
    %gather3A_572 = tpu.vector_load_idx %arg14[%add3A_570, %and3A_544] : memref<2048x8xf32, #tpu.memory_space<vmem>>[vector<16xi32>, vector<16xi32>], vector<16xf32>,
    %mul3A_573 = arith.mulf %gather3A_571, %gather3A_572 : vector<16xf32>
    %add3A_574 = arith.addf %add3A_567, %mul3A_573 : vector<16xf32>
    %swap3A_575 = arith.constant 128 : index
    %swap3A_576 = tpu.vector_load %arg15[%swap3A_575] {strides = array<i32>} : memref<512xf32, #tpu.memory_space<vmem>>, vector<16xf32>,
    tpu.vector_store %arg15[%swap3A_575], %add3A_574 {strides = array<i32>} : memref<512xf32, #tpu.memory_space<vmem>>, vector<16xf32>,
    %add3A_577 = arith.constant 144 : i32
    %add3A_578 = vector.broadcast %add3A_577 : i32 to vector<16xi32>
    %add3A_579 = arith.addi %add3A_578, %iota3A : vector<16xi32>
    %get3A_580 = arith.constant 144 : index
    %get3A_581 = tpu.vector_load %arg9[%get3A_580] {strides = array<i32>} : memref<512xi32, #tpu.memory_space<vmem>>, vector<16xi32>,
    %and3A_582 = arith.constant 7 : i32
    %and3A_583 = vector.broadcast %and3A_582 : i32 to vector<16xi32>
    %and3A_584 = arith.andi %get3A_581, %and3A_583 : vector<16xi32>
    %get3A_585 = arith.constant 144 : index
    %get3A_586 = tpu.vector_load %arg11[%get3A_585] {strides = array<i32>} : memref<512xi32, #tpu.memory_space<vmem>>, vector<16xi32>,
    %and3A_587 = arith.constant 7 : i32
    %and3A_588 = vector.broadcast %and3A_587 : i32 to vector<16xi32>
    %and3A_589 = arith.andi %get3A_586, %and3A_588 : vector<16xi32>
    %broadcast_in_dim3A_590 = arith.constant 0.000000e+00 : f32
    %broadcast_in_dim3A_591 = vector.broadcast %broadcast_in_dim3A_590 : f32 to vector<16xf32>
    %add3A_592 = arith.constant 0 : i32
    %add3A_593 = vector.broadcast %add3A_592 : i32 to vector<16xi32>
    %add3A_594 = arith.addi %add3A_593, %add3A_579 : vector<16xi32>
    %gather3A_595 = tpu.vector_load_idx %arg13[%add3A_594, %and3A_584] : memref<2048x8xf32, #tpu.memory_space<vmem>>[vector<16xi32>, vector<16xi32>], vector<16xf32>,
    %gather3A_596 = tpu.vector_load_idx %arg14[%add3A_594, %and3A_589] : memref<2048x8xf32, #tpu.memory_space<vmem>>[vector<16xi32>, vector<16xi32>], vector<16xf32>,
    %mul3A_597 = arith.mulf %gather3A_595, %gather3A_596 : vector<16xf32>
    %add3A_598 = arith.addf %broadcast_in_dim3A_591, %mul3A_597 : vector<16xf32>
    %add3A_599 = arith.constant 512 : i32
    %add3A_600 = vector.broadcast %add3A_599 : i32 to vector<16xi32>
    %add3A_601 = arith.addi %add3A_600, %add3A_579 : vector<16xi32>
    %gather3A_602 = tpu.vector_load_idx %arg13[%add3A_601, %and3A_584] : memref<2048x8xf32, #tpu.memory_space<vmem>>[vector<16xi32>, vector<16xi32>], vector<16xf32>,
    %gather3A_603 = tpu.vector_load_idx %arg14[%add3A_601, %and3A_589] : memref<2048x8xf32, #tpu.memory_space<vmem>>[vector<16xi32>, vector<16xi32>], vector<16xf32>,
    %mul3A_604 = arith.mulf %gather3A_602, %gather3A_603 : vector<16xf32>
    %add3A_605 = arith.addf %add3A_598, %mul3A_604 : vector<16xf32>
    %add3A_606 = arith.constant 1024 : i32
    %add3A_607 = vector.broadcast %add3A_606 : i32 to vector<16xi32>
    %add3A_608 = arith.addi %add3A_607, %add3A_579 : vector<16xi32>
    %gather3A_609 = tpu.vector_load_idx %arg13[%add3A_608, %and3A_584] : memref<2048x8xf32, #tpu.memory_space<vmem>>[vector<16xi32>, vector<16xi32>], vector<16xf32>,
    %gather3A_610 = tpu.vector_load_idx %arg14[%add3A_608, %and3A_589] : memref<2048x8xf32, #tpu.memory_space<vmem>>[vector<16xi32>, vector<16xi32>], vector<16xf32>,
    %mul3A_611 = arith.mulf %gather3A_609, %gather3A_610 : vector<16xf32>
    %add3A_612 = arith.addf %add3A_605, %mul3A_611 : vector<16xf32>
    %add3A_613 = arith.constant 1536 : i32
    %add3A_614 = vector.broadcast %add3A_613 : i32 to vector<16xi32>
    %add3A_615 = arith.addi %add3A_614, %add3A_579 : vector<16xi32>
    %gather3A_616 = tpu.vector_load_idx %arg13[%add3A_615, %and3A_584] : memref<2048x8xf32, #tpu.memory_space<vmem>>[vector<16xi32>, vector<16xi32>], vector<16xf32>,
    %gather3A_617 = tpu.vector_load_idx %arg14[%add3A_615, %and3A_589] : memref<2048x8xf32, #tpu.memory_space<vmem>>[vector<16xi32>, vector<16xi32>], vector<16xf32>,
    %mul3A_618 = arith.mulf %gather3A_616, %gather3A_617 : vector<16xf32>
    %add3A_619 = arith.addf %add3A_612, %mul3A_618 : vector<16xf32>
    %swap3A_620 = arith.constant 144 : index
    %swap3A_621 = tpu.vector_load %arg15[%swap3A_620] {strides = array<i32>} : memref<512xf32, #tpu.memory_space<vmem>>, vector<16xf32>,
    tpu.vector_store %arg15[%swap3A_620], %add3A_619 {strides = array<i32>} : memref<512xf32, #tpu.memory_space<vmem>>, vector<16xf32>,
    %add3A_622 = arith.constant 160 : i32
    %add3A_623 = vector.broadcast %add3A_622 : i32 to vector<16xi32>
    %add3A_624 = arith.addi %add3A_623, %iota3A : vector<16xi32>
    %get3A_625 = arith.constant 160 : index
    %get3A_626 = tpu.vector_load %arg9[%get3A_625] {strides = array<i32>} : memref<512xi32, #tpu.memory_space<vmem>>, vector<16xi32>,
    %and3A_627 = arith.constant 7 : i32
    %and3A_628 = vector.broadcast %and3A_627 : i32 to vector<16xi32>
    %and3A_629 = arith.andi %get3A_626, %and3A_628 : vector<16xi32>
    %get3A_630 = arith.constant 160 : index
    %get3A_631 = tpu.vector_load %arg11[%get3A_630] {strides = array<i32>} : memref<512xi32, #tpu.memory_space<vmem>>, vector<16xi32>,
    %and3A_632 = arith.constant 7 : i32
    %and3A_633 = vector.broadcast %and3A_632 : i32 to vector<16xi32>
    %and3A_634 = arith.andi %get3A_631, %and3A_633 : vector<16xi32>
    %broadcast_in_dim3A_635 = arith.constant 0.000000e+00 : f32
    %broadcast_in_dim3A_636 = vector.broadcast %broadcast_in_dim3A_635 : f32 to vector<16xf32>
    %add3A_637 = arith.constant 0 : i32
    %add3A_638 = vector.broadcast %add3A_637 : i32 to vector<16xi32>
    %add3A_639 = arith.addi %add3A_638, %add3A_624 : vector<16xi32>
    %gather3A_640 = tpu.vector_load_idx %arg13[%add3A_639, %and3A_629] : memref<2048x8xf32, #tpu.memory_space<vmem>>[vector<16xi32>, vector<16xi32>], vector<16xf32>,
    %gather3A_641 = tpu.vector_load_idx %arg14[%add3A_639, %and3A_634] : memref<2048x8xf32, #tpu.memory_space<vmem>>[vector<16xi32>, vector<16xi32>], vector<16xf32>,
    %mul3A_642 = arith.mulf %gather3A_640, %gather3A_641 : vector<16xf32>
    %add3A_643 = arith.addf %broadcast_in_dim3A_636, %mul3A_642 : vector<16xf32>
    %add3A_644 = arith.constant 512 : i32
    %add3A_645 = vector.broadcast %add3A_644 : i32 to vector<16xi32>
    %add3A_646 = arith.addi %add3A_645, %add3A_624 : vector<16xi32>
    %gather3A_647 = tpu.vector_load_idx %arg13[%add3A_646, %and3A_629] : memref<2048x8xf32, #tpu.memory_space<vmem>>[vector<16xi32>, vector<16xi32>], vector<16xf32>,
    %gather3A_648 = tpu.vector_load_idx %arg14[%add3A_646, %and3A_634] : memref<2048x8xf32, #tpu.memory_space<vmem>>[vector<16xi32>, vector<16xi32>], vector<16xf32>,
    %mul3A_649 = arith.mulf %gather3A_647, %gather3A_648 : vector<16xf32>
    %add3A_650 = arith.addf %add3A_643, %mul3A_649 : vector<16xf32>
    %add3A_651 = arith.constant 1024 : i32
    %add3A_652 = vector.broadcast %add3A_651 : i32 to vector<16xi32>
    %add3A_653 = arith.addi %add3A_652, %add3A_624 : vector<16xi32>
    %gather3A_654 = tpu.vector_load_idx %arg13[%add3A_653, %and3A_629] : memref<2048x8xf32, #tpu.memory_space<vmem>>[vector<16xi32>, vector<16xi32>], vector<16xf32>,
    %gather3A_655 = tpu.vector_load_idx %arg14[%add3A_653, %and3A_634] : memref<2048x8xf32, #tpu.memory_space<vmem>>[vector<16xi32>, vector<16xi32>], vector<16xf32>,
    %mul3A_656 = arith.mulf %gather3A_654, %gather3A_655 : vector<16xf32>
    %add3A_657 = arith.addf %add3A_650, %mul3A_656 : vector<16xf32>
    %add3A_658 = arith.constant 1536 : i32
    %add3A_659 = vector.broadcast %add3A_658 : i32 to vector<16xi32>
    %add3A_660 = arith.addi %add3A_659, %add3A_624 : vector<16xi32>
    %gather3A_661 = tpu.vector_load_idx %arg13[%add3A_660, %and3A_629] : memref<2048x8xf32, #tpu.memory_space<vmem>>[vector<16xi32>, vector<16xi32>], vector<16xf32>,
    %gather3A_662 = tpu.vector_load_idx %arg14[%add3A_660, %and3A_634] : memref<2048x8xf32, #tpu.memory_space<vmem>>[vector<16xi32>, vector<16xi32>], vector<16xf32>,
    %mul3A_663 = arith.mulf %gather3A_661, %gather3A_662 : vector<16xf32>
    %add3A_664 = arith.addf %add3A_657, %mul3A_663 : vector<16xf32>
    %swap3A_665 = arith.constant 160 : index
    %swap3A_666 = tpu.vector_load %arg15[%swap3A_665] {strides = array<i32>} : memref<512xf32, #tpu.memory_space<vmem>>, vector<16xf32>,
    tpu.vector_store %arg15[%swap3A_665], %add3A_664 {strides = array<i32>} : memref<512xf32, #tpu.memory_space<vmem>>, vector<16xf32>,
    %add3A_667 = arith.constant 176 : i32
    %add3A_668 = vector.broadcast %add3A_667 : i32 to vector<16xi32>
    %add3A_669 = arith.addi %add3A_668, %iota3A : vector<16xi32>
    %get3A_670 = arith.constant 176 : index
    %get3A_671 = tpu.vector_load %arg9[%get3A_670] {strides = array<i32>} : memref<512xi32, #tpu.memory_space<vmem>>, vector<16xi32>,
    %and3A_672 = arith.constant 7 : i32
    %and3A_673 = vector.broadcast %and3A_672 : i32 to vector<16xi32>
    %and3A_674 = arith.andi %get3A_671, %and3A_673 : vector<16xi32>
    %get3A_675 = arith.constant 176 : index
    %get3A_676 = tpu.vector_load %arg11[%get3A_675] {strides = array<i32>} : memref<512xi32, #tpu.memory_space<vmem>>, vector<16xi32>,
    %and3A_677 = arith.constant 7 : i32
    %and3A_678 = vector.broadcast %and3A_677 : i32 to vector<16xi32>
    %and3A_679 = arith.andi %get3A_676, %and3A_678 : vector<16xi32>
    %broadcast_in_dim3A_680 = arith.constant 0.000000e+00 : f32
    %broadcast_in_dim3A_681 = vector.broadcast %broadcast_in_dim3A_680 : f32 to vector<16xf32>
    %add3A_682 = arith.constant 0 : i32
    %add3A_683 = vector.broadcast %add3A_682 : i32 to vector<16xi32>
    %add3A_684 = arith.addi %add3A_683, %add3A_669 : vector<16xi32>
    %gather3A_685 = tpu.vector_load_idx %arg13[%add3A_684, %and3A_674] : memref<2048x8xf32, #tpu.memory_space<vmem>>[vector<16xi32>, vector<16xi32>], vector<16xf32>,
    %gather3A_686 = tpu.vector_load_idx %arg14[%add3A_684, %and3A_679] : memref<2048x8xf32, #tpu.memory_space<vmem>>[vector<16xi32>, vector<16xi32>], vector<16xf32>,
    %mul3A_687 = arith.mulf %gather3A_685, %gather3A_686 : vector<16xf32>
    %add3A_688 = arith.addf %broadcast_in_dim3A_681, %mul3A_687 : vector<16xf32>
    %add3A_689 = arith.constant 512 : i32
    %add3A_690 = vector.broadcast %add3A_689 : i32 to vector<16xi32>
    %add3A_691 = arith.addi %add3A_690, %add3A_669 : vector<16xi32>
    %gather3A_692 = tpu.vector_load_idx %arg13[%add3A_691, %and3A_674] : memref<2048x8xf32, #tpu.memory_space<vmem>>[vector<16xi32>, vector<16xi32>], vector<16xf32>,
    %gather3A_693 = tpu.vector_load_idx %arg14[%add3A_691, %and3A_679] : memref<2048x8xf32, #tpu.memory_space<vmem>>[vector<16xi32>, vector<16xi32>], vector<16xf32>,
    %mul3A_694 = arith.mulf %gather3A_692, %gather3A_693 : vector<16xf32>
    %add3A_695 = arith.addf %add3A_688, %mul3A_694 : vector<16xf32>
    %add3A_696 = arith.constant 1024 : i32
    %add3A_697 = vector.broadcast %add3A_696 : i32 to vector<16xi32>
    %add3A_698 = arith.addi %add3A_697, %add3A_669 : vector<16xi32>
    %gather3A_699 = tpu.vector_load_idx %arg13[%add3A_698, %and3A_674] : memref<2048x8xf32, #tpu.memory_space<vmem>>[vector<16xi32>, vector<16xi32>], vector<16xf32>,
    %gather3A_700 = tpu.vector_load_idx %arg14[%add3A_698, %and3A_679] : memref<2048x8xf32, #tpu.memory_space<vmem>>[vector<16xi32>, vector<16xi32>], vector<16xf32>,
    %mul3A_701 = arith.mulf %gather3A_699, %gather3A_700 : vector<16xf32>
    %add3A_702 = arith.addf %add3A_695, %mul3A_701 : vector<16xf32>
    %add3A_703 = arith.constant 1536 : i32
    %add3A_704 = vector.broadcast %add3A_703 : i32 to vector<16xi32>
    %add3A_705 = arith.addi %add3A_704, %add3A_669 : vector<16xi32>
    %gather3A_706 = tpu.vector_load_idx %arg13[%add3A_705, %and3A_674] : memref<2048x8xf32, #tpu.memory_space<vmem>>[vector<16xi32>, vector<16xi32>], vector<16xf32>,
    %gather3A_707 = tpu.vector_load_idx %arg14[%add3A_705, %and3A_679] : memref<2048x8xf32, #tpu.memory_space<vmem>>[vector<16xi32>, vector<16xi32>], vector<16xf32>,
    %mul3A_708 = arith.mulf %gather3A_706, %gather3A_707 : vector<16xf32>
    %add3A_709 = arith.addf %add3A_702, %mul3A_708 : vector<16xf32>
    %swap3A_710 = arith.constant 176 : index
    %swap3A_711 = tpu.vector_load %arg15[%swap3A_710] {strides = array<i32>} : memref<512xf32, #tpu.memory_space<vmem>>, vector<16xf32>,
    tpu.vector_store %arg15[%swap3A_710], %add3A_709 {strides = array<i32>} : memref<512xf32, #tpu.memory_space<vmem>>, vector<16xf32>,
    %add3A_712 = arith.constant 192 : i32
    %add3A_713 = vector.broadcast %add3A_712 : i32 to vector<16xi32>
    %add3A_714 = arith.addi %add3A_713, %iota3A : vector<16xi32>
    %get3A_715 = arith.constant 192 : index
    %get3A_716 = tpu.vector_load %arg9[%get3A_715] {strides = array<i32>} : memref<512xi32, #tpu.memory_space<vmem>>, vector<16xi32>,
    %and3A_717 = arith.constant 7 : i32
    %and3A_718 = vector.broadcast %and3A_717 : i32 to vector<16xi32>
    %and3A_719 = arith.andi %get3A_716, %and3A_718 : vector<16xi32>
    %get3A_720 = arith.constant 192 : index
    %get3A_721 = tpu.vector_load %arg11[%get3A_720] {strides = array<i32>} : memref<512xi32, #tpu.memory_space<vmem>>, vector<16xi32>,
    %and3A_722 = arith.constant 7 : i32
    %and3A_723 = vector.broadcast %and3A_722 : i32 to vector<16xi32>
    %and3A_724 = arith.andi %get3A_721, %and3A_723 : vector<16xi32>
    %broadcast_in_dim3A_725 = arith.constant 0.000000e+00 : f32
    %broadcast_in_dim3A_726 = vector.broadcast %broadcast_in_dim3A_725 : f32 to vector<16xf32>
    %add3A_727 = arith.constant 0 : i32
    %add3A_728 = vector.broadcast %add3A_727 : i32 to vector<16xi32>
    %add3A_729 = arith.addi %add3A_728, %add3A_714 : vector<16xi32>
    %gather3A_730 = tpu.vector_load_idx %arg13[%add3A_729, %and3A_719] : memref<2048x8xf32, #tpu.memory_space<vmem>>[vector<16xi32>, vector<16xi32>], vector<16xf32>,
    %gather3A_731 = tpu.vector_load_idx %arg14[%add3A_729, %and3A_724] : memref<2048x8xf32, #tpu.memory_space<vmem>>[vector<16xi32>, vector<16xi32>], vector<16xf32>,
    %mul3A_732 = arith.mulf %gather3A_730, %gather3A_731 : vector<16xf32>
    %add3A_733 = arith.addf %broadcast_in_dim3A_726, %mul3A_732 : vector<16xf32>
    %add3A_734 = arith.constant 512 : i32
    %add3A_735 = vector.broadcast %add3A_734 : i32 to vector<16xi32>
    %add3A_736 = arith.addi %add3A_735, %add3A_714 : vector<16xi32>
    %gather3A_737 = tpu.vector_load_idx %arg13[%add3A_736, %and3A_719] : memref<2048x8xf32, #tpu.memory_space<vmem>>[vector<16xi32>, vector<16xi32>], vector<16xf32>,
    %gather3A_738 = tpu.vector_load_idx %arg14[%add3A_736, %and3A_724] : memref<2048x8xf32, #tpu.memory_space<vmem>>[vector<16xi32>, vector<16xi32>], vector<16xf32>,
    %mul3A_739 = arith.mulf %gather3A_737, %gather3A_738 : vector<16xf32>
    %add3A_740 = arith.addf %add3A_733, %mul3A_739 : vector<16xf32>
    %add3A_741 = arith.constant 1024 : i32
    %add3A_742 = vector.broadcast %add3A_741 : i32 to vector<16xi32>
    %add3A_743 = arith.addi %add3A_742, %add3A_714 : vector<16xi32>
    %gather3A_744 = tpu.vector_load_idx %arg13[%add3A_743, %and3A_719] : memref<2048x8xf32, #tpu.memory_space<vmem>>[vector<16xi32>, vector<16xi32>], vector<16xf32>,
    %gather3A_745 = tpu.vector_load_idx %arg14[%add3A_743, %and3A_724] : memref<2048x8xf32, #tpu.memory_space<vmem>>[vector<16xi32>, vector<16xi32>], vector<16xf32>,
    %mul3A_746 = arith.mulf %gather3A_744, %gather3A_745 : vector<16xf32>
    %add3A_747 = arith.addf %add3A_740, %mul3A_746 : vector<16xf32>
    %add3A_748 = arith.constant 1536 : i32
    %add3A_749 = vector.broadcast %add3A_748 : i32 to vector<16xi32>
    %add3A_750 = arith.addi %add3A_749, %add3A_714 : vector<16xi32>
    %gather3A_751 = tpu.vector_load_idx %arg13[%add3A_750, %and3A_719] : memref<2048x8xf32, #tpu.memory_space<vmem>>[vector<16xi32>, vector<16xi32>], vector<16xf32>,
    %gather3A_752 = tpu.vector_load_idx %arg14[%add3A_750, %and3A_724] : memref<2048x8xf32, #tpu.memory_space<vmem>>[vector<16xi32>, vector<16xi32>], vector<16xf32>,
    %mul3A_753 = arith.mulf %gather3A_751, %gather3A_752 : vector<16xf32>
    %add3A_754 = arith.addf %add3A_747, %mul3A_753 : vector<16xf32>
    %swap3A_755 = arith.constant 192 : index
    %swap3A_756 = tpu.vector_load %arg15[%swap3A_755] {strides = array<i32>} : memref<512xf32, #tpu.memory_space<vmem>>, vector<16xf32>,
    tpu.vector_store %arg15[%swap3A_755], %add3A_754 {strides = array<i32>} : memref<512xf32, #tpu.memory_space<vmem>>, vector<16xf32>,
    %add3A_757 = arith.constant 208 : i32
    %add3A_758 = vector.broadcast %add3A_757 : i32 to vector<16xi32>
    %add3A_759 = arith.addi %add3A_758, %iota3A : vector<16xi32>
    %get3A_760 = arith.constant 208 : index
    %get3A_761 = tpu.vector_load %arg9[%get3A_760] {strides = array<i32>} : memref<512xi32, #tpu.memory_space<vmem>>, vector<16xi32>,
    %and3A_762 = arith.constant 7 : i32
    %and3A_763 = vector.broadcast %and3A_762 : i32 to vector<16xi32>
    %and3A_764 = arith.andi %get3A_761, %and3A_763 : vector<16xi32>
    %get3A_765 = arith.constant 208 : index
    %get3A_766 = tpu.vector_load %arg11[%get3A_765] {strides = array<i32>} : memref<512xi32, #tpu.memory_space<vmem>>, vector<16xi32>,
    %and3A_767 = arith.constant 7 : i32
    %and3A_768 = vector.broadcast %and3A_767 : i32 to vector<16xi32>
    %and3A_769 = arith.andi %get3A_766, %and3A_768 : vector<16xi32>
    %broadcast_in_dim3A_770 = arith.constant 0.000000e+00 : f32
    %broadcast_in_dim3A_771 = vector.broadcast %broadcast_in_dim3A_770 : f32 to vector<16xf32>
    %add3A_772 = arith.constant 0 : i32
    %add3A_773 = vector.broadcast %add3A_772 : i32 to vector<16xi32>
    %add3A_774 = arith.addi %add3A_773, %add3A_759 : vector<16xi32>
    %gather3A_775 = tpu.vector_load_idx %arg13[%add3A_774, %and3A_764] : memref<2048x8xf32, #tpu.memory_space<vmem>>[vector<16xi32>, vector<16xi32>], vector<16xf32>,
    %gather3A_776 = tpu.vector_load_idx %arg14[%add3A_774, %and3A_769] : memref<2048x8xf32, #tpu.memory_space<vmem>>[vector<16xi32>, vector<16xi32>], vector<16xf32>,
    %mul3A_777 = arith.mulf %gather3A_775, %gather3A_776 : vector<16xf32>
    %add3A_778 = arith.addf %broadcast_in_dim3A_771, %mul3A_777 : vector<16xf32>
    %add3A_779 = arith.constant 512 : i32
    %add3A_780 = vector.broadcast %add3A_779 : i32 to vector<16xi32>
    %add3A_781 = arith.addi %add3A_780, %add3A_759 : vector<16xi32>
    %gather3A_782 = tpu.vector_load_idx %arg13[%add3A_781, %and3A_764] : memref<2048x8xf32, #tpu.memory_space<vmem>>[vector<16xi32>, vector<16xi32>], vector<16xf32>,
    %gather3A_783 = tpu.vector_load_idx %arg14[%add3A_781, %and3A_769] : memref<2048x8xf32, #tpu.memory_space<vmem>>[vector<16xi32>, vector<16xi32>], vector<16xf32>,
    %mul3A_784 = arith.mulf %gather3A_782, %gather3A_783 : vector<16xf32>
    %add3A_785 = arith.addf %add3A_778, %mul3A_784 : vector<16xf32>
    %add3A_786 = arith.constant 1024 : i32
    %add3A_787 = vector.broadcast %add3A_786 : i32 to vector<16xi32>
    %add3A_788 = arith.addi %add3A_787, %add3A_759 : vector<16xi32>
    %gather3A_789 = tpu.vector_load_idx %arg13[%add3A_788, %and3A_764] : memref<2048x8xf32, #tpu.memory_space<vmem>>[vector<16xi32>, vector<16xi32>], vector<16xf32>,
    %gather3A_790 = tpu.vector_load_idx %arg14[%add3A_788, %and3A_769] : memref<2048x8xf32, #tpu.memory_space<vmem>>[vector<16xi32>, vector<16xi32>], vector<16xf32>,
    %mul3A_791 = arith.mulf %gather3A_789, %gather3A_790 : vector<16xf32>
    %add3A_792 = arith.addf %add3A_785, %mul3A_791 : vector<16xf32>
    %add3A_793 = arith.constant 1536 : i32
    %add3A_794 = vector.broadcast %add3A_793 : i32 to vector<16xi32>
    %add3A_795 = arith.addi %add3A_794, %add3A_759 : vector<16xi32>
    %gather3A_796 = tpu.vector_load_idx %arg13[%add3A_795, %and3A_764] : memref<2048x8xf32, #tpu.memory_space<vmem>>[vector<16xi32>, vector<16xi32>], vector<16xf32>,
    %gather3A_797 = tpu.vector_load_idx %arg14[%add3A_795, %and3A_769] : memref<2048x8xf32, #tpu.memory_space<vmem>>[vector<16xi32>, vector<16xi32>], vector<16xf32>,
    %mul3A_798 = arith.mulf %gather3A_796, %gather3A_797 : vector<16xf32>
    %add3A_799 = arith.addf %add3A_792, %mul3A_798 : vector<16xf32>
    %swap3A_800 = arith.constant 208 : index
    %swap3A_801 = tpu.vector_load %arg15[%swap3A_800] {strides = array<i32>} : memref<512xf32, #tpu.memory_space<vmem>>, vector<16xf32>,
    tpu.vector_store %arg15[%swap3A_800], %add3A_799 {strides = array<i32>} : memref<512xf32, #tpu.memory_space<vmem>>, vector<16xf32>,
    %add3A_802 = arith.constant 224 : i32
    %add3A_803 = vector.broadcast %add3A_802 : i32 to vector<16xi32>
    %add3A_804 = arith.addi %add3A_803, %iota3A : vector<16xi32>
    %get3A_805 = arith.constant 224 : index
    %get3A_806 = tpu.vector_load %arg9[%get3A_805] {strides = array<i32>} : memref<512xi32, #tpu.memory_space<vmem>>, vector<16xi32>,
    %and3A_807 = arith.constant 7 : i32
    %and3A_808 = vector.broadcast %and3A_807 : i32 to vector<16xi32>
    %and3A_809 = arith.andi %get3A_806, %and3A_808 : vector<16xi32>
    %get3A_810 = arith.constant 224 : index
    %get3A_811 = tpu.vector_load %arg11[%get3A_810] {strides = array<i32>} : memref<512xi32, #tpu.memory_space<vmem>>, vector<16xi32>,
    %and3A_812 = arith.constant 7 : i32
    %and3A_813 = vector.broadcast %and3A_812 : i32 to vector<16xi32>
    %and3A_814 = arith.andi %get3A_811, %and3A_813 : vector<16xi32>
    %broadcast_in_dim3A_815 = arith.constant 0.000000e+00 : f32
    %broadcast_in_dim3A_816 = vector.broadcast %broadcast_in_dim3A_815 : f32 to vector<16xf32>
    %add3A_817 = arith.constant 0 : i32
    %add3A_818 = vector.broadcast %add3A_817 : i32 to vector<16xi32>
    %add3A_819 = arith.addi %add3A_818, %add3A_804 : vector<16xi32>
    %gather3A_820 = tpu.vector_load_idx %arg13[%add3A_819, %and3A_809] : memref<2048x8xf32, #tpu.memory_space<vmem>>[vector<16xi32>, vector<16xi32>], vector<16xf32>,
    %gather3A_821 = tpu.vector_load_idx %arg14[%add3A_819, %and3A_814] : memref<2048x8xf32, #tpu.memory_space<vmem>>[vector<16xi32>, vector<16xi32>], vector<16xf32>,
    %mul3A_822 = arith.mulf %gather3A_820, %gather3A_821 : vector<16xf32>
    %add3A_823 = arith.addf %broadcast_in_dim3A_816, %mul3A_822 : vector<16xf32>
    %add3A_824 = arith.constant 512 : i32
    %add3A_825 = vector.broadcast %add3A_824 : i32 to vector<16xi32>
    %add3A_826 = arith.addi %add3A_825, %add3A_804 : vector<16xi32>
    %gather3A_827 = tpu.vector_load_idx %arg13[%add3A_826, %and3A_809] : memref<2048x8xf32, #tpu.memory_space<vmem>>[vector<16xi32>, vector<16xi32>], vector<16xf32>,
    %gather3A_828 = tpu.vector_load_idx %arg14[%add3A_826, %and3A_814] : memref<2048x8xf32, #tpu.memory_space<vmem>>[vector<16xi32>, vector<16xi32>], vector<16xf32>,
    %mul3A_829 = arith.mulf %gather3A_827, %gather3A_828 : vector<16xf32>
    %add3A_830 = arith.addf %add3A_823, %mul3A_829 : vector<16xf32>
    %add3A_831 = arith.constant 1024 : i32
    %add3A_832 = vector.broadcast %add3A_831 : i32 to vector<16xi32>
    %add3A_833 = arith.addi %add3A_832, %add3A_804 : vector<16xi32>
    %gather3A_834 = tpu.vector_load_idx %arg13[%add3A_833, %and3A_809] : memref<2048x8xf32, #tpu.memory_space<vmem>>[vector<16xi32>, vector<16xi32>], vector<16xf32>,
    %gather3A_835 = tpu.vector_load_idx %arg14[%add3A_833, %and3A_814] : memref<2048x8xf32, #tpu.memory_space<vmem>>[vector<16xi32>, vector<16xi32>], vector<16xf32>,
    %mul3A_836 = arith.mulf %gather3A_834, %gather3A_835 : vector<16xf32>
    %add3A_837 = arith.addf %add3A_830, %mul3A_836 : vector<16xf32>
    %add3A_838 = arith.constant 1536 : i32
    %add3A_839 = vector.broadcast %add3A_838 : i32 to vector<16xi32>
    %add3A_840 = arith.addi %add3A_839, %add3A_804 : vector<16xi32>
    %gather3A_841 = tpu.vector_load_idx %arg13[%add3A_840, %and3A_809] : memref<2048x8xf32, #tpu.memory_space<vmem>>[vector<16xi32>, vector<16xi32>], vector<16xf32>,
    %gather3A_842 = tpu.vector_load_idx %arg14[%add3A_840, %and3A_814] : memref<2048x8xf32, #tpu.memory_space<vmem>>[vector<16xi32>, vector<16xi32>], vector<16xf32>,
    %mul3A_843 = arith.mulf %gather3A_841, %gather3A_842 : vector<16xf32>
    %add3A_844 = arith.addf %add3A_837, %mul3A_843 : vector<16xf32>
    %swap3A_845 = arith.constant 224 : index
    %swap3A_846 = tpu.vector_load %arg15[%swap3A_845] {strides = array<i32>} : memref<512xf32, #tpu.memory_space<vmem>>, vector<16xf32>,
    tpu.vector_store %arg15[%swap3A_845], %add3A_844 {strides = array<i32>} : memref<512xf32, #tpu.memory_space<vmem>>, vector<16xf32>,
    %add3A_847 = arith.constant 240 : i32
    %add3A_848 = vector.broadcast %add3A_847 : i32 to vector<16xi32>
    %add3A_849 = arith.addi %add3A_848, %iota3A : vector<16xi32>
    %get3A_850 = arith.constant 240 : index
    %get3A_851 = tpu.vector_load %arg9[%get3A_850] {strides = array<i32>} : memref<512xi32, #tpu.memory_space<vmem>>, vector<16xi32>,
    %and3A_852 = arith.constant 7 : i32
    %and3A_853 = vector.broadcast %and3A_852 : i32 to vector<16xi32>
    %and3A_854 = arith.andi %get3A_851, %and3A_853 : vector<16xi32>
    %get3A_855 = arith.constant 240 : index
    %get3A_856 = tpu.vector_load %arg11[%get3A_855] {strides = array<i32>} : memref<512xi32, #tpu.memory_space<vmem>>, vector<16xi32>,
    %and3A_857 = arith.constant 7 : i32
    %and3A_858 = vector.broadcast %and3A_857 : i32 to vector<16xi32>
    %and3A_859 = arith.andi %get3A_856, %and3A_858 : vector<16xi32>
    %broadcast_in_dim3A_860 = arith.constant 0.000000e+00 : f32
    %broadcast_in_dim3A_861 = vector.broadcast %broadcast_in_dim3A_860 : f32 to vector<16xf32>
    %add3A_862 = arith.constant 0 : i32
    %add3A_863 = vector.broadcast %add3A_862 : i32 to vector<16xi32>
    %add3A_864 = arith.addi %add3A_863, %add3A_849 : vector<16xi32>
    %gather3A_865 = tpu.vector_load_idx %arg13[%add3A_864, %and3A_854] : memref<2048x8xf32, #tpu.memory_space<vmem>>[vector<16xi32>, vector<16xi32>], vector<16xf32>,
    %gather3A_866 = tpu.vector_load_idx %arg14[%add3A_864, %and3A_859] : memref<2048x8xf32, #tpu.memory_space<vmem>>[vector<16xi32>, vector<16xi32>], vector<16xf32>,
    %mul3A_867 = arith.mulf %gather3A_865, %gather3A_866 : vector<16xf32>
    %add3A_868 = arith.addf %broadcast_in_dim3A_861, %mul3A_867 : vector<16xf32>
    %add3A_869 = arith.constant 512 : i32
    %add3A_870 = vector.broadcast %add3A_869 : i32 to vector<16xi32>
    %add3A_871 = arith.addi %add3A_870, %add3A_849 : vector<16xi32>
    %gather3A_872 = tpu.vector_load_idx %arg13[%add3A_871, %and3A_854] : memref<2048x8xf32, #tpu.memory_space<vmem>>[vector<16xi32>, vector<16xi32>], vector<16xf32>,
    %gather3A_873 = tpu.vector_load_idx %arg14[%add3A_871, %and3A_859] : memref<2048x8xf32, #tpu.memory_space<vmem>>[vector<16xi32>, vector<16xi32>], vector<16xf32>,
    %mul3A_874 = arith.mulf %gather3A_872, %gather3A_873 : vector<16xf32>
    %add3A_875 = arith.addf %add3A_868, %mul3A_874 : vector<16xf32>
    %add3A_876 = arith.constant 1024 : i32
    %add3A_877 = vector.broadcast %add3A_876 : i32 to vector<16xi32>
    %add3A_878 = arith.addi %add3A_877, %add3A_849 : vector<16xi32>
    %gather3A_879 = tpu.vector_load_idx %arg13[%add3A_878, %and3A_854] : memref<2048x8xf32, #tpu.memory_space<vmem>>[vector<16xi32>, vector<16xi32>], vector<16xf32>,
    %gather3A_880 = tpu.vector_load_idx %arg14[%add3A_878, %and3A_859] : memref<2048x8xf32, #tpu.memory_space<vmem>>[vector<16xi32>, vector<16xi32>], vector<16xf32>,
    %mul3A_881 = arith.mulf %gather3A_879, %gather3A_880 : vector<16xf32>
    %add3A_882 = arith.addf %add3A_875, %mul3A_881 : vector<16xf32>
    %add3A_883 = arith.constant 1536 : i32
    %add3A_884 = vector.broadcast %add3A_883 : i32 to vector<16xi32>
    %add3A_885 = arith.addi %add3A_884, %add3A_849 : vector<16xi32>
    %gather3A_886 = tpu.vector_load_idx %arg13[%add3A_885, %and3A_854] : memref<2048x8xf32, #tpu.memory_space<vmem>>[vector<16xi32>, vector<16xi32>], vector<16xf32>,
    %gather3A_887 = tpu.vector_load_idx %arg14[%add3A_885, %and3A_859] : memref<2048x8xf32, #tpu.memory_space<vmem>>[vector<16xi32>, vector<16xi32>], vector<16xf32>,
    %mul3A_888 = arith.mulf %gather3A_886, %gather3A_887 : vector<16xf32>
    %add3A_889 = arith.addf %add3A_882, %mul3A_888 : vector<16xf32>
    %swap3A_890 = arith.constant 240 : index
    %swap3A_891 = tpu.vector_load %arg15[%swap3A_890] {strides = array<i32>} : memref<512xf32, #tpu.memory_space<vmem>>, vector<16xf32>,
    tpu.vector_store %arg15[%swap3A_890], %add3A_889 {strides = array<i32>} : memref<512xf32, #tpu.memory_space<vmem>>, vector<16xf32>,
    %add3A_892 = arith.constant 256 : i32
    %add3A_893 = vector.broadcast %add3A_892 : i32 to vector<16xi32>
    %add3A_894 = arith.addi %add3A_893, %iota3A : vector<16xi32>
    %get3A_895 = arith.constant 256 : index
    %get3A_896 = tpu.vector_load %arg9[%get3A_895] {strides = array<i32>} : memref<512xi32, #tpu.memory_space<vmem>>, vector<16xi32>,
    %and3A_897 = arith.constant 7 : i32
    %and3A_898 = vector.broadcast %and3A_897 : i32 to vector<16xi32>
    %and3A_899 = arith.andi %get3A_896, %and3A_898 : vector<16xi32>
    %get3A_900 = arith.constant 256 : index
    %get3A_901 = tpu.vector_load %arg11[%get3A_900] {strides = array<i32>} : memref<512xi32, #tpu.memory_space<vmem>>, vector<16xi32>,
    %and3A_902 = arith.constant 7 : i32
    %and3A_903 = vector.broadcast %and3A_902 : i32 to vector<16xi32>
    %and3A_904 = arith.andi %get3A_901, %and3A_903 : vector<16xi32>
    %broadcast_in_dim3A_905 = arith.constant 0.000000e+00 : f32
    %broadcast_in_dim3A_906 = vector.broadcast %broadcast_in_dim3A_905 : f32 to vector<16xf32>
    %add3A_907 = arith.constant 0 : i32
    %add3A_908 = vector.broadcast %add3A_907 : i32 to vector<16xi32>
    %add3A_909 = arith.addi %add3A_908, %add3A_894 : vector<16xi32>
    %gather3A_910 = tpu.vector_load_idx %arg13[%add3A_909, %and3A_899] : memref<2048x8xf32, #tpu.memory_space<vmem>>[vector<16xi32>, vector<16xi32>], vector<16xf32>,
    %gather3A_911 = tpu.vector_load_idx %arg14[%add3A_909, %and3A_904] : memref<2048x8xf32, #tpu.memory_space<vmem>>[vector<16xi32>, vector<16xi32>], vector<16xf32>,
    %mul3A_912 = arith.mulf %gather3A_910, %gather3A_911 : vector<16xf32>
    %add3A_913 = arith.addf %broadcast_in_dim3A_906, %mul3A_912 : vector<16xf32>
    %add3A_914 = arith.constant 512 : i32
    %add3A_915 = vector.broadcast %add3A_914 : i32 to vector<16xi32>
    %add3A_916 = arith.addi %add3A_915, %add3A_894 : vector<16xi32>
    %gather3A_917 = tpu.vector_load_idx %arg13[%add3A_916, %and3A_899] : memref<2048x8xf32, #tpu.memory_space<vmem>>[vector<16xi32>, vector<16xi32>], vector<16xf32>,
    %gather3A_918 = tpu.vector_load_idx %arg14[%add3A_916, %and3A_904] : memref<2048x8xf32, #tpu.memory_space<vmem>>[vector<16xi32>, vector<16xi32>], vector<16xf32>,
    %mul3A_919 = arith.mulf %gather3A_917, %gather3A_918 : vector<16xf32>
    %add3A_920 = arith.addf %add3A_913, %mul3A_919 : vector<16xf32>
    %add3A_921 = arith.constant 1024 : i32
    %add3A_922 = vector.broadcast %add3A_921 : i32 to vector<16xi32>
    %add3A_923 = arith.addi %add3A_922, %add3A_894 : vector<16xi32>
    %gather3A_924 = tpu.vector_load_idx %arg13[%add3A_923, %and3A_899] : memref<2048x8xf32, #tpu.memory_space<vmem>>[vector<16xi32>, vector<16xi32>], vector<16xf32>,
    %gather3A_925 = tpu.vector_load_idx %arg14[%add3A_923, %and3A_904] : memref<2048x8xf32, #tpu.memory_space<vmem>>[vector<16xi32>, vector<16xi32>], vector<16xf32>,
    %mul3A_926 = arith.mulf %gather3A_924, %gather3A_925 : vector<16xf32>
    %add3A_927 = arith.addf %add3A_920, %mul3A_926 : vector<16xf32>
    %add3A_928 = arith.constant 1536 : i32
    %add3A_929 = vector.broadcast %add3A_928 : i32 to vector<16xi32>
    %add3A_930 = arith.addi %add3A_929, %add3A_894 : vector<16xi32>
    %gather3A_931 = tpu.vector_load_idx %arg13[%add3A_930, %and3A_899] : memref<2048x8xf32, #tpu.memory_space<vmem>>[vector<16xi32>, vector<16xi32>], vector<16xf32>,
    %gather3A_932 = tpu.vector_load_idx %arg14[%add3A_930, %and3A_904] : memref<2048x8xf32, #tpu.memory_space<vmem>>[vector<16xi32>, vector<16xi32>], vector<16xf32>,
    %mul3A_933 = arith.mulf %gather3A_931, %gather3A_932 : vector<16xf32>
    %add3A_934 = arith.addf %add3A_927, %mul3A_933 : vector<16xf32>
    %swap3A_935 = arith.constant 256 : index
    %swap3A_936 = tpu.vector_load %arg15[%swap3A_935] {strides = array<i32>} : memref<512xf32, #tpu.memory_space<vmem>>, vector<16xf32>,
    tpu.vector_store %arg15[%swap3A_935], %add3A_934 {strides = array<i32>} : memref<512xf32, #tpu.memory_space<vmem>>, vector<16xf32>,
    %add3A_937 = arith.constant 272 : i32
    %add3A_938 = vector.broadcast %add3A_937 : i32 to vector<16xi32>
    %add3A_939 = arith.addi %add3A_938, %iota3A : vector<16xi32>
    %get3A_940 = arith.constant 272 : index
    %get3A_941 = tpu.vector_load %arg9[%get3A_940] {strides = array<i32>} : memref<512xi32, #tpu.memory_space<vmem>>, vector<16xi32>,
    %and3A_942 = arith.constant 7 : i32
    %and3A_943 = vector.broadcast %and3A_942 : i32 to vector<16xi32>
    %and3A_944 = arith.andi %get3A_941, %and3A_943 : vector<16xi32>
    %get3A_945 = arith.constant 272 : index
    %get3A_946 = tpu.vector_load %arg11[%get3A_945] {strides = array<i32>} : memref<512xi32, #tpu.memory_space<vmem>>, vector<16xi32>,
    %and3A_947 = arith.constant 7 : i32
    %and3A_948 = vector.broadcast %and3A_947 : i32 to vector<16xi32>
    %and3A_949 = arith.andi %get3A_946, %and3A_948 : vector<16xi32>
    %broadcast_in_dim3A_950 = arith.constant 0.000000e+00 : f32
    %broadcast_in_dim3A_951 = vector.broadcast %broadcast_in_dim3A_950 : f32 to vector<16xf32>
    %add3A_952 = arith.constant 0 : i32
    %add3A_953 = vector.broadcast %add3A_952 : i32 to vector<16xi32>
    %add3A_954 = arith.addi %add3A_953, %add3A_939 : vector<16xi32>
    %gather3A_955 = tpu.vector_load_idx %arg13[%add3A_954, %and3A_944] : memref<2048x8xf32, #tpu.memory_space<vmem>>[vector<16xi32>, vector<16xi32>], vector<16xf32>,
    %gather3A_956 = tpu.vector_load_idx %arg14[%add3A_954, %and3A_949] : memref<2048x8xf32, #tpu.memory_space<vmem>>[vector<16xi32>, vector<16xi32>], vector<16xf32>,
    %mul3A_957 = arith.mulf %gather3A_955, %gather3A_956 : vector<16xf32>
    %add3A_958 = arith.addf %broadcast_in_dim3A_951, %mul3A_957 : vector<16xf32>
    %add3A_959 = arith.constant 512 : i32
    %add3A_960 = vector.broadcast %add3A_959 : i32 to vector<16xi32>
    %add3A_961 = arith.addi %add3A_960, %add3A_939 : vector<16xi32>
    %gather3A_962 = tpu.vector_load_idx %arg13[%add3A_961, %and3A_944] : memref<2048x8xf32, #tpu.memory_space<vmem>>[vector<16xi32>, vector<16xi32>], vector<16xf32>,
    %gather3A_963 = tpu.vector_load_idx %arg14[%add3A_961, %and3A_949] : memref<2048x8xf32, #tpu.memory_space<vmem>>[vector<16xi32>, vector<16xi32>], vector<16xf32>,
    %mul3A_964 = arith.mulf %gather3A_962, %gather3A_963 : vector<16xf32>
    %add3A_965 = arith.addf %add3A_958, %mul3A_964 : vector<16xf32>
    %add3A_966 = arith.constant 1024 : i32
    %add3A_967 = vector.broadcast %add3A_966 : i32 to vector<16xi32>
    %add3A_968 = arith.addi %add3A_967, %add3A_939 : vector<16xi32>
    %gather3A_969 = tpu.vector_load_idx %arg13[%add3A_968, %and3A_944] : memref<2048x8xf32, #tpu.memory_space<vmem>>[vector<16xi32>, vector<16xi32>], vector<16xf32>,
    %gather3A_970 = tpu.vector_load_idx %arg14[%add3A_968, %and3A_949] : memref<2048x8xf32, #tpu.memory_space<vmem>>[vector<16xi32>, vector<16xi32>], vector<16xf32>,
    %mul3A_971 = arith.mulf %gather3A_969, %gather3A_970 : vector<16xf32>
    %add3A_972 = arith.addf %add3A_965, %mul3A_971 : vector<16xf32>
    %add3A_973 = arith.constant 1536 : i32
    %add3A_974 = vector.broadcast %add3A_973 : i32 to vector<16xi32>
    %add3A_975 = arith.addi %add3A_974, %add3A_939 : vector<16xi32>
    %gather3A_976 = tpu.vector_load_idx %arg13[%add3A_975, %and3A_944] : memref<2048x8xf32, #tpu.memory_space<vmem>>[vector<16xi32>, vector<16xi32>], vector<16xf32>,
    %gather3A_977 = tpu.vector_load_idx %arg14[%add3A_975, %and3A_949] : memref<2048x8xf32, #tpu.memory_space<vmem>>[vector<16xi32>, vector<16xi32>], vector<16xf32>,
    %mul3A_978 = arith.mulf %gather3A_976, %gather3A_977 : vector<16xf32>
    %add3A_979 = arith.addf %add3A_972, %mul3A_978 : vector<16xf32>
    %swap3A_980 = arith.constant 272 : index
    %swap3A_981 = tpu.vector_load %arg15[%swap3A_980] {strides = array<i32>} : memref<512xf32, #tpu.memory_space<vmem>>, vector<16xf32>,
    tpu.vector_store %arg15[%swap3A_980], %add3A_979 {strides = array<i32>} : memref<512xf32, #tpu.memory_space<vmem>>, vector<16xf32>,
    %add3A_982 = arith.constant 288 : i32
    %add3A_983 = vector.broadcast %add3A_982 : i32 to vector<16xi32>
    %add3A_984 = arith.addi %add3A_983, %iota3A : vector<16xi32>
    %get3A_985 = arith.constant 288 : index
    %get3A_986 = tpu.vector_load %arg9[%get3A_985] {strides = array<i32>} : memref<512xi32, #tpu.memory_space<vmem>>, vector<16xi32>,
    %and3A_987 = arith.constant 7 : i32
    %and3A_988 = vector.broadcast %and3A_987 : i32 to vector<16xi32>
    %and3A_989 = arith.andi %get3A_986, %and3A_988 : vector<16xi32>
    %get3A_990 = arith.constant 288 : index
    %get3A_991 = tpu.vector_load %arg11[%get3A_990] {strides = array<i32>} : memref<512xi32, #tpu.memory_space<vmem>>, vector<16xi32>,
    %and3A_992 = arith.constant 7 : i32
    %and3A_993 = vector.broadcast %and3A_992 : i32 to vector<16xi32>
    %and3A_994 = arith.andi %get3A_991, %and3A_993 : vector<16xi32>
    %broadcast_in_dim3A_995 = arith.constant 0.000000e+00 : f32
    %broadcast_in_dim3A_996 = vector.broadcast %broadcast_in_dim3A_995 : f32 to vector<16xf32>
    %add3A_997 = arith.constant 0 : i32
    %add3A_998 = vector.broadcast %add3A_997 : i32 to vector<16xi32>
    %add3A_999 = arith.addi %add3A_998, %add3A_984 : vector<16xi32>
    %gather3A_1000 = tpu.vector_load_idx %arg13[%add3A_999, %and3A_989] : memref<2048x8xf32, #tpu.memory_space<vmem>>[vector<16xi32>, vector<16xi32>], vector<16xf32>,
    %gather3A_1001 = tpu.vector_load_idx %arg14[%add3A_999, %and3A_994] : memref<2048x8xf32, #tpu.memory_space<vmem>>[vector<16xi32>, vector<16xi32>], vector<16xf32>,
    %mul3A_1002 = arith.mulf %gather3A_1000, %gather3A_1001 : vector<16xf32>
    %add3A_1003 = arith.addf %broadcast_in_dim3A_996, %mul3A_1002 : vector<16xf32>
    %add3A_1004 = arith.constant 512 : i32
    %add3A_1005 = vector.broadcast %add3A_1004 : i32 to vector<16xi32>
    %add3A_1006 = arith.addi %add3A_1005, %add3A_984 : vector<16xi32>
    %gather3A_1007 = tpu.vector_load_idx %arg13[%add3A_1006, %and3A_989] : memref<2048x8xf32, #tpu.memory_space<vmem>>[vector<16xi32>, vector<16xi32>], vector<16xf32>,
    %gather3A_1008 = tpu.vector_load_idx %arg14[%add3A_1006, %and3A_994] : memref<2048x8xf32, #tpu.memory_space<vmem>>[vector<16xi32>, vector<16xi32>], vector<16xf32>,
    %mul3A_1009 = arith.mulf %gather3A_1007, %gather3A_1008 : vector<16xf32>
    %add3A_1010 = arith.addf %add3A_1003, %mul3A_1009 : vector<16xf32>
    %add3A_1011 = arith.constant 1024 : i32
    %add3A_1012 = vector.broadcast %add3A_1011 : i32 to vector<16xi32>
    %add3A_1013 = arith.addi %add3A_1012, %add3A_984 : vector<16xi32>
    %gather3A_1014 = tpu.vector_load_idx %arg13[%add3A_1013, %and3A_989] : memref<2048x8xf32, #tpu.memory_space<vmem>>[vector<16xi32>, vector<16xi32>], vector<16xf32>,
    %gather3A_1015 = tpu.vector_load_idx %arg14[%add3A_1013, %and3A_994] : memref<2048x8xf32, #tpu.memory_space<vmem>>[vector<16xi32>, vector<16xi32>], vector<16xf32>,
    %mul3A_1016 = arith.mulf %gather3A_1014, %gather3A_1015 : vector<16xf32>
    %add3A_1017 = arith.addf %add3A_1010, %mul3A_1016 : vector<16xf32>
    %add3A_1018 = arith.constant 1536 : i32
    %add3A_1019 = vector.broadcast %add3A_1018 : i32 to vector<16xi32>
    %add3A_1020 = arith.addi %add3A_1019, %add3A_984 : vector<16xi32>
    %gather3A_1021 = tpu.vector_load_idx %arg13[%add3A_1020, %and3A_989] : memref<2048x8xf32, #tpu.memory_space<vmem>>[vector<16xi32>, vector<16xi32>], vector<16xf32>,
    %gather3A_1022 = tpu.vector_load_idx %arg14[%add3A_1020, %and3A_994] : memref<2048x8xf32, #tpu.memory_space<vmem>>[vector<16xi32>, vector<16xi32>], vector<16xf32>,
    %mul3A_1023 = arith.mulf %gather3A_1021, %gather3A_1022 : vector<16xf32>
    %add3A_1024 = arith.addf %add3A_1017, %mul3A_1023 : vector<16xf32>
    %swap3A_1025 = arith.constant 288 : index
    %swap3A_1026 = tpu.vector_load %arg15[%swap3A_1025] {strides = array<i32>} : memref<512xf32, #tpu.memory_space<vmem>>, vector<16xf32>,
    tpu.vector_store %arg15[%swap3A_1025], %add3A_1024 {strides = array<i32>} : memref<512xf32, #tpu.memory_space<vmem>>, vector<16xf32>,
    %add3A_1027 = arith.constant 304 : i32
    %add3A_1028 = vector.broadcast %add3A_1027 : i32 to vector<16xi32>
    %add3A_1029 = arith.addi %add3A_1028, %iota3A : vector<16xi32>
    %get3A_1030 = arith.constant 304 : index
    %get3A_1031 = tpu.vector_load %arg9[%get3A_1030] {strides = array<i32>} : memref<512xi32, #tpu.memory_space<vmem>>, vector<16xi32>,
    %and3A_1032 = arith.constant 7 : i32
    %and3A_1033 = vector.broadcast %and3A_1032 : i32 to vector<16xi32>
    %and3A_1034 = arith.andi %get3A_1031, %and3A_1033 : vector<16xi32>
    %get3A_1035 = arith.constant 304 : index
    %get3A_1036 = tpu.vector_load %arg11[%get3A_1035] {strides = array<i32>} : memref<512xi32, #tpu.memory_space<vmem>>, vector<16xi32>,
    %and3A_1037 = arith.constant 7 : i32
    %and3A_1038 = vector.broadcast %and3A_1037 : i32 to vector<16xi32>
    %and3A_1039 = arith.andi %get3A_1036, %and3A_1038 : vector<16xi32>
    %broadcast_in_dim3A_1040 = arith.constant 0.000000e+00 : f32
    %broadcast_in_dim3A_1041 = vector.broadcast %broadcast_in_dim3A_1040 : f32 to vector<16xf32>
    %add3A_1042 = arith.constant 0 : i32
    %add3A_1043 = vector.broadcast %add3A_1042 : i32 to vector<16xi32>
    %add3A_1044 = arith.addi %add3A_1043, %add3A_1029 : vector<16xi32>
    %gather3A_1045 = tpu.vector_load_idx %arg13[%add3A_1044, %and3A_1034] : memref<2048x8xf32, #tpu.memory_space<vmem>>[vector<16xi32>, vector<16xi32>], vector<16xf32>,
    %gather3A_1046 = tpu.vector_load_idx %arg14[%add3A_1044, %and3A_1039] : memref<2048x8xf32, #tpu.memory_space<vmem>>[vector<16xi32>, vector<16xi32>], vector<16xf32>,
    %mul3A_1047 = arith.mulf %gather3A_1045, %gather3A_1046 : vector<16xf32>
    %add3A_1048 = arith.addf %broadcast_in_dim3A_1041, %mul3A_1047 : vector<16xf32>
    %add3A_1049 = arith.constant 512 : i32
    %add3A_1050 = vector.broadcast %add3A_1049 : i32 to vector<16xi32>
    %add3A_1051 = arith.addi %add3A_1050, %add3A_1029 : vector<16xi32>
    %gather3A_1052 = tpu.vector_load_idx %arg13[%add3A_1051, %and3A_1034] : memref<2048x8xf32, #tpu.memory_space<vmem>>[vector<16xi32>, vector<16xi32>], vector<16xf32>,
    %gather3A_1053 = tpu.vector_load_idx %arg14[%add3A_1051, %and3A_1039] : memref<2048x8xf32, #tpu.memory_space<vmem>>[vector<16xi32>, vector<16xi32>], vector<16xf32>,
    %mul3A_1054 = arith.mulf %gather3A_1052, %gather3A_1053 : vector<16xf32>
    %add3A_1055 = arith.addf %add3A_1048, %mul3A_1054 : vector<16xf32>
    %add3A_1056 = arith.constant 1024 : i32
    %add3A_1057 = vector.broadcast %add3A_1056 : i32 to vector<16xi32>
    %add3A_1058 = arith.addi %add3A_1057, %add3A_1029 : vector<16xi32>
    %gather3A_1059 = tpu.vector_load_idx %arg13[%add3A_1058, %and3A_1034] : memref<2048x8xf32, #tpu.memory_space<vmem>>[vector<16xi32>, vector<16xi32>], vector<16xf32>,
    %gather3A_1060 = tpu.vector_load_idx %arg14[%add3A_1058, %and3A_1039] : memref<2048x8xf32, #tpu.memory_space<vmem>>[vector<16xi32>, vector<16xi32>], vector<16xf32>,
    %mul3A_1061 = arith.mulf %gather3A_1059, %gather3A_1060 : vector<16xf32>
    %add3A_1062 = arith.addf %add3A_1055, %mul3A_1061 : vector<16xf32>
    %add3A_1063 = arith.constant 1536 : i32
    %add3A_1064 = vector.broadcast %add3A_1063 : i32 to vector<16xi32>
    %add3A_1065 = arith.addi %add3A_1064, %add3A_1029 : vector<16xi32>
    %gather3A_1066 = tpu.vector_load_idx %arg13[%add3A_1065, %and3A_1034] : memref<2048x8xf32, #tpu.memory_space<vmem>>[vector<16xi32>, vector<16xi32>], vector<16xf32>,
    %gather3A_1067 = tpu.vector_load_idx %arg14[%add3A_1065, %and3A_1039] : memref<2048x8xf32, #tpu.memory_space<vmem>>[vector<16xi32>, vector<16xi32>], vector<16xf32>,
    %mul3A_1068 = arith.mulf %gather3A_1066, %gather3A_1067 : vector<16xf32>
    %add3A_1069 = arith.addf %add3A_1062, %mul3A_1068 : vector<16xf32>
    %swap3A_1070 = arith.constant 304 : index
    %swap3A_1071 = tpu.vector_load %arg15[%swap3A_1070] {strides = array<i32>} : memref<512xf32, #tpu.memory_space<vmem>>, vector<16xf32>,
    tpu.vector_store %arg15[%swap3A_1070], %add3A_1069 {strides = array<i32>} : memref<512xf32, #tpu.memory_space<vmem>>, vector<16xf32>,
    %add3A_1072 = arith.constant 320 : i32
    %add3A_1073 = vector.broadcast %add3A_1072 : i32 to vector<16xi32>
    %add3A_1074 = arith.addi %add3A_1073, %iota3A : vector<16xi32>
    %get3A_1075 = arith.constant 320 : index
    %get3A_1076 = tpu.vector_load %arg9[%get3A_1075] {strides = array<i32>} : memref<512xi32, #tpu.memory_space<vmem>>, vector<16xi32>,
    %and3A_1077 = arith.constant 7 : i32
    %and3A_1078 = vector.broadcast %and3A_1077 : i32 to vector<16xi32>
    %and3A_1079 = arith.andi %get3A_1076, %and3A_1078 : vector<16xi32>
    %get3A_1080 = arith.constant 320 : index
    %get3A_1081 = tpu.vector_load %arg11[%get3A_1080] {strides = array<i32>} : memref<512xi32, #tpu.memory_space<vmem>>, vector<16xi32>,
    %and3A_1082 = arith.constant 7 : i32
    %and3A_1083 = vector.broadcast %and3A_1082 : i32 to vector<16xi32>
    %and3A_1084 = arith.andi %get3A_1081, %and3A_1083 : vector<16xi32>
    %broadcast_in_dim3A_1085 = arith.constant 0.000000e+00 : f32
    %broadcast_in_dim3A_1086 = vector.broadcast %broadcast_in_dim3A_1085 : f32 to vector<16xf32>
    %add3A_1087 = arith.constant 0 : i32
    %add3A_1088 = vector.broadcast %add3A_1087 : i32 to vector<16xi32>
    %add3A_1089 = arith.addi %add3A_1088, %add3A_1074 : vector<16xi32>
    %gather3A_1090 = tpu.vector_load_idx %arg13[%add3A_1089, %and3A_1079] : memref<2048x8xf32, #tpu.memory_space<vmem>>[vector<16xi32>, vector<16xi32>], vector<16xf32>,
    %gather3A_1091 = tpu.vector_load_idx %arg14[%add3A_1089, %and3A_1084] : memref<2048x8xf32, #tpu.memory_space<vmem>>[vector<16xi32>, vector<16xi32>], vector<16xf32>,
    %mul3A_1092 = arith.mulf %gather3A_1090, %gather3A_1091 : vector<16xf32>
    %add3A_1093 = arith.addf %broadcast_in_dim3A_1086, %mul3A_1092 : vector<16xf32>
    %add3A_1094 = arith.constant 512 : i32
    %add3A_1095 = vector.broadcast %add3A_1094 : i32 to vector<16xi32>
    %add3A_1096 = arith.addi %add3A_1095, %add3A_1074 : vector<16xi32>
    %gather3A_1097 = tpu.vector_load_idx %arg13[%add3A_1096, %and3A_1079] : memref<2048x8xf32, #tpu.memory_space<vmem>>[vector<16xi32>, vector<16xi32>], vector<16xf32>,
    %gather3A_1098 = tpu.vector_load_idx %arg14[%add3A_1096, %and3A_1084] : memref<2048x8xf32, #tpu.memory_space<vmem>>[vector<16xi32>, vector<16xi32>], vector<16xf32>,
    %mul3A_1099 = arith.mulf %gather3A_1097, %gather3A_1098 : vector<16xf32>
    %add3A_1100 = arith.addf %add3A_1093, %mul3A_1099 : vector<16xf32>
    %add3A_1101 = arith.constant 1024 : i32
    %add3A_1102 = vector.broadcast %add3A_1101 : i32 to vector<16xi32>
    %add3A_1103 = arith.addi %add3A_1102, %add3A_1074 : vector<16xi32>
    %gather3A_1104 = tpu.vector_load_idx %arg13[%add3A_1103, %and3A_1079] : memref<2048x8xf32, #tpu.memory_space<vmem>>[vector<16xi32>, vector<16xi32>], vector<16xf32>,
    %gather3A_1105 = tpu.vector_load_idx %arg14[%add3A_1103, %and3A_1084] : memref<2048x8xf32, #tpu.memory_space<vmem>>[vector<16xi32>, vector<16xi32>], vector<16xf32>,
    %mul3A_1106 = arith.mulf %gather3A_1104, %gather3A_1105 : vector<16xf32>
    %add3A_1107 = arith.addf %add3A_1100, %mul3A_1106 : vector<16xf32>
    %add3A_1108 = arith.constant 1536 : i32
    %add3A_1109 = vector.broadcast %add3A_1108 : i32 to vector<16xi32>
    %add3A_1110 = arith.addi %add3A_1109, %add3A_1074 : vector<16xi32>
    %gather3A_1111 = tpu.vector_load_idx %arg13[%add3A_1110, %and3A_1079] : memref<2048x8xf32, #tpu.memory_space<vmem>>[vector<16xi32>, vector<16xi32>], vector<16xf32>,
    %gather3A_1112 = tpu.vector_load_idx %arg14[%add3A_1110, %and3A_1084] : memref<2048x8xf32, #tpu.memory_space<vmem>>[vector<16xi32>, vector<16xi32>], vector<16xf32>,
    %mul3A_1113 = arith.mulf %gather3A_1111, %gather3A_1112 : vector<16xf32>
    %add3A_1114 = arith.addf %add3A_1107, %mul3A_1113 : vector<16xf32>
    %swap3A_1115 = arith.constant 320 : index
    %swap3A_1116 = tpu.vector_load %arg15[%swap3A_1115] {strides = array<i32>} : memref<512xf32, #tpu.memory_space<vmem>>, vector<16xf32>,
    tpu.vector_store %arg15[%swap3A_1115], %add3A_1114 {strides = array<i32>} : memref<512xf32, #tpu.memory_space<vmem>>, vector<16xf32>,
    %add3A_1117 = arith.constant 336 : i32
    %add3A_1118 = vector.broadcast %add3A_1117 : i32 to vector<16xi32>
    %add3A_1119 = arith.addi %add3A_1118, %iota3A : vector<16xi32>
    %get3A_1120 = arith.constant 336 : index
    %get3A_1121 = tpu.vector_load %arg9[%get3A_1120] {strides = array<i32>} : memref<512xi32, #tpu.memory_space<vmem>>, vector<16xi32>,
    %and3A_1122 = arith.constant 7 : i32
    %and3A_1123 = vector.broadcast %and3A_1122 : i32 to vector<16xi32>
    %and3A_1124 = arith.andi %get3A_1121, %and3A_1123 : vector<16xi32>
    %get3A_1125 = arith.constant 336 : index
    %get3A_1126 = tpu.vector_load %arg11[%get3A_1125] {strides = array<i32>} : memref<512xi32, #tpu.memory_space<vmem>>, vector<16xi32>,
    %and3A_1127 = arith.constant 7 : i32
    %and3A_1128 = vector.broadcast %and3A_1127 : i32 to vector<16xi32>
    %and3A_1129 = arith.andi %get3A_1126, %and3A_1128 : vector<16xi32>
    %broadcast_in_dim3A_1130 = arith.constant 0.000000e+00 : f32
    %broadcast_in_dim3A_1131 = vector.broadcast %broadcast_in_dim3A_1130 : f32 to vector<16xf32>
    %add3A_1132 = arith.constant 0 : i32
    %add3A_1133 = vector.broadcast %add3A_1132 : i32 to vector<16xi32>
    %add3A_1134 = arith.addi %add3A_1133, %add3A_1119 : vector<16xi32>
    %gather3A_1135 = tpu.vector_load_idx %arg13[%add3A_1134, %and3A_1124] : memref<2048x8xf32, #tpu.memory_space<vmem>>[vector<16xi32>, vector<16xi32>], vector<16xf32>,
    %gather3A_1136 = tpu.vector_load_idx %arg14[%add3A_1134, %and3A_1129] : memref<2048x8xf32, #tpu.memory_space<vmem>>[vector<16xi32>, vector<16xi32>], vector<16xf32>,
    %mul3A_1137 = arith.mulf %gather3A_1135, %gather3A_1136 : vector<16xf32>
    %add3A_1138 = arith.addf %broadcast_in_dim3A_1131, %mul3A_1137 : vector<16xf32>
    %add3A_1139 = arith.constant 512 : i32
    %add3A_1140 = vector.broadcast %add3A_1139 : i32 to vector<16xi32>
    %add3A_1141 = arith.addi %add3A_1140, %add3A_1119 : vector<16xi32>
    %gather3A_1142 = tpu.vector_load_idx %arg13[%add3A_1141, %and3A_1124] : memref<2048x8xf32, #tpu.memory_space<vmem>>[vector<16xi32>, vector<16xi32>], vector<16xf32>,
    %gather3A_1143 = tpu.vector_load_idx %arg14[%add3A_1141, %and3A_1129] : memref<2048x8xf32, #tpu.memory_space<vmem>>[vector<16xi32>, vector<16xi32>], vector<16xf32>,
    %mul3A_1144 = arith.mulf %gather3A_1142, %gather3A_1143 : vector<16xf32>
    %add3A_1145 = arith.addf %add3A_1138, %mul3A_1144 : vector<16xf32>
    %add3A_1146 = arith.constant 1024 : i32
    %add3A_1147 = vector.broadcast %add3A_1146 : i32 to vector<16xi32>
    %add3A_1148 = arith.addi %add3A_1147, %add3A_1119 : vector<16xi32>
    %gather3A_1149 = tpu.vector_load_idx %arg13[%add3A_1148, %and3A_1124] : memref<2048x8xf32, #tpu.memory_space<vmem>>[vector<16xi32>, vector<16xi32>], vector<16xf32>,
    %gather3A_1150 = tpu.vector_load_idx %arg14[%add3A_1148, %and3A_1129] : memref<2048x8xf32, #tpu.memory_space<vmem>>[vector<16xi32>, vector<16xi32>], vector<16xf32>,
    %mul3A_1151 = arith.mulf %gather3A_1149, %gather3A_1150 : vector<16xf32>
    %add3A_1152 = arith.addf %add3A_1145, %mul3A_1151 : vector<16xf32>
    %add3A_1153 = arith.constant 1536 : i32
    %add3A_1154 = vector.broadcast %add3A_1153 : i32 to vector<16xi32>
    %add3A_1155 = arith.addi %add3A_1154, %add3A_1119 : vector<16xi32>
    %gather3A_1156 = tpu.vector_load_idx %arg13[%add3A_1155, %and3A_1124] : memref<2048x8xf32, #tpu.memory_space<vmem>>[vector<16xi32>, vector<16xi32>], vector<16xf32>,
    %gather3A_1157 = tpu.vector_load_idx %arg14[%add3A_1155, %and3A_1129] : memref<2048x8xf32, #tpu.memory_space<vmem>>[vector<16xi32>, vector<16xi32>], vector<16xf32>,
    %mul3A_1158 = arith.mulf %gather3A_1156, %gather3A_1157 : vector<16xf32>
    %add3A_1159 = arith.addf %add3A_1152, %mul3A_1158 : vector<16xf32>
    %swap3A_1160 = arith.constant 336 : index
    %swap3A_1161 = tpu.vector_load %arg15[%swap3A_1160] {strides = array<i32>} : memref<512xf32, #tpu.memory_space<vmem>>, vector<16xf32>,
    tpu.vector_store %arg15[%swap3A_1160], %add3A_1159 {strides = array<i32>} : memref<512xf32, #tpu.memory_space<vmem>>, vector<16xf32>,
    %add3A_1162 = arith.constant 352 : i32
    %add3A_1163 = vector.broadcast %add3A_1162 : i32 to vector<16xi32>
    %add3A_1164 = arith.addi %add3A_1163, %iota3A : vector<16xi32>
    %get3A_1165 = arith.constant 352 : index
    %get3A_1166 = tpu.vector_load %arg9[%get3A_1165] {strides = array<i32>} : memref<512xi32, #tpu.memory_space<vmem>>, vector<16xi32>,
    %and3A_1167 = arith.constant 7 : i32
    %and3A_1168 = vector.broadcast %and3A_1167 : i32 to vector<16xi32>
    %and3A_1169 = arith.andi %get3A_1166, %and3A_1168 : vector<16xi32>
    %get3A_1170 = arith.constant 352 : index
    %get3A_1171 = tpu.vector_load %arg11[%get3A_1170] {strides = array<i32>} : memref<512xi32, #tpu.memory_space<vmem>>, vector<16xi32>,
    %and3A_1172 = arith.constant 7 : i32
    %and3A_1173 = vector.broadcast %and3A_1172 : i32 to vector<16xi32>
    %and3A_1174 = arith.andi %get3A_1171, %and3A_1173 : vector<16xi32>
    %broadcast_in_dim3A_1175 = arith.constant 0.000000e+00 : f32
    %broadcast_in_dim3A_1176 = vector.broadcast %broadcast_in_dim3A_1175 : f32 to vector<16xf32>
    %add3A_1177 = arith.constant 0 : i32
    %add3A_1178 = vector.broadcast %add3A_1177 : i32 to vector<16xi32>
    %add3A_1179 = arith.addi %add3A_1178, %add3A_1164 : vector<16xi32>
    %gather3A_1180 = tpu.vector_load_idx %arg13[%add3A_1179, %and3A_1169] : memref<2048x8xf32, #tpu.memory_space<vmem>>[vector<16xi32>, vector<16xi32>], vector<16xf32>,
    %gather3A_1181 = tpu.vector_load_idx %arg14[%add3A_1179, %and3A_1174] : memref<2048x8xf32, #tpu.memory_space<vmem>>[vector<16xi32>, vector<16xi32>], vector<16xf32>,
    %mul3A_1182 = arith.mulf %gather3A_1180, %gather3A_1181 : vector<16xf32>
    %add3A_1183 = arith.addf %broadcast_in_dim3A_1176, %mul3A_1182 : vector<16xf32>
    %add3A_1184 = arith.constant 512 : i32
    %add3A_1185 = vector.broadcast %add3A_1184 : i32 to vector<16xi32>
    %add3A_1186 = arith.addi %add3A_1185, %add3A_1164 : vector<16xi32>
    %gather3A_1187 = tpu.vector_load_idx %arg13[%add3A_1186, %and3A_1169] : memref<2048x8xf32, #tpu.memory_space<vmem>>[vector<16xi32>, vector<16xi32>], vector<16xf32>,
    %gather3A_1188 = tpu.vector_load_idx %arg14[%add3A_1186, %and3A_1174] : memref<2048x8xf32, #tpu.memory_space<vmem>>[vector<16xi32>, vector<16xi32>], vector<16xf32>,
    %mul3A_1189 = arith.mulf %gather3A_1187, %gather3A_1188 : vector<16xf32>
    %add3A_1190 = arith.addf %add3A_1183, %mul3A_1189 : vector<16xf32>
    %add3A_1191 = arith.constant 1024 : i32
    %add3A_1192 = vector.broadcast %add3A_1191 : i32 to vector<16xi32>
    %add3A_1193 = arith.addi %add3A_1192, %add3A_1164 : vector<16xi32>
    %gather3A_1194 = tpu.vector_load_idx %arg13[%add3A_1193, %and3A_1169] : memref<2048x8xf32, #tpu.memory_space<vmem>>[vector<16xi32>, vector<16xi32>], vector<16xf32>,
    %gather3A_1195 = tpu.vector_load_idx %arg14[%add3A_1193, %and3A_1174] : memref<2048x8xf32, #tpu.memory_space<vmem>>[vector<16xi32>, vector<16xi32>], vector<16xf32>,
    %mul3A_1196 = arith.mulf %gather3A_1194, %gather3A_1195 : vector<16xf32>
    %add3A_1197 = arith.addf %add3A_1190, %mul3A_1196 : vector<16xf32>
    %add3A_1198 = arith.constant 1536 : i32
    %add3A_1199 = vector.broadcast %add3A_1198 : i32 to vector<16xi32>
    %add3A_1200 = arith.addi %add3A_1199, %add3A_1164 : vector<16xi32>
    %gather3A_1201 = tpu.vector_load_idx %arg13[%add3A_1200, %and3A_1169] : memref<2048x8xf32, #tpu.memory_space<vmem>>[vector<16xi32>, vector<16xi32>], vector<16xf32>,
    %gather3A_1202 = tpu.vector_load_idx %arg14[%add3A_1200, %and3A_1174] : memref<2048x8xf32, #tpu.memory_space<vmem>>[vector<16xi32>, vector<16xi32>], vector<16xf32>,
    %mul3A_1203 = arith.mulf %gather3A_1201, %gather3A_1202 : vector<16xf32>
    %add3A_1204 = arith.addf %add3A_1197, %mul3A_1203 : vector<16xf32>
    %swap3A_1205 = arith.constant 352 : index
    %swap3A_1206 = tpu.vector_load %arg15[%swap3A_1205] {strides = array<i32>} : memref<512xf32, #tpu.memory_space<vmem>>, vector<16xf32>,
    tpu.vector_store %arg15[%swap3A_1205], %add3A_1204 {strides = array<i32>} : memref<512xf32, #tpu.memory_space<vmem>>, vector<16xf32>,
    %add3A_1207 = arith.constant 368 : i32
    %add3A_1208 = vector.broadcast %add3A_1207 : i32 to vector<16xi32>
    %add3A_1209 = arith.addi %add3A_1208, %iota3A : vector<16xi32>
    %get3A_1210 = arith.constant 368 : index
    %get3A_1211 = tpu.vector_load %arg9[%get3A_1210] {strides = array<i32>} : memref<512xi32, #tpu.memory_space<vmem>>, vector<16xi32>,
    %and3A_1212 = arith.constant 7 : i32
    %and3A_1213 = vector.broadcast %and3A_1212 : i32 to vector<16xi32>
    %and3A_1214 = arith.andi %get3A_1211, %and3A_1213 : vector<16xi32>
    %get3A_1215 = arith.constant 368 : index
    %get3A_1216 = tpu.vector_load %arg11[%get3A_1215] {strides = array<i32>} : memref<512xi32, #tpu.memory_space<vmem>>, vector<16xi32>,
    %and3A_1217 = arith.constant 7 : i32
    %and3A_1218 = vector.broadcast %and3A_1217 : i32 to vector<16xi32>
    %and3A_1219 = arith.andi %get3A_1216, %and3A_1218 : vector<16xi32>
    %broadcast_in_dim3A_1220 = arith.constant 0.000000e+00 : f32
    %broadcast_in_dim3A_1221 = vector.broadcast %broadcast_in_dim3A_1220 : f32 to vector<16xf32>
    %add3A_1222 = arith.constant 0 : i32
    %add3A_1223 = vector.broadcast %add3A_1222 : i32 to vector<16xi32>
    %add3A_1224 = arith.addi %add3A_1223, %add3A_1209 : vector<16xi32>
    %gather3A_1225 = tpu.vector_load_idx %arg13[%add3A_1224, %and3A_1214] : memref<2048x8xf32, #tpu.memory_space<vmem>>[vector<16xi32>, vector<16xi32>], vector<16xf32>,
    %gather3A_1226 = tpu.vector_load_idx %arg14[%add3A_1224, %and3A_1219] : memref<2048x8xf32, #tpu.memory_space<vmem>>[vector<16xi32>, vector<16xi32>], vector<16xf32>,
    %mul3A_1227 = arith.mulf %gather3A_1225, %gather3A_1226 : vector<16xf32>
    %add3A_1228 = arith.addf %broadcast_in_dim3A_1221, %mul3A_1227 : vector<16xf32>
    %add3A_1229 = arith.constant 512 : i32
    %add3A_1230 = vector.broadcast %add3A_1229 : i32 to vector<16xi32>
    %add3A_1231 = arith.addi %add3A_1230, %add3A_1209 : vector<16xi32>
    %gather3A_1232 = tpu.vector_load_idx %arg13[%add3A_1231, %and3A_1214] : memref<2048x8xf32, #tpu.memory_space<vmem>>[vector<16xi32>, vector<16xi32>], vector<16xf32>,
    %gather3A_1233 = tpu.vector_load_idx %arg14[%add3A_1231, %and3A_1219] : memref<2048x8xf32, #tpu.memory_space<vmem>>[vector<16xi32>, vector<16xi32>], vector<16xf32>,
    %mul3A_1234 = arith.mulf %gather3A_1232, %gather3A_1233 : vector<16xf32>
    %add3A_1235 = arith.addf %add3A_1228, %mul3A_1234 : vector<16xf32>
    %add3A_1236 = arith.constant 1024 : i32
    %add3A_1237 = vector.broadcast %add3A_1236 : i32 to vector<16xi32>
    %add3A_1238 = arith.addi %add3A_1237, %add3A_1209 : vector<16xi32>
    %gather3A_1239 = tpu.vector_load_idx %arg13[%add3A_1238, %and3A_1214] : memref<2048x8xf32, #tpu.memory_space<vmem>>[vector<16xi32>, vector<16xi32>], vector<16xf32>,
    %gather3A_1240 = tpu.vector_load_idx %arg14[%add3A_1238, %and3A_1219] : memref<2048x8xf32, #tpu.memory_space<vmem>>[vector<16xi32>, vector<16xi32>], vector<16xf32>,
    %mul3A_1241 = arith.mulf %gather3A_1239, %gather3A_1240 : vector<16xf32>
    %add3A_1242 = arith.addf %add3A_1235, %mul3A_1241 : vector<16xf32>
    %add3A_1243 = arith.constant 1536 : i32
    %add3A_1244 = vector.broadcast %add3A_1243 : i32 to vector<16xi32>
    %add3A_1245 = arith.addi %add3A_1244, %add3A_1209 : vector<16xi32>
    %gather3A_1246 = tpu.vector_load_idx %arg13[%add3A_1245, %and3A_1214] : memref<2048x8xf32, #tpu.memory_space<vmem>>[vector<16xi32>, vector<16xi32>], vector<16xf32>,
    %gather3A_1247 = tpu.vector_load_idx %arg14[%add3A_1245, %and3A_1219] : memref<2048x8xf32, #tpu.memory_space<vmem>>[vector<16xi32>, vector<16xi32>], vector<16xf32>,
    %mul3A_1248 = arith.mulf %gather3A_1246, %gather3A_1247 : vector<16xf32>
    %add3A_1249 = arith.addf %add3A_1242, %mul3A_1248 : vector<16xf32>
    %swap3A_1250 = arith.constant 368 : index
    %swap3A_1251 = tpu.vector_load %arg15[%swap3A_1250] {strides = array<i32>} : memref<512xf32, #tpu.memory_space<vmem>>, vector<16xf32>,
    tpu.vector_store %arg15[%swap3A_1250], %add3A_1249 {strides = array<i32>} : memref<512xf32, #tpu.memory_space<vmem>>, vector<16xf32>,
    %add3A_1252 = arith.constant 384 : i32
    %add3A_1253 = vector.broadcast %add3A_1252 : i32 to vector<16xi32>
    %add3A_1254 = arith.addi %add3A_1253, %iota3A : vector<16xi32>
    %get3A_1255 = arith.constant 384 : index
    %get3A_1256 = tpu.vector_load %arg9[%get3A_1255] {strides = array<i32>} : memref<512xi32, #tpu.memory_space<vmem>>, vector<16xi32>,
    %and3A_1257 = arith.constant 7 : i32
    %and3A_1258 = vector.broadcast %and3A_1257 : i32 to vector<16xi32>
    %and3A_1259 = arith.andi %get3A_1256, %and3A_1258 : vector<16xi32>
    %get3A_1260 = arith.constant 384 : index
    %get3A_1261 = tpu.vector_load %arg11[%get3A_1260] {strides = array<i32>} : memref<512xi32, #tpu.memory_space<vmem>>, vector<16xi32>,
    %and3A_1262 = arith.constant 7 : i32
    %and3A_1263 = vector.broadcast %and3A_1262 : i32 to vector<16xi32>
    %and3A_1264 = arith.andi %get3A_1261, %and3A_1263 : vector<16xi32>
    %broadcast_in_dim3A_1265 = arith.constant 0.000000e+00 : f32
    %broadcast_in_dim3A_1266 = vector.broadcast %broadcast_in_dim3A_1265 : f32 to vector<16xf32>
    %add3A_1267 = arith.constant 0 : i32
    %add3A_1268 = vector.broadcast %add3A_1267 : i32 to vector<16xi32>
    %add3A_1269 = arith.addi %add3A_1268, %add3A_1254 : vector<16xi32>
    %gather3A_1270 = tpu.vector_load_idx %arg13[%add3A_1269, %and3A_1259] : memref<2048x8xf32, #tpu.memory_space<vmem>>[vector<16xi32>, vector<16xi32>], vector<16xf32>,
    %gather3A_1271 = tpu.vector_load_idx %arg14[%add3A_1269, %and3A_1264] : memref<2048x8xf32, #tpu.memory_space<vmem>>[vector<16xi32>, vector<16xi32>], vector<16xf32>,
    %mul3A_1272 = arith.mulf %gather3A_1270, %gather3A_1271 : vector<16xf32>
    %add3A_1273 = arith.addf %broadcast_in_dim3A_1266, %mul3A_1272 : vector<16xf32>
    %add3A_1274 = arith.constant 512 : i32
    %add3A_1275 = vector.broadcast %add3A_1274 : i32 to vector<16xi32>
    %add3A_1276 = arith.addi %add3A_1275, %add3A_1254 : vector<16xi32>
    %gather3A_1277 = tpu.vector_load_idx %arg13[%add3A_1276, %and3A_1259] : memref<2048x8xf32, #tpu.memory_space<vmem>>[vector<16xi32>, vector<16xi32>], vector<16xf32>,
    %gather3A_1278 = tpu.vector_load_idx %arg14[%add3A_1276, %and3A_1264] : memref<2048x8xf32, #tpu.memory_space<vmem>>[vector<16xi32>, vector<16xi32>], vector<16xf32>,
    %mul3A_1279 = arith.mulf %gather3A_1277, %gather3A_1278 : vector<16xf32>
    %add3A_1280 = arith.addf %add3A_1273, %mul3A_1279 : vector<16xf32>
    %add3A_1281 = arith.constant 1024 : i32
    %add3A_1282 = vector.broadcast %add3A_1281 : i32 to vector<16xi32>
    %add3A_1283 = arith.addi %add3A_1282, %add3A_1254 : vector<16xi32>
    %gather3A_1284 = tpu.vector_load_idx %arg13[%add3A_1283, %and3A_1259] : memref<2048x8xf32, #tpu.memory_space<vmem>>[vector<16xi32>, vector<16xi32>], vector<16xf32>,
    %gather3A_1285 = tpu.vector_load_idx %arg14[%add3A_1283, %and3A_1264] : memref<2048x8xf32, #tpu.memory_space<vmem>>[vector<16xi32>, vector<16xi32>], vector<16xf32>,
    %mul3A_1286 = arith.mulf %gather3A_1284, %gather3A_1285 : vector<16xf32>
    %add3A_1287 = arith.addf %add3A_1280, %mul3A_1286 : vector<16xf32>
    %add3A_1288 = arith.constant 1536 : i32
    %add3A_1289 = vector.broadcast %add3A_1288 : i32 to vector<16xi32>
    %add3A_1290 = arith.addi %add3A_1289, %add3A_1254 : vector<16xi32>
    %gather3A_1291 = tpu.vector_load_idx %arg13[%add3A_1290, %and3A_1259] : memref<2048x8xf32, #tpu.memory_space<vmem>>[vector<16xi32>, vector<16xi32>], vector<16xf32>,
    %gather3A_1292 = tpu.vector_load_idx %arg14[%add3A_1290, %and3A_1264] : memref<2048x8xf32, #tpu.memory_space<vmem>>[vector<16xi32>, vector<16xi32>], vector<16xf32>,
    %mul3A_1293 = arith.mulf %gather3A_1291, %gather3A_1292 : vector<16xf32>
    %add3A_1294 = arith.addf %add3A_1287, %mul3A_1293 : vector<16xf32>
    %swap3A_1295 = arith.constant 384 : index
    %swap3A_1296 = tpu.vector_load %arg15[%swap3A_1295] {strides = array<i32>} : memref<512xf32, #tpu.memory_space<vmem>>, vector<16xf32>,
    tpu.vector_store %arg15[%swap3A_1295], %add3A_1294 {strides = array<i32>} : memref<512xf32, #tpu.memory_space<vmem>>, vector<16xf32>,
    %add3A_1297 = arith.constant 400 : i32
    %add3A_1298 = vector.broadcast %add3A_1297 : i32 to vector<16xi32>
    %add3A_1299 = arith.addi %add3A_1298, %iota3A : vector<16xi32>
    %get3A_1300 = arith.constant 400 : index
    %get3A_1301 = tpu.vector_load %arg9[%get3A_1300] {strides = array<i32>} : memref<512xi32, #tpu.memory_space<vmem>>, vector<16xi32>,
    %and3A_1302 = arith.constant 7 : i32
    %and3A_1303 = vector.broadcast %and3A_1302 : i32 to vector<16xi32>
    %and3A_1304 = arith.andi %get3A_1301, %and3A_1303 : vector<16xi32>
    %get3A_1305 = arith.constant 400 : index
    %get3A_1306 = tpu.vector_load %arg11[%get3A_1305] {strides = array<i32>} : memref<512xi32, #tpu.memory_space<vmem>>, vector<16xi32>,
    %and3A_1307 = arith.constant 7 : i32
    %and3A_1308 = vector.broadcast %and3A_1307 : i32 to vector<16xi32>
    %and3A_1309 = arith.andi %get3A_1306, %and3A_1308 : vector<16xi32>
    %broadcast_in_dim3A_1310 = arith.constant 0.000000e+00 : f32
    %broadcast_in_dim3A_1311 = vector.broadcast %broadcast_in_dim3A_1310 : f32 to vector<16xf32>
    %add3A_1312 = arith.constant 0 : i32
    %add3A_1313 = vector.broadcast %add3A_1312 : i32 to vector<16xi32>
    %add3A_1314 = arith.addi %add3A_1313, %add3A_1299 : vector<16xi32>
    %gather3A_1315 = tpu.vector_load_idx %arg13[%add3A_1314, %and3A_1304] : memref<2048x8xf32, #tpu.memory_space<vmem>>[vector<16xi32>, vector<16xi32>], vector<16xf32>,
    %gather3A_1316 = tpu.vector_load_idx %arg14[%add3A_1314, %and3A_1309] : memref<2048x8xf32, #tpu.memory_space<vmem>>[vector<16xi32>, vector<16xi32>], vector<16xf32>,
    %mul3A_1317 = arith.mulf %gather3A_1315, %gather3A_1316 : vector<16xf32>
    %add3A_1318 = arith.addf %broadcast_in_dim3A_1311, %mul3A_1317 : vector<16xf32>
    %add3A_1319 = arith.constant 512 : i32
    %add3A_1320 = vector.broadcast %add3A_1319 : i32 to vector<16xi32>
    %add3A_1321 = arith.addi %add3A_1320, %add3A_1299 : vector<16xi32>
    %gather3A_1322 = tpu.vector_load_idx %arg13[%add3A_1321, %and3A_1304] : memref<2048x8xf32, #tpu.memory_space<vmem>>[vector<16xi32>, vector<16xi32>], vector<16xf32>,
    %gather3A_1323 = tpu.vector_load_idx %arg14[%add3A_1321, %and3A_1309] : memref<2048x8xf32, #tpu.memory_space<vmem>>[vector<16xi32>, vector<16xi32>], vector<16xf32>,
    %mul3A_1324 = arith.mulf %gather3A_1322, %gather3A_1323 : vector<16xf32>
    %add3A_1325 = arith.addf %add3A_1318, %mul3A_1324 : vector<16xf32>
    %add3A_1326 = arith.constant 1024 : i32
    %add3A_1327 = vector.broadcast %add3A_1326 : i32 to vector<16xi32>
    %add3A_1328 = arith.addi %add3A_1327, %add3A_1299 : vector<16xi32>
    %gather3A_1329 = tpu.vector_load_idx %arg13[%add3A_1328, %and3A_1304] : memref<2048x8xf32, #tpu.memory_space<vmem>>[vector<16xi32>, vector<16xi32>], vector<16xf32>,
    %gather3A_1330 = tpu.vector_load_idx %arg14[%add3A_1328, %and3A_1309] : memref<2048x8xf32, #tpu.memory_space<vmem>>[vector<16xi32>, vector<16xi32>], vector<16xf32>,
    %mul3A_1331 = arith.mulf %gather3A_1329, %gather3A_1330 : vector<16xf32>
    %add3A_1332 = arith.addf %add3A_1325, %mul3A_1331 : vector<16xf32>
    %add3A_1333 = arith.constant 1536 : i32
    %add3A_1334 = vector.broadcast %add3A_1333 : i32 to vector<16xi32>
    %add3A_1335 = arith.addi %add3A_1334, %add3A_1299 : vector<16xi32>
    %gather3A_1336 = tpu.vector_load_idx %arg13[%add3A_1335, %and3A_1304] : memref<2048x8xf32, #tpu.memory_space<vmem>>[vector<16xi32>, vector<16xi32>], vector<16xf32>,
    %gather3A_1337 = tpu.vector_load_idx %arg14[%add3A_1335, %and3A_1309] : memref<2048x8xf32, #tpu.memory_space<vmem>>[vector<16xi32>, vector<16xi32>], vector<16xf32>,
    %mul3A_1338 = arith.mulf %gather3A_1336, %gather3A_1337 : vector<16xf32>
    %add3A_1339 = arith.addf %add3A_1332, %mul3A_1338 : vector<16xf32>
    %swap3A_1340 = arith.constant 400 : index
    %swap3A_1341 = tpu.vector_load %arg15[%swap3A_1340] {strides = array<i32>} : memref<512xf32, #tpu.memory_space<vmem>>, vector<16xf32>,
    tpu.vector_store %arg15[%swap3A_1340], %add3A_1339 {strides = array<i32>} : memref<512xf32, #tpu.memory_space<vmem>>, vector<16xf32>,
    %add3A_1342 = arith.constant 416 : i32
    %add3A_1343 = vector.broadcast %add3A_1342 : i32 to vector<16xi32>
    %add3A_1344 = arith.addi %add3A_1343, %iota3A : vector<16xi32>
    %get3A_1345 = arith.constant 416 : index
    %get3A_1346 = tpu.vector_load %arg9[%get3A_1345] {strides = array<i32>} : memref<512xi32, #tpu.memory_space<vmem>>, vector<16xi32>,
    %and3A_1347 = arith.constant 7 : i32
    %and3A_1348 = vector.broadcast %and3A_1347 : i32 to vector<16xi32>
    %and3A_1349 = arith.andi %get3A_1346, %and3A_1348 : vector<16xi32>
    %get3A_1350 = arith.constant 416 : index
    %get3A_1351 = tpu.vector_load %arg11[%get3A_1350] {strides = array<i32>} : memref<512xi32, #tpu.memory_space<vmem>>, vector<16xi32>,
    %and3A_1352 = arith.constant 7 : i32
    %and3A_1353 = vector.broadcast %and3A_1352 : i32 to vector<16xi32>
    %and3A_1354 = arith.andi %get3A_1351, %and3A_1353 : vector<16xi32>
    %broadcast_in_dim3A_1355 = arith.constant 0.000000e+00 : f32
    %broadcast_in_dim3A_1356 = vector.broadcast %broadcast_in_dim3A_1355 : f32 to vector<16xf32>
    %add3A_1357 = arith.constant 0 : i32
    %add3A_1358 = vector.broadcast %add3A_1357 : i32 to vector<16xi32>
    %add3A_1359 = arith.addi %add3A_1358, %add3A_1344 : vector<16xi32>
    %gather3A_1360 = tpu.vector_load_idx %arg13[%add3A_1359, %and3A_1349] : memref<2048x8xf32, #tpu.memory_space<vmem>>[vector<16xi32>, vector<16xi32>], vector<16xf32>,
    %gather3A_1361 = tpu.vector_load_idx %arg14[%add3A_1359, %and3A_1354] : memref<2048x8xf32, #tpu.memory_space<vmem>>[vector<16xi32>, vector<16xi32>], vector<16xf32>,
    %mul3A_1362 = arith.mulf %gather3A_1360, %gather3A_1361 : vector<16xf32>
    %add3A_1363 = arith.addf %broadcast_in_dim3A_1356, %mul3A_1362 : vector<16xf32>
    %add3A_1364 = arith.constant 512 : i32
    %add3A_1365 = vector.broadcast %add3A_1364 : i32 to vector<16xi32>
    %add3A_1366 = arith.addi %add3A_1365, %add3A_1344 : vector<16xi32>
    %gather3A_1367 = tpu.vector_load_idx %arg13[%add3A_1366, %and3A_1349] : memref<2048x8xf32, #tpu.memory_space<vmem>>[vector<16xi32>, vector<16xi32>], vector<16xf32>,
    %gather3A_1368 = tpu.vector_load_idx %arg14[%add3A_1366, %and3A_1354] : memref<2048x8xf32, #tpu.memory_space<vmem>>[vector<16xi32>, vector<16xi32>], vector<16xf32>,
    %mul3A_1369 = arith.mulf %gather3A_1367, %gather3A_1368 : vector<16xf32>
    %add3A_1370 = arith.addf %add3A_1363, %mul3A_1369 : vector<16xf32>
    %add3A_1371 = arith.constant 1024 : i32
    %add3A_1372 = vector.broadcast %add3A_1371 : i32 to vector<16xi32>
    %add3A_1373 = arith.addi %add3A_1372, %add3A_1344 : vector<16xi32>
    %gather3A_1374 = tpu.vector_load_idx %arg13[%add3A_1373, %and3A_1349] : memref<2048x8xf32, #tpu.memory_space<vmem>>[vector<16xi32>, vector<16xi32>], vector<16xf32>,
    %gather3A_1375 = tpu.vector_load_idx %arg14[%add3A_1373, %and3A_1354] : memref<2048x8xf32, #tpu.memory_space<vmem>>[vector<16xi32>, vector<16xi32>], vector<16xf32>,
    %mul3A_1376 = arith.mulf %gather3A_1374, %gather3A_1375 : vector<16xf32>
    %add3A_1377 = arith.addf %add3A_1370, %mul3A_1376 : vector<16xf32>
    %add3A_1378 = arith.constant 1536 : i32
    %add3A_1379 = vector.broadcast %add3A_1378 : i32 to vector<16xi32>
    %add3A_1380 = arith.addi %add3A_1379, %add3A_1344 : vector<16xi32>
    %gather3A_1381 = tpu.vector_load_idx %arg13[%add3A_1380, %and3A_1349] : memref<2048x8xf32, #tpu.memory_space<vmem>>[vector<16xi32>, vector<16xi32>], vector<16xf32>,
    %gather3A_1382 = tpu.vector_load_idx %arg14[%add3A_1380, %and3A_1354] : memref<2048x8xf32, #tpu.memory_space<vmem>>[vector<16xi32>, vector<16xi32>], vector<16xf32>,
    %mul3A_1383 = arith.mulf %gather3A_1381, %gather3A_1382 : vector<16xf32>
    %add3A_1384 = arith.addf %add3A_1377, %mul3A_1383 : vector<16xf32>
    %swap3A_1385 = arith.constant 416 : index
    %swap3A_1386 = tpu.vector_load %arg15[%swap3A_1385] {strides = array<i32>} : memref<512xf32, #tpu.memory_space<vmem>>, vector<16xf32>,
    tpu.vector_store %arg15[%swap3A_1385], %add3A_1384 {strides = array<i32>} : memref<512xf32, #tpu.memory_space<vmem>>, vector<16xf32>,
    %add3A_1387 = arith.constant 432 : i32
    %add3A_1388 = vector.broadcast %add3A_1387 : i32 to vector<16xi32>
    %add3A_1389 = arith.addi %add3A_1388, %iota3A : vector<16xi32>
    %get3A_1390 = arith.constant 432 : index
    %get3A_1391 = tpu.vector_load %arg9[%get3A_1390] {strides = array<i32>} : memref<512xi32, #tpu.memory_space<vmem>>, vector<16xi32>,
    %and3A_1392 = arith.constant 7 : i32
    %and3A_1393 = vector.broadcast %and3A_1392 : i32 to vector<16xi32>
    %and3A_1394 = arith.andi %get3A_1391, %and3A_1393 : vector<16xi32>
    %get3A_1395 = arith.constant 432 : index
    %get3A_1396 = tpu.vector_load %arg11[%get3A_1395] {strides = array<i32>} : memref<512xi32, #tpu.memory_space<vmem>>, vector<16xi32>,
    %and3A_1397 = arith.constant 7 : i32
    %and3A_1398 = vector.broadcast %and3A_1397 : i32 to vector<16xi32>
    %and3A_1399 = arith.andi %get3A_1396, %and3A_1398 : vector<16xi32>
    %broadcast_in_dim3A_1400 = arith.constant 0.000000e+00 : f32
    %broadcast_in_dim3A_1401 = vector.broadcast %broadcast_in_dim3A_1400 : f32 to vector<16xf32>
    %add3A_1402 = arith.constant 0 : i32
    %add3A_1403 = vector.broadcast %add3A_1402 : i32 to vector<16xi32>
    %add3A_1404 = arith.addi %add3A_1403, %add3A_1389 : vector<16xi32>
    %gather3A_1405 = tpu.vector_load_idx %arg13[%add3A_1404, %and3A_1394] : memref<2048x8xf32, #tpu.memory_space<vmem>>[vector<16xi32>, vector<16xi32>], vector<16xf32>,
    %gather3A_1406 = tpu.vector_load_idx %arg14[%add3A_1404, %and3A_1399] : memref<2048x8xf32, #tpu.memory_space<vmem>>[vector<16xi32>, vector<16xi32>], vector<16xf32>,
    %mul3A_1407 = arith.mulf %gather3A_1405, %gather3A_1406 : vector<16xf32>
    %add3A_1408 = arith.addf %broadcast_in_dim3A_1401, %mul3A_1407 : vector<16xf32>
    %add3A_1409 = arith.constant 512 : i32
    %add3A_1410 = vector.broadcast %add3A_1409 : i32 to vector<16xi32>
    %add3A_1411 = arith.addi %add3A_1410, %add3A_1389 : vector<16xi32>
    %gather3A_1412 = tpu.vector_load_idx %arg13[%add3A_1411, %and3A_1394] : memref<2048x8xf32, #tpu.memory_space<vmem>>[vector<16xi32>, vector<16xi32>], vector<16xf32>,
    %gather3A_1413 = tpu.vector_load_idx %arg14[%add3A_1411, %and3A_1399] : memref<2048x8xf32, #tpu.memory_space<vmem>>[vector<16xi32>, vector<16xi32>], vector<16xf32>,
    %mul3A_1414 = arith.mulf %gather3A_1412, %gather3A_1413 : vector<16xf32>
    %add3A_1415 = arith.addf %add3A_1408, %mul3A_1414 : vector<16xf32>
    %add3A_1416 = arith.constant 1024 : i32
    %add3A_1417 = vector.broadcast %add3A_1416 : i32 to vector<16xi32>
    %add3A_1418 = arith.addi %add3A_1417, %add3A_1389 : vector<16xi32>
    %gather3A_1419 = tpu.vector_load_idx %arg13[%add3A_1418, %and3A_1394] : memref<2048x8xf32, #tpu.memory_space<vmem>>[vector<16xi32>, vector<16xi32>], vector<16xf32>,
    %gather3A_1420 = tpu.vector_load_idx %arg14[%add3A_1418, %and3A_1399] : memref<2048x8xf32, #tpu.memory_space<vmem>>[vector<16xi32>, vector<16xi32>], vector<16xf32>,
    %mul3A_1421 = arith.mulf %gather3A_1419, %gather3A_1420 : vector<16xf32>
    %add3A_1422 = arith.addf %add3A_1415, %mul3A_1421 : vector<16xf32>
    %add3A_1423 = arith.constant 1536 : i32
    %add3A_1424 = vector.broadcast %add3A_1423 : i32 to vector<16xi32>
    %add3A_1425 = arith.addi %add3A_1424, %add3A_1389 : vector<16xi32>
    %gather3A_1426 = tpu.vector_load_idx %arg13[%add3A_1425, %and3A_1394] : memref<2048x8xf32, #tpu.memory_space<vmem>>[vector<16xi32>, vector<16xi32>], vector<16xf32>,
    %gather3A_1427 = tpu.vector_load_idx %arg14[%add3A_1425, %and3A_1399] : memref<2048x8xf32, #tpu.memory_space<vmem>>[vector<16xi32>, vector<16xi32>], vector<16xf32>,
    %mul3A_1428 = arith.mulf %gather3A_1426, %gather3A_1427 : vector<16xf32>
    %add3A_1429 = arith.addf %add3A_1422, %mul3A_1428 : vector<16xf32>
    %swap3A_1430 = arith.constant 432 : index
    %swap3A_1431 = tpu.vector_load %arg15[%swap3A_1430] {strides = array<i32>} : memref<512xf32, #tpu.memory_space<vmem>>, vector<16xf32>,
    tpu.vector_store %arg15[%swap3A_1430], %add3A_1429 {strides = array<i32>} : memref<512xf32, #tpu.memory_space<vmem>>, vector<16xf32>,
    %add3A_1432 = arith.constant 448 : i32
    %add3A_1433 = vector.broadcast %add3A_1432 : i32 to vector<16xi32>
    %add3A_1434 = arith.addi %add3A_1433, %iota3A : vector<16xi32>
    %get3A_1435 = arith.constant 448 : index
    %get3A_1436 = tpu.vector_load %arg9[%get3A_1435] {strides = array<i32>} : memref<512xi32, #tpu.memory_space<vmem>>, vector<16xi32>,
    %and3A_1437 = arith.constant 7 : i32
    %and3A_1438 = vector.broadcast %and3A_1437 : i32 to vector<16xi32>
    %and3A_1439 = arith.andi %get3A_1436, %and3A_1438 : vector<16xi32>
    %get3A_1440 = arith.constant 448 : index
    %get3A_1441 = tpu.vector_load %arg11[%get3A_1440] {strides = array<i32>} : memref<512xi32, #tpu.memory_space<vmem>>, vector<16xi32>,
    %and3A_1442 = arith.constant 7 : i32
    %and3A_1443 = vector.broadcast %and3A_1442 : i32 to vector<16xi32>
    %and3A_1444 = arith.andi %get3A_1441, %and3A_1443 : vector<16xi32>
    %broadcast_in_dim3A_1445 = arith.constant 0.000000e+00 : f32
    %broadcast_in_dim3A_1446 = vector.broadcast %broadcast_in_dim3A_1445 : f32 to vector<16xf32>
    %add3A_1447 = arith.constant 0 : i32
    %add3A_1448 = vector.broadcast %add3A_1447 : i32 to vector<16xi32>
    %add3A_1449 = arith.addi %add3A_1448, %add3A_1434 : vector<16xi32>
    %gather3A_1450 = tpu.vector_load_idx %arg13[%add3A_1449, %and3A_1439] : memref<2048x8xf32, #tpu.memory_space<vmem>>[vector<16xi32>, vector<16xi32>], vector<16xf32>,
    %gather3A_1451 = tpu.vector_load_idx %arg14[%add3A_1449, %and3A_1444] : memref<2048x8xf32, #tpu.memory_space<vmem>>[vector<16xi32>, vector<16xi32>], vector<16xf32>,
    %mul3A_1452 = arith.mulf %gather3A_1450, %gather3A_1451 : vector<16xf32>
    %add3A_1453 = arith.addf %broadcast_in_dim3A_1446, %mul3A_1452 : vector<16xf32>
    %add3A_1454 = arith.constant 512 : i32
    %add3A_1455 = vector.broadcast %add3A_1454 : i32 to vector<16xi32>
    %add3A_1456 = arith.addi %add3A_1455, %add3A_1434 : vector<16xi32>
    %gather3A_1457 = tpu.vector_load_idx %arg13[%add3A_1456, %and3A_1439] : memref<2048x8xf32, #tpu.memory_space<vmem>>[vector<16xi32>, vector<16xi32>], vector<16xf32>,
    %gather3A_1458 = tpu.vector_load_idx %arg14[%add3A_1456, %and3A_1444] : memref<2048x8xf32, #tpu.memory_space<vmem>>[vector<16xi32>, vector<16xi32>], vector<16xf32>,
    %mul3A_1459 = arith.mulf %gather3A_1457, %gather3A_1458 : vector<16xf32>
    %add3A_1460 = arith.addf %add3A_1453, %mul3A_1459 : vector<16xf32>
    %add3A_1461 = arith.constant 1024 : i32
    %add3A_1462 = vector.broadcast %add3A_1461 : i32 to vector<16xi32>
    %add3A_1463 = arith.addi %add3A_1462, %add3A_1434 : vector<16xi32>
    %gather3A_1464 = tpu.vector_load_idx %arg13[%add3A_1463, %and3A_1439] : memref<2048x8xf32, #tpu.memory_space<vmem>>[vector<16xi32>, vector<16xi32>], vector<16xf32>,
    %gather3A_1465 = tpu.vector_load_idx %arg14[%add3A_1463, %and3A_1444] : memref<2048x8xf32, #tpu.memory_space<vmem>>[vector<16xi32>, vector<16xi32>], vector<16xf32>,
    %mul3A_1466 = arith.mulf %gather3A_1464, %gather3A_1465 : vector<16xf32>
    %add3A_1467 = arith.addf %add3A_1460, %mul3A_1466 : vector<16xf32>
    %add3A_1468 = arith.constant 1536 : i32
    %add3A_1469 = vector.broadcast %add3A_1468 : i32 to vector<16xi32>
    %add3A_1470 = arith.addi %add3A_1469, %add3A_1434 : vector<16xi32>
    %gather3A_1471 = tpu.vector_load_idx %arg13[%add3A_1470, %and3A_1439] : memref<2048x8xf32, #tpu.memory_space<vmem>>[vector<16xi32>, vector<16xi32>], vector<16xf32>,
    %gather3A_1472 = tpu.vector_load_idx %arg14[%add3A_1470, %and3A_1444] : memref<2048x8xf32, #tpu.memory_space<vmem>>[vector<16xi32>, vector<16xi32>], vector<16xf32>,
    %mul3A_1473 = arith.mulf %gather3A_1471, %gather3A_1472 : vector<16xf32>
    %add3A_1474 = arith.addf %add3A_1467, %mul3A_1473 : vector<16xf32>
    %swap3A_1475 = arith.constant 448 : index
    %swap3A_1476 = tpu.vector_load %arg15[%swap3A_1475] {strides = array<i32>} : memref<512xf32, #tpu.memory_space<vmem>>, vector<16xf32>,
    tpu.vector_store %arg15[%swap3A_1475], %add3A_1474 {strides = array<i32>} : memref<512xf32, #tpu.memory_space<vmem>>, vector<16xf32>,
    %add3A_1477 = arith.constant 464 : i32
    %add3A_1478 = vector.broadcast %add3A_1477 : i32 to vector<16xi32>
    %add3A_1479 = arith.addi %add3A_1478, %iota3A : vector<16xi32>
    %get3A_1480 = arith.constant 464 : index
    %get3A_1481 = tpu.vector_load %arg9[%get3A_1480] {strides = array<i32>} : memref<512xi32, #tpu.memory_space<vmem>>, vector<16xi32>,
    %and3A_1482 = arith.constant 7 : i32
    %and3A_1483 = vector.broadcast %and3A_1482 : i32 to vector<16xi32>
    %and3A_1484 = arith.andi %get3A_1481, %and3A_1483 : vector<16xi32>
    %get3A_1485 = arith.constant 464 : index
    %get3A_1486 = tpu.vector_load %arg11[%get3A_1485] {strides = array<i32>} : memref<512xi32, #tpu.memory_space<vmem>>, vector<16xi32>,
    %and3A_1487 = arith.constant 7 : i32
    %and3A_1488 = vector.broadcast %and3A_1487 : i32 to vector<16xi32>
    %and3A_1489 = arith.andi %get3A_1486, %and3A_1488 : vector<16xi32>
    %broadcast_in_dim3A_1490 = arith.constant 0.000000e+00 : f32
    %broadcast_in_dim3A_1491 = vector.broadcast %broadcast_in_dim3A_1490 : f32 to vector<16xf32>
    %add3A_1492 = arith.constant 0 : i32
    %add3A_1493 = vector.broadcast %add3A_1492 : i32 to vector<16xi32>
    %add3A_1494 = arith.addi %add3A_1493, %add3A_1479 : vector<16xi32>
    %gather3A_1495 = tpu.vector_load_idx %arg13[%add3A_1494, %and3A_1484] : memref<2048x8xf32, #tpu.memory_space<vmem>>[vector<16xi32>, vector<16xi32>], vector<16xf32>,
    %gather3A_1496 = tpu.vector_load_idx %arg14[%add3A_1494, %and3A_1489] : memref<2048x8xf32, #tpu.memory_space<vmem>>[vector<16xi32>, vector<16xi32>], vector<16xf32>,
    %mul3A_1497 = arith.mulf %gather3A_1495, %gather3A_1496 : vector<16xf32>
    %add3A_1498 = arith.addf %broadcast_in_dim3A_1491, %mul3A_1497 : vector<16xf32>
    %add3A_1499 = arith.constant 512 : i32
    %add3A_1500 = vector.broadcast %add3A_1499 : i32 to vector<16xi32>
    %add3A_1501 = arith.addi %add3A_1500, %add3A_1479 : vector<16xi32>
    %gather3A_1502 = tpu.vector_load_idx %arg13[%add3A_1501, %and3A_1484] : memref<2048x8xf32, #tpu.memory_space<vmem>>[vector<16xi32>, vector<16xi32>], vector<16xf32>,
    %gather3A_1503 = tpu.vector_load_idx %arg14[%add3A_1501, %and3A_1489] : memref<2048x8xf32, #tpu.memory_space<vmem>>[vector<16xi32>, vector<16xi32>], vector<16xf32>,
    %mul3A_1504 = arith.mulf %gather3A_1502, %gather3A_1503 : vector<16xf32>
    %add3A_1505 = arith.addf %add3A_1498, %mul3A_1504 : vector<16xf32>
    %add3A_1506 = arith.constant 1024 : i32
    %add3A_1507 = vector.broadcast %add3A_1506 : i32 to vector<16xi32>
    %add3A_1508 = arith.addi %add3A_1507, %add3A_1479 : vector<16xi32>
    %gather3A_1509 = tpu.vector_load_idx %arg13[%add3A_1508, %and3A_1484] : memref<2048x8xf32, #tpu.memory_space<vmem>>[vector<16xi32>, vector<16xi32>], vector<16xf32>,
    %gather3A_1510 = tpu.vector_load_idx %arg14[%add3A_1508, %and3A_1489] : memref<2048x8xf32, #tpu.memory_space<vmem>>[vector<16xi32>, vector<16xi32>], vector<16xf32>,
    %mul3A_1511 = arith.mulf %gather3A_1509, %gather3A_1510 : vector<16xf32>
    %add3A_1512 = arith.addf %add3A_1505, %mul3A_1511 : vector<16xf32>
    %add3A_1513 = arith.constant 1536 : i32
    %add3A_1514 = vector.broadcast %add3A_1513 : i32 to vector<16xi32>
    %add3A_1515 = arith.addi %add3A_1514, %add3A_1479 : vector<16xi32>
    %gather3A_1516 = tpu.vector_load_idx %arg13[%add3A_1515, %and3A_1484] : memref<2048x8xf32, #tpu.memory_space<vmem>>[vector<16xi32>, vector<16xi32>], vector<16xf32>,
    %gather3A_1517 = tpu.vector_load_idx %arg14[%add3A_1515, %and3A_1489] : memref<2048x8xf32, #tpu.memory_space<vmem>>[vector<16xi32>, vector<16xi32>], vector<16xf32>,
    %mul3A_1518 = arith.mulf %gather3A_1516, %gather3A_1517 : vector<16xf32>
    %add3A_1519 = arith.addf %add3A_1512, %mul3A_1518 : vector<16xf32>
    %swap3A_1520 = arith.constant 464 : index
    %swap3A_1521 = tpu.vector_load %arg15[%swap3A_1520] {strides = array<i32>} : memref<512xf32, #tpu.memory_space<vmem>>, vector<16xf32>,
    tpu.vector_store %arg15[%swap3A_1520], %add3A_1519 {strides = array<i32>} : memref<512xf32, #tpu.memory_space<vmem>>, vector<16xf32>,
    %add3A_1522 = arith.constant 480 : i32
    %add3A_1523 = vector.broadcast %add3A_1522 : i32 to vector<16xi32>
    %add3A_1524 = arith.addi %add3A_1523, %iota3A : vector<16xi32>
    %get3A_1525 = arith.constant 480 : index
    %get3A_1526 = tpu.vector_load %arg9[%get3A_1525] {strides = array<i32>} : memref<512xi32, #tpu.memory_space<vmem>>, vector<16xi32>,
    %and3A_1527 = arith.constant 7 : i32
    %and3A_1528 = vector.broadcast %and3A_1527 : i32 to vector<16xi32>
    %and3A_1529 = arith.andi %get3A_1526, %and3A_1528 : vector<16xi32>
    %get3A_1530 = arith.constant 480 : index
    %get3A_1531 = tpu.vector_load %arg11[%get3A_1530] {strides = array<i32>} : memref<512xi32, #tpu.memory_space<vmem>>, vector<16xi32>,
    %and3A_1532 = arith.constant 7 : i32
    %and3A_1533 = vector.broadcast %and3A_1532 : i32 to vector<16xi32>
    %and3A_1534 = arith.andi %get3A_1531, %and3A_1533 : vector<16xi32>
    %broadcast_in_dim3A_1535 = arith.constant 0.000000e+00 : f32
    %broadcast_in_dim3A_1536 = vector.broadcast %broadcast_in_dim3A_1535 : f32 to vector<16xf32>
    %add3A_1537 = arith.constant 0 : i32
    %add3A_1538 = vector.broadcast %add3A_1537 : i32 to vector<16xi32>
    %add3A_1539 = arith.addi %add3A_1538, %add3A_1524 : vector<16xi32>
    %gather3A_1540 = tpu.vector_load_idx %arg13[%add3A_1539, %and3A_1529] : memref<2048x8xf32, #tpu.memory_space<vmem>>[vector<16xi32>, vector<16xi32>], vector<16xf32>,
    %gather3A_1541 = tpu.vector_load_idx %arg14[%add3A_1539, %and3A_1534] : memref<2048x8xf32, #tpu.memory_space<vmem>>[vector<16xi32>, vector<16xi32>], vector<16xf32>,
    %mul3A_1542 = arith.mulf %gather3A_1540, %gather3A_1541 : vector<16xf32>
    %add3A_1543 = arith.addf %broadcast_in_dim3A_1536, %mul3A_1542 : vector<16xf32>
    %add3A_1544 = arith.constant 512 : i32
    %add3A_1545 = vector.broadcast %add3A_1544 : i32 to vector<16xi32>
    %add3A_1546 = arith.addi %add3A_1545, %add3A_1524 : vector<16xi32>
    %gather3A_1547 = tpu.vector_load_idx %arg13[%add3A_1546, %and3A_1529] : memref<2048x8xf32, #tpu.memory_space<vmem>>[vector<16xi32>, vector<16xi32>], vector<16xf32>,
    %gather3A_1548 = tpu.vector_load_idx %arg14[%add3A_1546, %and3A_1534] : memref<2048x8xf32, #tpu.memory_space<vmem>>[vector<16xi32>, vector<16xi32>], vector<16xf32>,
    %mul3A_1549 = arith.mulf %gather3A_1547, %gather3A_1548 : vector<16xf32>
    %add3A_1550 = arith.addf %add3A_1543, %mul3A_1549 : vector<16xf32>
    %add3A_1551 = arith.constant 1024 : i32
    %add3A_1552 = vector.broadcast %add3A_1551 : i32 to vector<16xi32>
    %add3A_1553 = arith.addi %add3A_1552, %add3A_1524 : vector<16xi32>
    %gather3A_1554 = tpu.vector_load_idx %arg13[%add3A_1553, %and3A_1529] : memref<2048x8xf32, #tpu.memory_space<vmem>>[vector<16xi32>, vector<16xi32>], vector<16xf32>,
    %gather3A_1555 = tpu.vector_load_idx %arg14[%add3A_1553, %and3A_1534] : memref<2048x8xf32, #tpu.memory_space<vmem>>[vector<16xi32>, vector<16xi32>], vector<16xf32>,
    %mul3A_1556 = arith.mulf %gather3A_1554, %gather3A_1555 : vector<16xf32>
    %add3A_1557 = arith.addf %add3A_1550, %mul3A_1556 : vector<16xf32>
    %add3A_1558 = arith.constant 1536 : i32
    %add3A_1559 = vector.broadcast %add3A_1558 : i32 to vector<16xi32>
    %add3A_1560 = arith.addi %add3A_1559, %add3A_1524 : vector<16xi32>
    %gather3A_1561 = tpu.vector_load_idx %arg13[%add3A_1560, %and3A_1529] : memref<2048x8xf32, #tpu.memory_space<vmem>>[vector<16xi32>, vector<16xi32>], vector<16xf32>,
    %gather3A_1562 = tpu.vector_load_idx %arg14[%add3A_1560, %and3A_1534] : memref<2048x8xf32, #tpu.memory_space<vmem>>[vector<16xi32>, vector<16xi32>], vector<16xf32>,
    %mul3A_1563 = arith.mulf %gather3A_1561, %gather3A_1562 : vector<16xf32>
    %add3A_1564 = arith.addf %add3A_1557, %mul3A_1563 : vector<16xf32>
    %swap3A_1565 = arith.constant 480 : index
    %swap3A_1566 = tpu.vector_load %arg15[%swap3A_1565] {strides = array<i32>} : memref<512xf32, #tpu.memory_space<vmem>>, vector<16xf32>,
    tpu.vector_store %arg15[%swap3A_1565], %add3A_1564 {strides = array<i32>} : memref<512xf32, #tpu.memory_space<vmem>>, vector<16xf32>,
    %add3A_1567 = arith.constant 496 : i32
    %add3A_1568 = vector.broadcast %add3A_1567 : i32 to vector<16xi32>
    %add3A_1569 = arith.addi %add3A_1568, %iota3A : vector<16xi32>
    %get3A_1570 = arith.constant 496 : index
    %get3A_1571 = tpu.vector_load %arg9[%get3A_1570] {strides = array<i32>} : memref<512xi32, #tpu.memory_space<vmem>>, vector<16xi32>,
    %and3A_1572 = arith.constant 7 : i32
    %and3A_1573 = vector.broadcast %and3A_1572 : i32 to vector<16xi32>
    %and3A_1574 = arith.andi %get3A_1571, %and3A_1573 : vector<16xi32>
    %get3A_1575 = arith.constant 496 : index
    %get3A_1576 = tpu.vector_load %arg11[%get3A_1575] {strides = array<i32>} : memref<512xi32, #tpu.memory_space<vmem>>, vector<16xi32>,
    %and3A_1577 = arith.constant 7 : i32
    %and3A_1578 = vector.broadcast %and3A_1577 : i32 to vector<16xi32>
    %and3A_1579 = arith.andi %get3A_1576, %and3A_1578 : vector<16xi32>
    %broadcast_in_dim3A_1580 = arith.constant 0.000000e+00 : f32
    %broadcast_in_dim3A_1581 = vector.broadcast %broadcast_in_dim3A_1580 : f32 to vector<16xf32>
    %add3A_1582 = arith.constant 0 : i32
    %add3A_1583 = vector.broadcast %add3A_1582 : i32 to vector<16xi32>
    %add3A_1584 = arith.addi %add3A_1583, %add3A_1569 : vector<16xi32>
    %gather3A_1585 = tpu.vector_load_idx %arg13[%add3A_1584, %and3A_1574] : memref<2048x8xf32, #tpu.memory_space<vmem>>[vector<16xi32>, vector<16xi32>], vector<16xf32>,
    %gather3A_1586 = tpu.vector_load_idx %arg14[%add3A_1584, %and3A_1579] : memref<2048x8xf32, #tpu.memory_space<vmem>>[vector<16xi32>, vector<16xi32>], vector<16xf32>,
    %mul3A_1587 = arith.mulf %gather3A_1585, %gather3A_1586 : vector<16xf32>
    %add3A_1588 = arith.addf %broadcast_in_dim3A_1581, %mul3A_1587 : vector<16xf32>
    %add3A_1589 = arith.constant 512 : i32
    %add3A_1590 = vector.broadcast %add3A_1589 : i32 to vector<16xi32>
    %add3A_1591 = arith.addi %add3A_1590, %add3A_1569 : vector<16xi32>
    %gather3A_1592 = tpu.vector_load_idx %arg13[%add3A_1591, %and3A_1574] : memref<2048x8xf32, #tpu.memory_space<vmem>>[vector<16xi32>, vector<16xi32>], vector<16xf32>,
    %gather3A_1593 = tpu.vector_load_idx %arg14[%add3A_1591, %and3A_1579] : memref<2048x8xf32, #tpu.memory_space<vmem>>[vector<16xi32>, vector<16xi32>], vector<16xf32>,
    %mul3A_1594 = arith.mulf %gather3A_1592, %gather3A_1593 : vector<16xf32>
    %add3A_1595 = arith.addf %add3A_1588, %mul3A_1594 : vector<16xf32>
    %add3A_1596 = arith.constant 1024 : i32
    %add3A_1597 = vector.broadcast %add3A_1596 : i32 to vector<16xi32>
    %add3A_1598 = arith.addi %add3A_1597, %add3A_1569 : vector<16xi32>
    %gather3A_1599 = tpu.vector_load_idx %arg13[%add3A_1598, %and3A_1574] : memref<2048x8xf32, #tpu.memory_space<vmem>>[vector<16xi32>, vector<16xi32>], vector<16xf32>,
    %gather3A_1600 = tpu.vector_load_idx %arg14[%add3A_1598, %and3A_1579] : memref<2048x8xf32, #tpu.memory_space<vmem>>[vector<16xi32>, vector<16xi32>], vector<16xf32>,
    %mul3A_1601 = arith.mulf %gather3A_1599, %gather3A_1600 : vector<16xf32>
    %add3A_1602 = arith.addf %add3A_1595, %mul3A_1601 : vector<16xf32>
    %add3A_1603 = arith.constant 1536 : i32
    %add3A_1604 = vector.broadcast %add3A_1603 : i32 to vector<16xi32>
    %add3A_1605 = arith.addi %add3A_1604, %add3A_1569 : vector<16xi32>
    %gather3A_1606 = tpu.vector_load_idx %arg13[%add3A_1605, %and3A_1574] : memref<2048x8xf32, #tpu.memory_space<vmem>>[vector<16xi32>, vector<16xi32>], vector<16xf32>,
    %gather3A_1607 = tpu.vector_load_idx %arg14[%add3A_1605, %and3A_1579] : memref<2048x8xf32, #tpu.memory_space<vmem>>[vector<16xi32>, vector<16xi32>], vector<16xf32>,
    %mul3A_1608 = arith.mulf %gather3A_1606, %gather3A_1607 : vector<16xf32>
    %add3A_1609 = arith.addf %add3A_1602, %mul3A_1608 : vector<16xf32>
    %swap3A_1610 = arith.constant 496 : index
    %swap3A_1611 = tpu.vector_load %arg15[%swap3A_1610] {strides = array<i32>} : memref<512xf32, #tpu.memory_space<vmem>>, vector<16xf32>,
    tpu.vector_store %arg15[%swap3A_1610], %add3A_1609 {strides = array<i32>} : memref<512xf32, #tpu.memory_space<vmem>>, vector<16xf32>,
    "tpu.region"() ({
      %run_scoped3A = tpu.sem_alloc : memref<!tpu.dma_semaphore, #tpu.memory_space<semaphore_mem>>
      %dma_start3A_1612 = tpu.memref_slice %arg8[%mul3A_2] : memref<16384xf32, #tpu.memory_space<hbm>> -> memref<512xf32, #tpu.memory_space<hbm>>
      %dma_start3A_1613 = tpu.memref_slice %arg8[%mul3A_2] : memref<16384xf32, #tpu.memory_space<hbm>> -> memref<512xf32, #tpu.memory_space<hbm>>
      tpu.enqueue_dma source(%arg15 : memref<512xf32, #tpu.memory_space<vmem>>) target(%dma_start3A_1613 : memref<512xf32, #tpu.memory_space<hbm>>) target_semaphore(%run_scoped3A : memref<!tpu.dma_semaphore, #tpu.memory_space<semaphore_mem>>)
      %dma_wait3A_1614 = tpu.memref_slice %arg8[%mul3A_2] : memref<16384xf32, #tpu.memory_space<hbm>> -> memref<512xf32, #tpu.memory_space<hbm>>
      %dma_wait3A_1615 = tpu.memref_slice %arg8[%mul3A_2] : memref<16384xf32, #tpu.memory_space<hbm>> -> memref<512xf32, #tpu.memory_space<hbm>>
      tpu.wait_dma2 semaphore(%run_scoped3A : memref<!tpu.dma_semaphore, #tpu.memory_space<semaphore_mem>>) src(%arg15 : memref<512xf32, #tpu.memory_space<vmem>>) dst(%dma_wait3A_1615 : memref<512xf32, #tpu.memory_space<hbm>>)
      tpu.yield
    }) : () -> ()
    return
  }
}

</mosaic_0001>

<sc_bundles>
// kernel: _score_pairs.3.cloned.1.call-start
scs
__scs_entry_jumppad:
0x0: {  	(pc) =	sbr.rel $0x88, $3  }
0x1: {  	(tag) =	ssettag $0x0;
	lr =	simm.s32 $0x1  }
0x2: {  	[smem:$0x3F9B] =	sst lr;
	_ =	strace $0xD0000000  }
0x3: {  	_ = 	snop  }
0x4: {  	_ = 	snop  }
0x5: {  	_ = 	snop  }
0x6: {  	_ = 	snop  }
0x7: {  	_ = 	snop  }
__scs_overlays_trampoline_lowered:
0x8: {  	[smem:$0x3FAA] =	sst s0  }
0x9: {  	[smem:$0x3FAB] =	sst s1  }
0xa: {  	[smem:$0x3FAC] =	sst s2  }
0xb: {  	[smem:$0x3FAD] =	sst s3  }
0xc: {  	[smem:$0x3FAE] =	sst s4  }
0xd: {  	[smem:$0x3FAF] =	sst s5  }
0xe: {  	[smem:$0x3FB0] =	sst s6  }
0xf: {  	[smem:$0x3FB1] =	sst s7  }
0x10: {  	[smem:$0x3FB2] =	sst s8  }
0x11: {  	[smem:$0x3FB3] =	sst s9;
	s0 =	simm.s32 @!p0 $0x0  }
0x12: {  	s1 =	sld [smem:$0x3F99];
	s0 =	simm.s32 @p0 $0x1  }
0x13: {  	[smem:$0x3FB4] =	sst s0;
	s0 =	simm.s32 @!p1 $0x0  }
0x14: {  	s2 =	sld [smem:$0x3F98];
	s0 =	simm.s32 @p1 $0x1  }
0x15: {  	[smem:$0x3FB5] =	sst s0;
	s0 =	simm.s32 @!p2 $0x0  }
0x16: {  	s3 =	sld [smem:$0x3FDB];
	s0 =	simm.s32 @p2 $0x1  }
0x17: {  	s4 =	simm.s32 $0x1BF5;
	[smem:$0x3FB7] =	sst s0  }
0x18: {  	s0 =	sld [smem:$0x3F9A];
	_ =	swait.ge [sflag:s4], $0x0  }
0x19: {  	s7 =	sld [smem:$0x3F9B]  }
0x1a: {  	s8 =	sadd.s32 $0xFFFFE003, lr  }
0x1b: {  	s9 =	sadd.s32 $0xFFFFFEF7, lr;
	s5 =	simm.s32 $0xFFFFFFFF;
	p2 =	slt.u32 s8, $0xFFFFF086  }
0x1c: {  	p1 =	slt.u32 s9, $0xF7A;
	s5 =	simm.s32 @!p2 $0x0  }
0x1d: {  	s5 =	simm.s32 @p1 $0x1;
	p0 =	seq.s32 s7, s2  }
0x1e: {  	s7 =	smul.u32 @!p0 $0xF7A, s2;
	p2 =	seq.s32 @!p0 s5, $0x0  }
0x1f: {  	s9 =	smul.u32 $0xF7A, s1;
	s8 =	simm.s32 @!p0 $0x1BF5;
	p2 =	por !p2, p0  }
0x20: {  	[sflag:s8] =	ssyncset.s32 @!p0 $0xFFFFF086;
	s6 =	sadd.s32 @!p0 s3, s7;
	s7 =	simm.s32 @!p0 $0x108  }
0x21: {  	s3 =	sadd.s32 s3, s9;
	s6 =	sadd.s32 @!p0 $0x88, s6;
	s7 =	simm.s32 @p2 $0x1082  }
0x22: {  	[simem:s7], [sflag:s8] =	dma.local @!p0 [hbm:s6], $0xF7A  }
0x23: {  	s9 =	sor.u32 $0xD0000000, s2;
	s6 =	simm.s32 $0x108;
	_ =	swait.ge @!p0 [sflag:s8], $0x0  }
0x24: {  	s3 =	sadd.s32 $0x88, s3;
	s6 =	simm.s32 @!p1 $0x1082;
	[sflag:s4] =	ssyncset.s32 $0xFFFFF086  }
0x25: {  	[simem:s6], [sflag:s4] =	dma.local [hbm:s3], $0xF7A  }
0x26: {  	[smem:$0x3F9B] =	sst s1;
	(tag) =	ssettag s2;
	_ =	strace s9  }
0x27: {  	s1 =	sld [smem:$0x3FAB]  }
0x28: {  	s2 =	sld [smem:$0x3FAC]  }
0x29: {  	s4 =	sld [smem:$0x3FAE]  }
0x2a: {  	p0 =	seq.s32 s5, $0x0;
	s5 =	sld [smem:$0x3FAF]  }
0x2b: {  	s6 =	sld [smem:$0x3FB0]  }
0x2c: {  	s7 =	sld [smem:$0x3FB1]  }
0x2d: {  	s3 =	simm.s32 $0x108;
	s8 =	sld [smem:$0x3FB2]  }
0x2e: {  	s3 =	simm.s32 @!p0 $0x1082;
	s9 =	sld [smem:$0x3FB3]  }
0x2f: {  	lr =	sadd.s32 s0, s3;
	s0 =	sld [smem:$0x3FAA]  }
0x30: {  	s3 =	sld [smem:$0x3FAD]  }
0x31: {  	[smem:$0x3FB6] =	sst s10  }
0x32: {  	s10 =	sld [smem:$0x3FB4];
	_ =	sdelay $0x3  }
0x33: {  	p0 =	seq.s32 s10, $0x1;
	s10 =	sld [smem:$0x3FB6];
	_ =	sdelay $0x3  }
0x34: {  	[smem:$0x3FB6] =	sst s10  }
0x35: {  	s10 =	sld [smem:$0x3FB5];
	_ =	sdelay $0x3  }
0x36: {  	p1 =	seq.s32 s10, $0x1;
	s10 =	sld [smem:$0x3FB6];
	_ =	sdelay $0x3  }
0x37: {  	[smem:$0x3FB6] =	sst s10  }
0x38: {  	s10 =	sld [smem:$0x3FB7]  }
0x39: {  	_ = 	snop;
	(pc) =	sbr.ind lr, $3  }
0x3a: {  	_ = 	snop  }
0x3b: {  	_ = 	snop  }
0x3c: {  	p2 =	seq.s32 s10, $0x1;
	s10 =	sld [smem:$0x3FB6]  }
0x3d: {  	_ =	shalt  }
0x3e: {  	_ =	shalt  }
0x3f: {  	_ =	shalt  }
0x40: {  	_ =	shalt  }
0x41: {  	_ =	shalt  }
0x42: {  	_ =	shalt  }
0x43: {  	_ =	shalt  }
0x44: {  	_ =	shalt  }
0x45: {  	_ =	shalt  }
0x46: {  	_ =	shalt  }
0x47: {  	_ =	shalt  }
0x48: {  	_ =	shalt  }
0x49: {  	_ =	shalt  }
0x4a: {  	_ =	shalt  }
0x4b: {  	_ =	shalt  }
0x4c: {  	_ =	shalt  }
0x4d: {  	_ =	shalt  }
0x4e: {  	_ =	shalt  }
0x4f: {  	_ =	shalt  }
0x50: {  	_ =	shalt  }
0x51: {  	_ =	shalt  }
0x52: {  	_ =	shalt  }
0x53: {  	_ =	shalt  }
0x54: {  	_ =	shalt  }
0x55: {  	_ =	shalt  }
0x56: {  	_ =	shalt  }
0x57: {  	_ =	shalt  }
0x58: {  	_ =	shalt  }
0x59: {  	_ =	shalt  }
0x5a: {  	_ =	shalt  }
0x5b: {  	_ =	shalt  }
0x5c: {  	_ =	shalt  }
0x5d: {  	_ =	shalt  }
0x5e: {  	_ =	shalt  }
0x5f: {  	_ =	shalt  }
0x60: {  	_ =	shalt  }
0x61: {  	_ =	shalt  }
0x62: {  	_ =	shalt  }
0x63: {  	_ =	shalt  }
0x64: {  	_ =	shalt  }
0x65: {  	_ =	shalt  }
0x66: {  	_ =	shalt  }
0x67: {  	_ =	shalt  }
0x68: {  	_ =	shalt  }
0x69: {  	_ =	shalt  }
0x6a: {  	_ =	shalt  }
0x6b: {  	_ =	shalt  }
0x6c: {  	_ =	shalt  }
0x6d: {  	_ =	shalt  }
0x6e: {  	_ =	shalt  }
0x6f: {  	_ =	shalt  }
0x70: {  	_ =	shalt  }
0x71: {  	_ =	shalt  }
0x72: {  	_ =	shalt  }
0x73: {  	_ =	shalt  }
0x74: {  	_ =	shalt  }
0x75: {  	_ =	shalt  }
0x76: {  	_ =	shalt  }
0x77: {  	_ =	shalt  }
0x78: {  	_ =	shalt  }
0x79: {  	_ =	shalt  }
0x7a: {  	_ =	shalt  }
0x7b: {  	_ =	shalt  }
0x7c: {  	_ =	shalt  }
0x7d: {  	_ =	shalt  }
0x7e: {  	_ =	shalt  }
0x7f: {  	_ =	shalt  }
0x80: {  	_ =	shalt  }
0x81: {  	_ =	shalt  }
0x82: {  	_ =	shalt  }
0x83: {  	_ =	shalt  }
0x84: {  	_ =	shalt  }
0x85: {  	_ =	shalt  }
0x86: {  	_ =	shalt  }
0x87: {  	_ =	shalt  }
.Lfunc_end0:
.L_simem_size_0:
called_computation_lowered:
.L_overlay_start_0:
0x88: {  	s2 =	sld [smem:$0x3FD9]  }
0x89: {  	s3 =	sld [smem:$0x3FFE];
	_ =	sdelay $0x1  }
0x8a: {  	s1 =	srdreg.scid  }
0x8b: {  	s0 =	sand.u32 $0x1, s1  }
0x8c: {  	s17 =	sshll.u32 s0, $0xA;
	s2 =	sadd.s32 s3, s2  }
0x8d: {  	s2 =	sadd.s32 s2, s17  }
0x8e: {  	[smem:$0x3FC2] =	sst s2  }
0x8f: {  	_ = 	snop  }
0x90: {  	s2 =	sld [smem:$0x3FC9]  }
0x91: {  	s18 =	sld [smem:$0x3FC8]  }
0x92: {  	s4 =	sld [smem:$0x3FC7]  }
0x93: {  	s5 =	sld [smem:$0x3FC6]  }
0x94: {  	s6 =	sld [smem:$0x3FD0];
	(tm) =	ssettm $0x1  }
0x95: {  	s7 =	sld [smem:$0x3FFB];
	_ =	sdelay $0x3  }
0x96: {  	_ =	strace s7  }
0x97: {  	s7 =	sld [smem:$0x3FFC];
	_ =	sdelay $0x3  }
0x98: {  	_ =	strace s7  }
0x99: {  	s7 =	sld [smem:$0x3FFD];
	_ =	sdelay $0x3  }
0x9a: {  	_ =	strace s7  }
0x9b: {  	_ =	strace $0x8FFFFFFF  }
0x9c: {  	s19 =	sld [smem:$0x3FDB];
	_ =	sdelay $0x1  }
0x9d: {  	s8 =	simm.s32 $_scs_section_size  }
0x9e: {  	s9 =	simm.s32 $_size__tile_overlayer_lowered;
	s10 =	simm.s32 $_tile_overlayer_lowered  }
0x9f: {  	s22 =	simm.s32 $0x1BFF;
	s21 =	sshll.u32 s10, $0x1;
	s7 =	sadd.s32 s8, s19  }
0xa0: {  	s11 =	simm.s32 $0x0;
	s20 =	sshll.u32 s9, $0x1;
	s9 =	sadd.s32 s21, s7  }
0xa1: {  	[timem:s11], [sflag:s22] =	dma.local [hbm:s9], s20  }
0xa2: {  	_ =	swait.ge [sflag:s22], s20  }
0xa3: {  	s8 =	ssub.s32 $0x0, s20;
	[sflag:s22] =	ssyncset.done $0x0  }
0xa4: {  	[sflag:s22] =	ssyncadd.s32 s8;
	_ =	sdelay $0x1  }
0xa5: {  	s23 =	simm.s32 $0x1B8B  }
0xa6: {  	_ =	swait.ge [sflag:s23], $0x1  }
0xa7: {  	[sflag:s23] =	ssyncset.done $0x0  }
0xa8: {  	s25 =	simm.s32 $0x1B8E;
	s24 =	sld [smem:$0x3FFE];
	[sflag:s23] =	ssyncadd.s32 $0xFFFFFFFF  }
0xa9: {  	s26 =	simm.s32 $execute0_lowered;
	[smem:$0x3FD2] =	sst s25  }
0xaa: {  	s9 =	sshll.u32 s26, $0x1;
	_ =	strace $0x80000046;
	[dreg:$0x1] =	wrdreg $0xFFFFFFFF  }
0xab: {  	s28 =	simm.s32 $_size_execute0_lowered;
	s7 =	sadd.s32 s7, s9;
	[dreg:$0x0] =	wrdreg $0x0  }
0xac: {  	s9 =	sshll.u32 s28, $0x1;
	[dreg:$0x2] =	wrdreg s7  }
0xad: {  	[dreg:$0x3] =	wrdreg s9  }
0xae: {  	[dreg:$0x4] =	wrdreg $0xC0  }
0xaf: {  	_ =	task [dreg:s11], $0x5FFFF  }
0xb0: {  	[dreg:$0x1] =	wrdreg $0xFFFFFFFF  }
0xb1: {  	[dreg:$0x0] =	wrdreg $0x60  }
0xb2: {  	[dreg:$0x2] =	wrdreg s2  }
0xb3: {  	[dreg:$0x3] =	wrdreg s18  }
0xb4: {  	[dreg:$0x4] =	wrdreg s4  }
0xb5: {  	[dreg:$0x5] =	wrdreg s5  }
0xb6: {  	[dreg:$0x6] =	wrdreg s24  }
0xb7: {  	[dreg:$0x7] =	wrdreg s6  }
0xb8: {  	[dreg:$0x8] =	wrdreg $0x9  }
0xb9: {  	_ =	task.clear_ibuf [dreg:s11], $0x9FFFF;
	_ =	strace $0x90000046  }
0xba: {  	s29 =	simm.s32 $0x9;
	_ =	strace $0x80000048  }
0xbb: {  	_ =	swait.ge [sflag:s29], $0x1  }
0xbc: {  	[sflag:s29] =	ssyncadd.s32 $0xFFFFFFFF  }
0xbd: {  	_ =	strace $0x90000048  }
0xbe: {  	_ =	sfence  }
0xbf: {  	s30 =	sld [smem:$0x0];
	_ =	sdelay $0x2  }
0xc0: {  	s31 =	sshll.u32 s1, $0xD;
	s1 =	sshrl.u32 s1, $0x2  }
0xc1: {  	s3 =	sand.u32 $0x4000, s31;
	s1 =	sadd.s32 s1, s30  }
0xc2: {  	s0 =	sor.u32 s3, s0;
	s1 =	sshll.u32 s1, $0x11  }
0xc3: {  	s0 =	sor.u32 s1, s0  }
0xc4: {  	s0 =	sadd.s32 $0x8F2B, s0  }
0xc5: {  	[sflag:s0] =	ssyncadd.remote.s32 $0x1  }
0xc6: {  	_ =	sfence.sel $0xFFFF  }
0xc7: {  	[dreg:$0x0] =	wrdreg $0xFFFFFFFF;
	(pc) =	sbr.abs _section_cstart, $3  }
0xc8: {  	[dreg:$0x1] =	wrdreg $0xFFFFFFFF  }
0xc9: {  	_ =	task.clear_ibuf [dreg:s11], $0x2FFFF;
	_ =	strace $0x9FFFFFFF  }
0xca: {  	(tm) =	ssettm $0x7FFFFFFF  }
0xcb: {  	_ =	shalt  }
tec
execute0_lowered:
.L_overlay_start_1:
0x0: {  	(tag) =	ssettag $0x1  }
0x1: {  	v0 =	vlaneseq.u32  }
0x2: {  	v0 =	vmul.u32 $0x8, v0;
	_ =	sdelay $0x1  }
0x3: {  	v1 =	vor.u32 $0x1000, v0;
	v10 =	vor.u32 $0x2100, v0;
	v11 =	vor.u32 $0x3100, v0  }
0x4: {  	s8 =	rddreg [dreg:$0x0];
	v12 =	vor.u32 $0x180, v0;
	v13 =	vor.u32 $0x1180, v0;
	v14 =	vor.u32 $0x2180, v0  }
0x5: {  	s10 =	rddreg [dreg:$0x1];
	v15 =	vor.u32 $0x3180, v0;
	v16 =	vor.u32 $0x200, v0;
	v17 =	vor.u32 $0x1200, v0  }
0x6: {  	s11 =	rddreg [dreg:$0x2];
	v18 =	vor.u32 $0x2200, v0;
	v19 =	vor.u32 $0x3200, v0;
	v20 =	vor.u32 $0x280, v0  }
0x7: {  	s13 =	rddreg [dreg:$0x3];
	v21 =	vor.u32 $0x1280, v0;
	v22 =	vor.u32 $0x2280, v0;
	v23 =	vor.u32 $0x3280, v0  }
0x8: {  	s14 =	rddreg [dreg:$0x4];
	v24 =	vor.u32 $0x300, v0;
	v25 =	vor.u32 $0x1300, v0;
	v26 =	vor.u32 $0x2300, v0  }
0x9: {  	s15 =	rddreg [dreg:$0x5];
	v27 =	vor.u32 $0x3300, v0;
	v28 =	vor.u32 $0x380, v0;
	v29 =	vor.u32 $0x1380, v0  }
0xa: {  	s0 =	rddreg [dreg:$0x6];
	s1 =	simm.s32 $0x0;
	s18 =	simm.s32 $0x200;
	v30 =	vor.u32 $0x2380, v0;
	v31 =	vor.u32 $0x3380, v0;
	v32 =	vor.u32 $0x400, v0  }
0xb: {  	s19 =	simm.s32 $0x400;
	s20 =	simm.s32 $0x600;
	s21 =	simm.s32 $0x800;
	v33 =	vor.u32 $0x1400, v0;
	v34 =	vor.u32 $0x2400, v0;
	v35 =	vor.u32 $0x3400, v0  }
0xc: {  	s22 =	simm.s32 $0x4800;
	s24 =	simm.s32 $0x5800;
	s25 =	simm.s32 $0x2800;
	v36 =	vor.u32 $0x480, v0;
	v37 =	vor.u32 $0x1480, v0;
	v38 =	vor.u32 $0x2480, v0  }
0xd: {  	s26 =	simm.s32 $0x6800;
	s28 =	simm.s32 $0x3800;
	s29 =	simm.s32 $0x7800;
	v39 =	vor.u32 $0x3480, v0;
	v40 =	vor.u32 $0x500, v0;
	v41 =	vor.u32 $0x1500, v0  }
0xe: {  	s31 =	simm.s32 $0x8800;
	[smem:$0x7FF] =	sst s1;
	v42 =	vor.u32 $0x2500, v0;
	v43 =	vor.u32 $0x3500, v0;
	[tilespmem:$0x1FF70] =	vst v1;
	v1 =	vor.u32 $0x2000, v0  }
0xf: {  	s4 =	srdreg.scid;
	s23 =	simm.s32 $0x1800;
	s2 =	sadd.s32 $0x7A1800, s14;
	v44 =	vor.u32 $0x580, v0;
	v45 =	vor.u32 $0x1580, v0;
	[tilespmem:$0x1FF80] =	vst v1;
	v1 =	vor.u32 $0x3000, v0  }
0x10: {  	s30 =	simm.s32 $0x1;
	s3 =	sadd.s32 $0x81BA00, s14;
	s6 =	sand.u32 $0x1, s4;
	v46 =	vor.u32 $0x2580, v0;
	v47 =	vor.u32 $0x3580, v0;
	[tilespmem:$0x1FF90] =	vst v1;
	v1 =	vor.u32 $0x80, v0  }
0x11: {  	s4 =	stileid.u32;
	s5 =	sadd.s32 $0x7C0048, s14;
	s9 =	ssub.s32 $0x2, s6;
	v48 =	vor.u32 $0x600, v0;
	v49 =	vor.u32 $0x1600, v0;
	[tilespmem:$0x1FFA0] =	vst v1;
	v1 =	vor.u32 $0x1080, v0  }
0x12: {  	s7 =	sshll.u32 s4, $0x7;
	s12 =	sshll.u32 s6, $0x6;
	s6 =	sadd.s32 $0x83A248, s14;
	v50 =	vor.u32 $0x2600, v0;
	v51 =	vor.u32 $0x3600, v0;
	[tilespmem:$0x1FFB0] =	vst v1;
	v1 =	vor.u32 $0x2080, v0  }
0x13: {  	s16 =	sshrl.u32 s9, $0x1;
	s17 =	sor.u32 s12, s7;
	s7 =	sadd.s32 $0x7DE890, s14;
	v52 =	vor.u32 $0x680, v0;
	v53 =	vor.u32 $0x1680, v0;
	[tilespmem:$0x1FFC0] =	vst v1;
	v1 =	vor.u32 $0x3080, v0  }
0x14: {  	s12 =	sadd.s32 $0x7FD0D8, s14;
	v54 =	vor.u32 $0x2680, v0;
	v55 =	vor.u32 $0x3680, v0;
	s16 =	ssub.s32 s9, s16;
	s8 =	sadd.s32 s8, s17;
	[tilespmem:$0x1FFD0] =	vst v1;
	v1 =	vor.u32 $0x100, v0  }
0x15: {  	v56 =	vor.u32 $0x700, v0;
	v57 =	vor.u32 $0x1700, v0;
	s9 =	sadd.s32 $0x858A90, s14;
	s10 =	sadd.s32 s10, s17;
	s11 =	sadd.s32 s11, s17;
	[tilespmem:$0x1FFE0] =	vst v1;
	v1 =	vor.u32 $0x1100, v0  }
0x16: {  	v58 =	vor.u32 $0x2700, v0;
	v59 =	vor.u32 $0x3700, v0;
	v60 =	vor.u32 $0x780, v0;
	s13 =	sadd.s32 s13, s17;
	s14 =	sadd.s32 $0x8772D8, s14;
	s15 =	sadd.s32 s15, s17;
	[tilespmem:$0x1FFF0] =	vst v1  }
0x17: {  	v61 =	vor.u32 $0x1780, v0;
	v62 =	vor.u32 $0x2780, v0;
	v63 =	vor.u32 $0x3780, v0;
	s17 =	simm.s32 $0x2;
	s16 =	smax.u32 s16, $0x1;
	_ =	strace $0x80000047  }
.LBB2_1:
0x18: {  	[tilespmem:s1], [sflag:$0x2] =	stream.linear.gather [hbm4b:s8+s1], $0x200, $0x38;
	[tilespmem:$0x8A00] =	vst v63  }
0x19: {  	_ =	swait.ge [sflag:s17], $0x200  }
0x1a: {  	[sflag:s17] =	ssyncset.done $0x0  }
0x1b: {  	[sflag:s17] =	ssyncadd.s32 $0xFFFFFE00  }
0x1c: {  	[tilespmem:s18], [sflag:$0x2] =	stream.linear.gather [hbm4b:s10+s1], $0x200, $0x38;
	[tilespmem:$0x8A00] =	vst v63  }
0x1d: {  	_ =	swait.ge [sflag:s17], $0x200  }
0x1e: {  	[sflag:s17] =	ssyncset.done $0x0  }
0x1f: {  	[sflag:s17] =	ssyncadd.s32 $0xFFFFFE00  }
0x20: {  	[tilespmem:s19], [sflag:$0x2] =	stream.linear.gather [hbm4b:s11+s1], $0x200, $0x38;
	[tilespmem:$0x8A00] =	vst v63  }
0x21: {  	_ =	swait.ge [sflag:s17], $0x200  }
0x22: {  	[sflag:s17] =	ssyncset.done $0x0  }
0x23: {  	[sflag:s17] =	ssyncadd.s32 $0xFFFFFE00  }
0x24: {  	[tilespmem:s20], [sflag:$0x2] =	stream.linear.gather [hbm4b:s13+s1], $0x200, $0x38;
	[tilespmem:$0x8A00] =	vst v63  }
0x25: {  	_ =	swait.ge [sflag:s17], $0x200  }
0x26: {  	[sflag:s17] =	ssyncset.done $0x0  }
0x27: {  	[sflag:s17] =	ssyncadd.s32 $0xFFFFFE00  }
0x28: {  	[tilespmem:s21], [sflag:$0x1] =	stream.indirect.gather [hbm4b:s2+s18], $0x8, s18, s18, $0xb8;
	[tilespmem:$0x8A00] =	vst v63  }
0x29: {  	_ = 	snop  }
0x2a: {  	[tilespmem:s22], [sflag:$0x1] =	stream.indirect.gather [hbm4b:s3+s18], $0x8, s20, s18, $0xb8;
	[tilespmem:$0x8A00] =	vst v63  }
0x2b: {  	_ = 	snop  }
0x2c: {  	[tilespmem:s23], [sflag:$0x1] =	stream.indirect.gather [hbm4b:s5+s18], $0x8, s18, s18, $0xb8;
	[tilespmem:$0x8A00] =	vst v63  }
0x2d: {  	_ = 	snop  }
0x2e: {  	[tilespmem:s24], [sflag:$0x1] =	stream.indirect.gather [hbm4b:s6+s18], $0x8, s20, s18, $0xb8;
	[tilespmem:$0x8A00] =	vst v63  }
0x2f: {  	_ = 	snop  }
0x30: {  	[tilespmem:s25], [sflag:$0x1] =	stream.indirect.gather [hbm4b:s7+s18], $0x8, s18, s18, $0xb8;
	[tilespmem:$0x8A00] =	vst v63  }
0x31: {  	_ = 	snop  }
0x32: {  	[tilespmem:s26], [sflag:$0x1] =	stream.indirect.gather [hbm4b:s9+s18], $0x8, s20, s18, $0xb8;
	[tilespmem:$0x8A00] =	vst v63  }
0x33: {  	_ = 	snop  }
0x34: {  	[tilespmem:s28], [sflag:$0x1] =	stream.indirect.gather [hbm4b:s12+s18], $0x8, s18, s18, $0xb8;
	[tilespmem:$0x8A00] =	vst v63  }
0x35: {  	_ = 	snop  }
0x36: {  	[tilespmem:s29], [sflag:$0x1] =	stream.indirect.gather [hbm4b:s14+s18], $0x8, s20, s18, $0xb8;
	[tilespmem:$0x8A00] =	vst v63  }
0x37: {  	_ =	swait.ge [sflag:s30], $0x1000  }
0x38: {  	[sflag:s30] =	ssyncset.done $0x0  }
0x39: {  	[sflag:s30] =	ssyncadd.s32 $0xFFFFF000  }
0x3a: {  	_ =	swait.ge [sflag:s30], $0x1000  }
0x3b: {  	[sflag:s30] =	ssyncset.done $0x0  }
0x3c: {  	[sflag:s30] =	ssyncadd.s32 $0xFFFFF000  }
0x3d: {  	_ =	swait.ge [sflag:s30], $0x1000  }
0x3e: {  	[sflag:s30] =	ssyncset.done $0x0  }
0x3f: {  	[sflag:s30] =	ssyncadd.s32 $0xFFFFF000  }
0x40: {  	_ =	swait.ge [sflag:s30], $0x1000  }
0x41: {  	[sflag:s30] =	ssyncset.done $0x0  }
0x42: {  	[sflag:s30] =	ssyncadd.s32 $0xFFFFF000  }
0x43: {  	_ =	swait.ge [sflag:s30], $0x1000  }
0x44: {  	[sflag:s30] =	ssyncset.done $0x0  }
0x45: {  	[sflag:s30] =	ssyncadd.s32 $0xFFFFF000  }
0x46: {  	_ =	swait.ge [sflag:s30], $0x1000  }
0x47: {  	[sflag:s30] =	ssyncset.done $0x0  }
0x48: {  	[sflag:s30] =	ssyncadd.s32 $0xFFFFF000  }
0x49: {  	_ =	swait.ge [sflag:s30], $0x1000  }
0x4a: {  	[sflag:s30] =	ssyncset.done $0x0  }
0x4b: {  	[sflag:s30] =	ssyncadd.s32 $0xFFFFF000  }
0x4c: {  	_ =	swait.ge [sflag:s30], $0x1000  }
0x4d: {  	[sflag:s30] =	ssyncset.done $0x0  }
0x4e: {  	[sflag:s30] =	ssyncadd.s32 $0xFFFFF000  }
0x4f: {  	v1 =	vld [tilespmem:$0x0]  }
0x50: {  	v2 =	vld [tilespmem:$0x400];
	_ =	sdelay $0x1  }
0x51: {  	v6 =	vld [tilespmem:$0x1FF70];
	_ =	sdelay $0x1  }
0x52: {  	v8 =	vld [tilespmem:$0x1FF80];
	v1 =	vand.u32 $0x7, v1  }
0x53: {  	v2 =	vand.u32 $0x7, v2;
	v3 =	vor.u32 v0, v1  }
0x54: {  	v9 =	vld [tilespmem:$0x1FF90];
	v4 =	vor.u32 v0, v2  }
0x55: {  	v5 =	vor.u32 v6, v1  }
0x56: {  	v6 =	vor.u32 v6, v2  }
0x57: {  	v7 =	vor.u32 v8, v1  }
0x58: {  	v8 =	vor.u32 v8, v2;
	v3 =	vld.idx.msk [tilespmem:v3+s21+$0x0], $0xffff  }
0x59: {  	v1 =	vor.u32 v9, v1;
	v4 =	vld.idx.msk [tilespmem:v4+s22+$0x0], $0xffff  }
0x5a: {  	v2 =	vor.u32 v9, v2;
	v5 =	vld.idx.msk [tilespmem:v5+s21+$0x0], $0xffff  }
0x5b: {  	v6 =	vld.idx.msk [tilespmem:v6+s22+$0x0], $0xffff  }
0x5c: {  	v7 =	vld.idx.msk [tilespmem:v7+s21+$0x0], $0xffff  }
0x5d: {  	v8 =	vld.idx.msk [tilespmem:v8+s22+$0x0], $0xffff  }
0x5e: {  	v1 =	vld.idx.msk [tilespmem:v1+s21+$0x0], $0xffff  }
0x5f: {  	v2 =	vld.idx.msk [tilespmem:v2+s22+$0x0], $0xffff;
	v3 =	vmul.f32 v4, v3  }
0x60: {  	v5 =	vmul.f32 v6, v5;
	v6 =	vld [tilespmem:$0x410]  }
0x61: {  	v3 =	vadd.f32 $0.0e+00, v3  }
0x62: {  	v4 =	vld [tilespmem:$0x10]  }
0x63: {  	v3 =	vadd.f32 v5, v3;
	v5 =	vmul.f32 v8, v7;
	v7 =	vld [tilespmem:$0x1FFB0];
	_ =	sdelay $0x1  }
0x64: {  	v1 =	vmul.f32 v2, v1;
	v2 =	vand.u32 $0x7, v6;
	v6 =	vld [tilespmem:$0x1FFA0]  }
0x65: {  	v3 =	vadd.f32 v5, v3  }
0x66: {  	v8 =	vld [tilespmem:$0x1FFC0];
	v4 =	vand.u32 $0x7, v4  }
0x67: {  	v1 =	vadd.f32 v1, v3;
	v3 =	vor.u32 v7, v4  }
0x68: {  	v9 =	vld [tilespmem:$0x1FFD0];
	v7 =	vor.u32 v7, v2  }
0x69: {  	v5 =	vor.u32 v6, v4  }
0x6a: {  	v6 =	vor.u32 v6, v2  }
0x6b: {  	[tilespmem:$0x8800] =	vst v1;
	v1 =	vor.u32 v8, v4  }
0x6c: {  	v8 =	vor.u32 v8, v2;
	v3 =	vld.idx.msk [tilespmem:v3+s21+$0x0], $0xffff  }
0x6d: {  	v4 =	vor.u32 v9, v4;
	v7 =	vld.idx.msk [tilespmem:v7+s22+$0x0], $0xffff  }
0x6e: {  	v2 =	vor.u32 v9, v2;
	v5 =	vld.idx.msk [tilespmem:v5+s21+$0x0], $0xffff  }
0x6f: {  	v6 =	vld.idx.msk [tilespmem:v6+s22+$0x0], $0xffff  }
0x70: {  	v1 =	vld.idx.msk [tilespmem:v1+s21+$0x0], $0xffff  }
0x71: {  	v8 =	vld.idx.msk [tilespmem:v8+s22+$0x0], $0xffff  }
0x72: {  	v4 =	vld.idx.msk [tilespmem:v4+s21+$0x0], $0xffff  }
0x73: {  	v2 =	vld.idx.msk [tilespmem:v2+s22+$0x0], $0xffff  }
0x74: {  	v3 =	vmul.f32 v7, v3;
	v7 =	vld [tilespmem:$0x420]  }
0x75: {  	v5 =	vmul.f32 v6, v5  }
0x76: {  	v6 =	vld [tilespmem:$0x20]  }
0x77: {  	v5 =	vadd.f32 $0.0e+00, v5  }
0x78: {  	v1 =	vmul.f32 v8, v1  }
0x79: {  	v2 =	vmul.f32 v2, v4;
	v3 =	vadd.f32 v3, v5;
	v4 =	vand.u32 $0x7, v7;
	v7 =	vld [tilespmem:$0x1FFF0];
	_ =	sdelay $0x1  }
0x7a: {  	v1 =	vadd.f32 v1, v3;
	v3 =	vand.u32 $0x7, v6;
	v6 =	vld [tilespmem:$0x1FFE0];
	_ =	sdelay $0x2  }
0x7b: {  	v1 =	vadd.f32 v2, v1;
	v2 =	vor.u32 v7, v3  }
0x7c: {  	v7 =	vor.u32 v7, v4  }
0x7d: {  	v5 =	vor.u32 v6, v3  }
0x7e: {  	v6 =	vor.u32 v6, v4  }
0x7f: {  	v8 =	vor.u32 v10, v4;
	[tilespmem:$0x8810] =	vst v1  }
0x80: {  	v1 =	vor.u32 v10, v3;
	v2 =	vld.idx.msk [tilespmem:v2+s21+$0x0], $0xffff  }
0x81: {  	v3 =	vor.u32 v11, v3;
	v7 =	vld.idx.msk [tilespmem:v7+s22+$0x0], $0xffff  }
0x82: {  	v4 =	vor.u32 v11, v4;
	v5 =	vld.idx.msk [tilespmem:v5+s21+$0x0], $0xffff  }
0x83: {  	v6 =	vld.idx.msk [tilespmem:v6+s22+$0x0], $0xffff  }
0x84: {  	v8 =	vld.idx.msk [tilespmem:v8+s22+$0x0], $0xffff  }
0x85: {  	v1 =	vld.idx.msk [tilespmem:v1+s21+$0x0], $0xffff  }
0x86: {  	v3 =	vld.idx.msk [tilespmem:v3+s21+$0x0], $0xffff  }
0x87: {  	v4 =	vld.idx.msk [tilespmem:v4+s22+$0x0], $0xffff  }
0x88: {  	v2 =	vmul.f32 v7, v2;
	v7 =	vld [tilespmem:$0x430];
	v5 =	vmul.f32 v6, v5  }
0x89: {  	v6 =	vld [tilespmem:$0x30]  }
0x8a: {  	v5 =	vadd.f32 $0.0e+00, v5;
	_ =	sdelay $0x1  }
0x8b: {  	v1 =	vmul.f32 v8, v1;
	v2 =	vadd.f32 v2, v5  }
0x8c: {  	v3 =	vmul.f32 v4, v3;
	v4 =	vand.u32 $0x7, v7  }
0x8d: {  	v1 =	vadd.f32 v1, v2;
	v2 =	vand.u32 $0x7, v6;
	v6 =	vor.u32 v12, v4  }
0x8e: {  	v7 =	vor.u32 v13, v4  }
0x8f: {  	v5 =	vor.u32 v12, v2;
	v1 =	vadd.f32 v3, v1  }
0x90: {  	v8 =	vor.u32 v14, v4  }
0x91: {  	v3 =	vor.u32 v13, v2;
	[tilespmem:$0x8820] =	vst v1  }
0x92: {  	v4 =	vor.u32 v15, v4;
	v6 =	vld.idx.msk [tilespmem:v6+s22+$0x0], $0xffff  }
0x93: {  	v1 =	vor.u32 v14, v2;
	v7 =	vld.idx.msk [tilespmem:v7+s22+$0x0], $0xffff  }
0x94: {  	v2 =	vor.u32 v15, v2;
	v5 =	vld.idx.msk [tilespmem:v5+s21+$0x0], $0xffff  }
0x95: {  	v8 =	vld.idx.msk [tilespmem:v8+s22+$0x0], $0xffff  }
0x96: {  	v3 =	vld.idx.msk [tilespmem:v3+s21+$0x0], $0xffff  }
0x97: {  	v4 =	vld.idx.msk [tilespmem:v4+s22+$0x0], $0xffff  }
0x98: {  	v1 =	vld.idx.msk [tilespmem:v1+s21+$0x0], $0xffff  }
0x99: {  	v2 =	vld.idx.msk [tilespmem:v2+s21+$0x0], $0xffff;
	v5 =	vmul.f32 v6, v5  }
0x9a: {  	v6 =	vld [tilespmem:$0x40]  }
0x9b: {  	v3 =	vmul.f32 v7, v3;
	v7 =	vld [tilespmem:$0x440];
	v5 =	vadd.f32 $0.0e+00, v5;
	_ =	sdelay $0x1  }
0x9c: {  	v1 =	vmul.f32 v8, v1;
	v3 =	vadd.f32 v3, v5;
	_ =	sdelay $0x1  }
0x9d: {  	v1 =	vadd.f32 v1, v3;
	v3 =	vand.u32 $0x7, v6  }
0x9e: {  	v2 =	vmul.f32 v4, v2;
	v4 =	vand.u32 $0x7, v7;
	v5 =	vor.u32 v16, v3  }
0x9f: {  	v6 =	vor.u32 v16, v4  }
0xa0: {  	v7 =	vor.u32 v17, v4;
	v1 =	vadd.f32 v2, v1  }
0xa1: {  	v8 =	vor.u32 v18, v4  }
0xa2: {  	v2 =	vor.u32 v17, v3;
	[tilespmem:$0x8830] =	vst v1  }
0xa3: {  	v4 =	vor.u32 v19, v4;
	v5 =	vld.idx.msk [tilespmem:v5+s21+$0x0], $0xffff  }
0xa4: {  	v1 =	vor.u32 v18, v3;
	v6 =	vld.idx.msk [tilespmem:v6+s22+$0x0], $0xffff  }
0xa5: {  	v3 =	vor.u32 v19, v3;
	v7 =	vld.idx.msk [tilespmem:v7+s22+$0x0], $0xffff  }
0xa6: {  	v8 =	vld.idx.msk [tilespmem:v8+s22+$0x0], $0xffff  }
0xa7: {  	v2 =	vld.idx.msk [tilespmem:v2+s21+$0x0], $0xffff  }
0xa8: {  	v4 =	vld.idx.msk [tilespmem:v4+s22+$0x0], $0xffff  }
0xa9: {  	v1 =	vld.idx.msk [tilespmem:v1+s21+$0x0], $0xffff  }
0xaa: {  	v3 =	vld.idx.msk [tilespmem:v3+s21+$0x0], $0xffff;
	v5 =	vmul.f32 v6, v5  }
0xab: {  	v6 =	vld [tilespmem:$0x50]  }
0xac: {  	v2 =	vmul.f32 v7, v2;
	v7 =	vld [tilespmem:$0x450];
	v5 =	vadd.f32 $0.0e+00, v5;
	_ =	sdelay $0x1  }
0xad: {  	v1 =	vmul.f32 v8, v1;
	v2 =	vadd.f32 v2, v5;
	_ =	sdelay $0x1  }
0xae: {  	v1 =	vadd.f32 v1, v2;
	v2 =	vand.u32 $0x7, v6  }
0xaf: {  	v3 =	vmul.f32 v4, v3;
	v4 =	vand.u32 $0x7, v7;
	v5 =	vor.u32 v20, v2  }
0xb0: {  	v6 =	vor.u32 v20, v4  }
0xb1: {  	v7 =	vor.u32 v21, v4;
	v1 =	vadd.f32 v3, v1  }
0xb2: {  	v8 =	vor.u32 v22, v4  }
0xb3: {  	v3 =	vor.u32 v21, v2;
	[tilespmem:$0x8840] =	vst v1  }
0xb4: {  	v4 =	vor.u32 v23, v4;
	v5 =	vld.idx.msk [tilespmem:v5+s21+$0x0], $0xffff  }
0xb5: {  	v1 =	vor.u32 v22, v2;
	v6 =	vld.idx.msk [tilespmem:v6+s22+$0x0], $0xffff  }
0xb6: {  	v2 =	vor.u32 v23, v2;
	v7 =	vld.idx.msk [tilespmem:v7+s22+$0x0], $0xffff  }
0xb7: {  	v8 =	vld.idx.msk [tilespmem:v8+s22+$0x0], $0xffff  }
0xb8: {  	v3 =	vld.idx.msk [tilespmem:v3+s21+$0x0], $0xffff  }
0xb9: {  	v4 =	vld.idx.msk [tilespmem:v4+s22+$0x0], $0xffff  }
0xba: {  	v1 =	vld.idx.msk [tilespmem:v1+s21+$0x0], $0xffff  }
0xbb: {  	v2 =	vld.idx.msk [tilespmem:v2+s21+$0x0], $0xffff;
	v5 =	vmul.f32 v6, v5  }
0xbc: {  	v6 =	vld [tilespmem:$0x60]  }
0xbd: {  	v3 =	vmul.f32 v7, v3;
	v7 =	vld [tilespmem:$0x460];
	v5 =	vadd.f32 $0.0e+00, v5;
	_ =	sdelay $0x1  }
0xbe: {  	v1 =	vmul.f32 v8, v1;
	v3 =	vadd.f32 v3, v5;
	_ =	sdelay $0x1  }
0xbf: {  	v1 =	vadd.f32 v1, v3;
	v3 =	vand.u32 $0x7, v6  }
0xc0: {  	v2 =	vmul.f32 v4, v2;
	v4 =	vand.u32 $0x7, v7;
	v5 =	vor.u32 v24, v3  }
0xc1: {  	v6 =	vor.u32 v24, v4  }
0xc2: {  	v7 =	vor.u32 v25, v4;
	v1 =	vadd.f32 v2, v1  }
0xc3: {  	v8 =	vor.u32 v26, v4  }
0xc4: {  	v2 =	vor.u32 v25, v3;
	[tilespmem:$0x8850] =	vst v1  }
0xc5: {  	v4 =	vor.u32 v27, v4;
	v5 =	vld.idx.msk [tilespmem:v5+s21+$0x0], $0xffff  }
0xc6: {  	v1 =	vor.u32 v26, v3;
	v6 =	vld.idx.msk [tilespmem:v6+s22+$0x0], $0xffff  }
0xc7: {  	v3 =	vor.u32 v27, v3;
	v7 =	vld.idx.msk [tilespmem:v7+s22+$0x0], $0xffff  }
0xc8: {  	v8 =	vld.idx.msk [tilespmem:v8+s22+$0x0], $0xffff  }
0xc9: {  	v2 =	vld.idx.msk [tilespmem:v2+s21+$0x0], $0xffff  }
0xca: {  	v4 =	vld.idx.msk [tilespmem:v4+s22+$0x0], $0xffff  }
0xcb: {  	v1 =	vld.idx.msk [tilespmem:v1+s21+$0x0], $0xffff  }
0xcc: {  	v3 =	vld.idx.msk [tilespmem:v3+s21+$0x0], $0xffff;
	v5 =	vmul.f32 v6, v5  }
0xcd: {  	v6 =	vld [tilespmem:$0x70]  }
0xce: {  	v2 =	vmul.f32 v7, v2;
	v7 =	vld [tilespmem:$0x470];
	v5 =	vadd.f32 $0.0e+00, v5;
	_ =	sdelay $0x1  }
0xcf: {  	v1 =	vmul.f32 v8, v1;
	v2 =	vadd.f32 v2, v5;
	_ =	sdelay $0x1  }
0xd0: {  	v1 =	vadd.f32 v1, v2;
	v2 =	vand.u32 $0x7, v6  }
0xd1: {  	v3 =	vmul.f32 v4, v3;
	v4 =	vand.u32 $0x7, v7;
	v5 =	vor.u32 v28, v2  }
0xd2: {  	v6 =	vor.u32 v28, v4  }
0xd3: {  	v7 =	vor.u32 v29, v4;
	v1 =	vadd.f32 v3, v1  }
0xd4: {  	v8 =	vor.u32 v30, v4  }
0xd5: {  	v3 =	vor.u32 v29, v2;
	[tilespmem:$0x8860] =	vst v1  }
0xd6: {  	v4 =	vor.u32 v31, v4;
	v5 =	vld.idx.msk [tilespmem:v5+s21+$0x0], $0xffff  }
0xd7: {  	v1 =	vor.u32 v30, v2;
	v6 =	vld.idx.msk [tilespmem:v6+s22+$0x0], $0xffff  }
0xd8: {  	v2 =	vor.u32 v31, v2;
	v7 =	vld.idx.msk [tilespmem:v7+s22+$0x0], $0xffff  }
0xd9: {  	v8 =	vld.idx.msk [tilespmem:v8+s22+$0x0], $0xffff  }
0xda: {  	v3 =	vld.idx.msk [tilespmem:v3+s21+$0x0], $0xffff  }
0xdb: {  	v4 =	vld.idx.msk [tilespmem:v4+s22+$0x0], $0xffff  }
0xdc: {  	v1 =	vld.idx.msk [tilespmem:v1+s21+$0x0], $0xffff  }
0xdd: {  	v2 =	vld.idx.msk [tilespmem:v2+s21+$0x0], $0xffff;
	v5 =	vmul.f32 v6, v5  }
0xde: {  	v6 =	vld [tilespmem:$0x80]  }
0xdf: {  	v3 =	vmul.f32 v7, v3;
	v7 =	vld [tilespmem:$0x480];
	v5 =	vadd.f32 $0.0e+00, v5;
	_ =	sdelay $0x1  }
0xe0: {  	v1 =	vmul.f32 v8, v1;
	v3 =	vadd.f32 v3, v5;
	_ =	sdelay $0x1  }
0xe1: {  	v1 =	vadd.f32 v1, v3;
	v3 =	vand.u32 $0x7, v6  }
0xe2: {  	v2 =	vmul.f32 v4, v2;
	v4 =	vand.u32 $0x7, v7;
	v5 =	vor.u32 v32, v3  }
0xe3: {  	v6 =	vor.u32 v32, v4  }
0xe4: {  	v7 =	vor.u32 v33, v4;
	v1 =	vadd.f32 v2, v1  }
0xe5: {  	v8 =	vor.u32 v34, v4  }
0xe6: {  	v2 =	vor.u32 v33, v3;
	[tilespmem:$0x8870] =	vst v1  }
0xe7: {  	v4 =	vor.u32 v35, v4;
	v5 =	vld.idx.msk [tilespmem:v5+s21+$0x0], $0xffff  }
0xe8: {  	v1 =	vor.u32 v34, v3;
	v6 =	vld.idx.msk [tilespmem:v6+s22+$0x0], $0xffff  }
0xe9: {  	v3 =	vor.u32 v35, v3;
	v7 =	vld.idx.msk [tilespmem:v7+s22+$0x0], $0xffff  }
0xea: {  	v8 =	vld.idx.msk [tilespmem:v8+s22+$0x0], $0xffff  }
0xeb: {  	v2 =	vld.idx.msk [tilespmem:v2+s21+$0x0], $0xffff  }
0xec: {  	v4 =	vld.idx.msk [tilespmem:v4+s22+$0x0], $0xffff  }
0xed: {  	v1 =	vld.idx.msk [tilespmem:v1+s21+$0x0], $0xffff  }
0xee: {  	v3 =	vld.idx.msk [tilespmem:v3+s21+$0x0], $0xffff;
	v5 =	vmul.f32 v6, v5  }
0xef: {  	v6 =	vld [tilespmem:$0x90]  }
0xf0: {  	v2 =	vmul.f32 v7, v2;
	v7 =	vld [tilespmem:$0x490];
	v5 =	vadd.f32 $0.0e+00, v5;
	_ =	sdelay $0x1  }
0xf1: {  	v1 =	vmul.f32 v8, v1;
	v2 =	vadd.f32 v2, v5;
	_ =	sdelay $0x1  }
0xf2: {  	v1 =	vadd.f32 v1, v2;
	v2 =	vand.u32 $0x7, v6  }
0xf3: {  	v3 =	vmul.f32 v4, v3;
	v4 =	vand.u32 $0x7, v7;
	v5 =	vor.u32 v36, v2  }
0xf4: {  	v6 =	vor.u32 v36, v4  }
0xf5: {  	v7 =	vor.u32 v37, v4;
	v1 =	vadd.f32 v3, v1  }
0xf6: {  	v8 =	vor.u32 v38, v4  }
0xf7: {  	v3 =	vor.u32 v37, v2;
	[tilespmem:$0x8880] =	vst v1  }
0xf8: {  	v4 =	vor.u32 v39, v4;
	v5 =	vld.idx.msk [tilespmem:v5+s21+$0x0], $0xffff  }
0xf9: {  	v1 =	vor.u32 v38, v2;
	v6 =	vld.idx.msk [tilespmem:v6+s22+$0x0], $0xffff  }
0xfa: {  	v2 =	vor.u32 v39, v2;
	v7 =	vld.idx.msk [tilespmem:v7+s22+$0x0], $0xffff  }
0xfb: {  	v8 =	vld.idx.msk [tilespmem:v8+s22+$0x0], $0xffff  }
0xfc: {  	v3 =	vld.idx.msk [tilespmem:v3+s21+$0x0], $0xffff  }
0xfd: {  	v4 =	vld.idx.msk [tilespmem:v4+s22+$0x0], $0xffff  }
0xfe: {  	v1 =	vld.idx.msk [tilespmem:v1+s21+$0x0], $0xffff  }
0xff: {  	v2 =	vld.idx.msk [tilespmem:v2+s21+$0x0], $0xffff;
	v5 =	vmul.f32 v6, v5  }
0x100: {  	v6 =	vld [tilespmem:$0xA0]  }
0x101: {  	v3 =	vmul.f32 v7, v3;
	v7 =	vld [tilespmem:$0x4A0];
	v5 =	vadd.f32 $0.0e+00, v5;
	_ =	sdelay $0x1  }
0x102: {  	v1 =	vmul.f32 v8, v1;
	v3 =	vadd.f32 v3, v5;
	_ =	sdelay $0x1  }
0x103: {  	v1 =	vadd.f32 v1, v3;
	v3 =	vand.u32 $0x7, v6  }
0x104: {  	v2 =	vmul.f32 v4, v2;
	v4 =	vand.u32 $0x7, v7;
	v5 =	vor.u32 v40, v3  }
0x105: {  	v6 =	vor.u32 v40, v4  }
0x106: {  	v7 =	vor.u32 v41, v4;
	v1 =	vadd.f32 v2, v1  }
0x107: {  	v8 =	vor.u32 v42, v4  }
0x108: {  	v2 =	vor.u32 v41, v3;
	[tilespmem:$0x8890] =	vst v1  }
0x109: {  	v4 =	vor.u32 v43, v4;
	v5 =	vld.idx.msk [tilespmem:v5+s21+$0x0], $0xffff  }
0x10a: {  	v1 =	vor.u32 v42, v3;
	v6 =	vld.idx.msk [tilespmem:v6+s22+$0x0], $0xffff  }
0x10b: {  	v3 =	vor.u32 v43, v3;
	v7 =	vld.idx.msk [tilespmem:v7+s22+$0x0], $0xffff  }
0x10c: {  	v8 =	vld.idx.msk [tilespmem:v8+s22+$0x0], $0xffff  }
0x10d: {  	v2 =	vld.idx.msk [tilespmem:v2+s21+$0x0], $0xffff  }
0x10e: {  	v4 =	vld.idx.msk [tilespmem:v4+s22+$0x0], $0xffff  }
0x10f: {  	v1 =	vld.idx.msk [tilespmem:v1+s21+$0x0], $0xffff  }
0x110: {  	v3 =	vld.idx.msk [tilespmem:v3+s21+$0x0], $0xffff;
	v5 =	vmul.f32 v6, v5  }
0x111: {  	v6 =	vld [tilespmem:$0xB0]  }
0x112: {  	v2 =	vmul.f32 v7, v2;
	v7 =	vld [tilespmem:$0x4B0];
	v5 =	vadd.f32 $0.0e+00, v5;
	_ =	sdelay $0x1  }
0x113: {  	v1 =	vmul.f32 v8, v1;
	v2 =	vadd.f32 v2, v5;
	_ =	sdelay $0x1  }
0x114: {  	v1 =	vadd.f32 v1, v2;
	v2 =	vand.u32 $0x7, v6  }
0x115: {  	v3 =	vmul.f32 v4, v3;
	v4 =	vand.u32 $0x7, v7;
	v5 =	vor.u32 v44, v2  }
0x116: {  	v6 =	vor.u32 v44, v4  }
0x117: {  	v7 =	vor.u32 v45, v4;
	v1 =	vadd.f32 v3, v1  }
0x118: {  	v8 =	vor.u32 v46, v4  }
0x119: {  	v3 =	vor.u32 v45, v2;
	[tilespmem:$0x88A0] =	vst v1  }
0x11a: {  	v4 =	vor.u32 v47, v4;
	v5 =	vld.idx.msk [tilespmem:v5+s21+$0x0], $0xffff  }
0x11b: {  	v1 =	vor.u32 v46, v2;
	v6 =	vld.idx.msk [tilespmem:v6+s22+$0x0], $0xffff  }
0x11c: {  	v2 =	vor.u32 v47, v2;
	v7 =	vld.idx.msk [tilespmem:v7+s22+$0x0], $0xffff  }
0x11d: {  	v8 =	vld.idx.msk [tilespmem:v8+s22+$0x0], $0xffff  }
0x11e: {  	v3 =	vld.idx.msk [tilespmem:v3+s21+$0x0], $0xffff  }
0x11f: {  	v4 =	vld.idx.msk [tilespmem:v4+s22+$0x0], $0xffff  }
0x120: {  	v1 =	vld.idx.msk [tilespmem:v1+s21+$0x0], $0xffff  }
0x121: {  	v2 =	vld.idx.msk [tilespmem:v2+s21+$0x0], $0xffff;
	v5 =	vmul.f32 v6, v5  }
0x122: {  	v6 =	vld [tilespmem:$0xC0]  }
0x123: {  	v3 =	vmul.f32 v7, v3;
	v7 =	vld [tilespmem:$0x4C0];
	v5 =	vadd.f32 $0.0e+00, v5;
	_ =	sdelay $0x1  }
0x124: {  	v1 =	vmul.f32 v8, v1;
	v3 =	vadd.f32 v3, v5;
	_ =	sdelay $0x1  }
0x125: {  	v1 =	vadd.f32 v1, v3;
	v3 =	vand.u32 $0x7, v6  }
0x126: {  	v2 =	vmul.f32 v4, v2;
	v4 =	vand.u32 $0x7, v7;
	v5 =	vor.u32 v48, v3  }
0x127: {  	v6 =	vor.u32 v48, v4  }
0x128: {  	v7 =	vor.u32 v49, v4;
	v1 =	vadd.f32 v2, v1  }
0x129: {  	v8 =	vor.u32 v50, v4  }
0x12a: {  	v2 =	vor.u32 v49, v3;
	[tilespmem:$0x88B0] =	vst v1  }
0x12b: {  	v4 =	vor.u32 v51, v4;
	v5 =	vld.idx.msk [tilespmem:v5+s21+$0x0], $0xffff  }
0x12c: {  	v1 =	vor.u32 v50, v3;
	v6 =	vld.idx.msk [tilespmem:v6+s22+$0x0], $0xffff  }
0x12d: {  	v3 =	vor.u32 v51, v3;
	v7 =	vld.idx.msk [tilespmem:v7+s22+$0x0], $0xffff  }
0x12e: {  	v8 =	vld.idx.msk [tilespmem:v8+s22+$0x0], $0xffff  }
0x12f: {  	v2 =	vld.idx.msk [tilespmem:v2+s21+$0x0], $0xffff  }
0x130: {  	v4 =	vld.idx.msk [tilespmem:v4+s22+$0x0], $0xffff  }
0x131: {  	v1 =	vld.idx.msk [tilespmem:v1+s21+$0x0], $0xffff  }
0x132: {  	v3 =	vld.idx.msk [tilespmem:v3+s21+$0x0], $0xffff;
	v5 =	vmul.f32 v6, v5  }
0x133: {  	v6 =	vld [tilespmem:$0xD0]  }
0x134: {  	v2 =	vmul.f32 v7, v2;
	v7 =	vld [tilespmem:$0x4D0];
	v5 =	vadd.f32 $0.0e+00, v5;
	_ =	sdelay $0x1  }
0x135: {  	v1 =	vmul.f32 v8, v1;
	v2 =	vadd.f32 v2, v5;
	_ =	sdelay $0x1  }
0x136: {  	v1 =	vadd.f32 v1, v2;
	v2 =	vand.u32 $0x7, v6  }
0x137: {  	v3 =	vmul.f32 v4, v3;
	v4 =	vand.u32 $0x7, v7;
	v5 =	vor.u32 v52, v2  }
0x138: {  	v6 =	vor.u32 v52, v4  }
0x139: {  	v7 =	vor.u32 v53, v4;
	v1 =	vadd.f32 v3, v1  }
0x13a: {  	v8 =	vor.u32 v54, v4  }
0x13b: {  	v3 =	vor.u32 v53, v2;
	[tilespmem:$0x88C0] =	vst v1  }
0x13c: {  	v4 =	vor.u32 v55, v4;
	v5 =	vld.idx.msk [tilespmem:v5+s21+$0x0], $0xffff  }
0x13d: {  	v1 =	vor.u32 v54, v2;
	v6 =	vld.idx.msk [tilespmem:v6+s22+$0x0], $0xffff  }
0x13e: {  	v2 =	vor.u32 v55, v2;
	v7 =	vld.idx.msk [tilespmem:v7+s22+$0x0], $0xffff  }
0x13f: {  	v8 =	vld.idx.msk [tilespmem:v8+s22+$0x0], $0xffff  }
0x140: {  	v3 =	vld.idx.msk [tilespmem:v3+s21+$0x0], $0xffff  }
0x141: {  	v4 =	vld.idx.msk [tilespmem:v4+s22+$0x0], $0xffff  }
0x142: {  	v1 =	vld.idx.msk [tilespmem:v1+s21+$0x0], $0xffff  }
0x143: {  	v2 =	vld.idx.msk [tilespmem:v2+s21+$0x0], $0xffff;
	v5 =	vmul.f32 v6, v5  }
0x144: {  	v6 =	vld [tilespmem:$0xE0]  }
0x145: {  	v3 =	vmul.f32 v7, v3;
	v7 =	vld [tilespmem:$0x4E0];
	v5 =	vadd.f32 $0.0e+00, v5;
	_ =	sdelay $0x1  }
0x146: {  	v1 =	vmul.f32 v8, v1;
	v3 =	vadd.f32 v3, v5;
	_ =	sdelay $0x1  }
0x147: {  	v1 =	vadd.f32 v1, v3;
	v3 =	vand.u32 $0x7, v6  }
0x148: {  	v2 =	vmul.f32 v4, v2;
	v4 =	vand.u32 $0x7, v7;
	v5 =	vor.u32 v56, v3  }
0x149: {  	v6 =	vor.u32 v56, v4  }
0x14a: {  	v7 =	vor.u32 v57, v4;
	v1 =	vadd.f32 v2, v1  }
0x14b: {  	v8 =	vor.u32 v58, v4  }
0x14c: {  	v2 =	vor.u32 v57, v3;
	[tilespmem:$0x88D0] =	vst v1  }
0x14d: {  	v4 =	vor.u32 v59, v4;
	v5 =	vld.idx.msk [tilespmem:v5+s21+$0x0], $0xffff  }
0x14e: {  	v1 =	vor.u32 v58, v3;
	v6 =	vld.idx.msk [tilespmem:v6+s22+$0x0], $0xffff  }
0x14f: {  	v3 =	vor.u32 v59, v3;
	v7 =	vld.idx.msk [tilespmem:v7+s22+$0x0], $0xffff  }
0x150: {  	v8 =	vld.idx.msk [tilespmem:v8+s22+$0x0], $0xffff  }
0x151: {  	v2 =	vld.idx.msk [tilespmem:v2+s21+$0x0], $0xffff  }
0x152: {  	v4 =	vld.idx.msk [tilespmem:v4+s22+$0x0], $0xffff  }
0x153: {  	v1 =	vld.idx.msk [tilespmem:v1+s21+$0x0], $0xffff  }
0x154: {  	v3 =	vld.idx.msk [tilespmem:v3+s21+$0x0], $0xffff;
	v5 =	vmul.f32 v6, v5  }
0x155: {  	v6 =	vld [tilespmem:$0xF0]  }
0x156: {  	v2 =	vmul.f32 v7, v2;
	v7 =	vld [tilespmem:$0x4F0];
	v5 =	vadd.f32 $0.0e+00, v5;
	_ =	sdelay $0x1  }
0x157: {  	v1 =	vmul.f32 v8, v1;
	v2 =	vadd.f32 v2, v5;
	_ =	sdelay $0x1  }
0x158: {  	v1 =	vadd.f32 v1, v2;
	v2 =	vand.u32 $0x7, v6  }
0x159: {  	v3 =	vmul.f32 v4, v3;
	v4 =	vand.u32 $0x7, v7;
	v5 =	vor.u32 v60, v2  }
0x15a: {  	v6 =	vor.u32 v60, v4  }
0x15b: {  	v7 =	vor.u32 v61, v4;
	v1 =	vadd.f32 v3, v1  }
0x15c: {  	v8 =	vor.u32 v62, v4  }
0x15d: {  	v3 =	vor.u32 v61, v2;
	[tilespmem:$0x88E0] =	vst v1  }
0x15e: {  	v4 =	vor.u32 v63, v4;
	v5 =	vld.idx.msk [tilespmem:v5+s21+$0x0], $0xffff  }
0x15f: {  	v1 =	vor.u32 v62, v2;
	v6 =	vld.idx.msk [tilespmem:v6+s22+$0x0], $0xffff  }
0x160: {  	v2 =	vor.u32 v63, v2;
	v7 =	vld.idx.msk [tilespmem:v7+s22+$0x0], $0xffff  }
0x161: {  	v8 =	vld.idx.msk [tilespmem:v8+s22+$0x0], $0xffff  }
0x162: {  	v3 =	vld.idx.msk [tilespmem:v3+s21+$0x0], $0xffff  }
0x163: {  	v4 =	vld.idx.msk [tilespmem:v4+s22+$0x0], $0xffff  }
0x164: {  	v1 =	vld.idx.msk [tilespmem:v1+s21+$0x0], $0xffff  }
0x165: {  	v2 =	vld.idx.msk [tilespmem:v2+s21+$0x0], $0xffff;
	v5 =	vmul.f32 v6, v5  }
0x166: {  	v6 =	vld [tilespmem:$0x100]  }
0x167: {  	v3 =	vmul.f32 v7, v3;
	v7 =	vld [tilespmem:$0x500];
	v5 =	vadd.f32 $0.0e+00, v5;
	_ =	sdelay $0x1  }
0x168: {  	v1 =	vmul.f32 v8, v1;
	v3 =	vadd.f32 v3, v5;
	_ =	sdelay $0x1  }
0x169: {  	v5 =	vor.u32 $0x800, v0;
	v1 =	vadd.f32 v1, v3;
	v3 =	vand.u32 $0x7, v6  }
0x16a: {  	v2 =	vmul.f32 v4, v2;
	v4 =	vand.u32 $0x7, v7;
	v6 =	vor.u32 v5, v3  }
0x16b: {  	v7 =	vor.u32 $0x1800, v0;
	v5 =	vor.u32 v5, v4  }
0x16c: {  	v1 =	vadd.f32 v2, v1;
	v2 =	vor.u32 v7, v3  }
0x16d: {  	v8 =	vor.u32 $0x2800, v0;
	v7 =	vor.u32 v7, v4  }
0x16e: {  	[tilespmem:$0x88F0] =	vst v1;
	v1 =	vor.u32 v8, v3  }
0x16f: {  	v9 =	vor.u32 $0x3800, v0;
	v8 =	vor.u32 v8, v4;
	v6 =	vld.idx.msk [tilespmem:v6+s21+$0x0], $0xffff  }
0x170: {  	v3 =	vor.u32 v9, v3;
	v5 =	vld.idx.msk [tilespmem:v5+s22+$0x0], $0xffff  }
0x171: {  	v4 =	vor.u32 v9, v4;
	v2 =	vld.idx.msk [tilespmem:v2+s21+$0x0], $0xffff  }
0x172: {  	v7 =	vld.idx.msk [tilespmem:v7+s22+$0x0], $0xffff  }
0x173: {  	v1 =	vld.idx.msk [tilespmem:v1+s21+$0x0], $0xffff  }
0x174: {  	v8 =	vld.idx.msk [tilespmem:v8+s22+$0x0], $0xffff  }
0x175: {  	v3 =	vld.idx.msk [tilespmem:v3+s21+$0x0], $0xffff  }
0x176: {  	v4 =	vld.idx.msk [tilespmem:v4+s22+$0x0], $0xffff;
	v5 =	vmul.f32 v5, v6  }
0x177: {  	v6 =	vld [tilespmem:$0x110]  }
0x178: {  	v2 =	vmul.f32 v7, v2;
	v7 =	vld [tilespmem:$0x510];
	v5 =	vadd.f32 $0.0e+00, v5;
	_ =	sdelay $0x1  }
0x179: {  	v1 =	vmul.f32 v8, v1;
	v2 =	vadd.f32 v2, v5;
	_ =	sdelay $0x1  }
0x17a: {  	v5 =	vor.u32 $0x880, v0;
	v1 =	vadd.f32 v1, v2;
	v2 =	vand.u32 $0x7, v6  }
0x17b: {  	v3 =	vmul.f32 v4, v3;
	v4 =	vand.u32 $0x7, v7;
	v6 =	vor.u32 v5, v2  }
0x17c: {  	v7 =	vor.u32 $0x1880, v0;
	v5 =	vor.u32 v5, v4  }
0x17d: {  	v1 =	vadd.f32 v3, v1;
	v3 =	vor.u32 v7, v2  }
0x17e: {  	v8 =	vor.u32 $0x2880, v0;
	v7 =	vor.u32 v7, v4  }
0x17f: {  	[tilespmem:$0x8900] =	vst v1;
	v1 =	vor.u32 v8, v2  }
0x180: {  	v9 =	vor.u32 $0x3880, v0;
	v8 =	vor.u32 v8, v4;
	v6 =	vld.idx.msk [tilespmem:v6+s21+$0x0], $0xffff  }
0x181: {  	v2 =	vor.u32 v9, v2;
	v5 =	vld.idx.msk [tilespmem:v5+s22+$0x0], $0xffff  }
0x182: {  	v4 =	vor.u32 v9, v4;
	v3 =	vld.idx.msk [tilespmem:v3+s21+$0x0], $0xffff  }
0x183: {  	v7 =	vld.idx.msk [tilespmem:v7+s22+$0x0], $0xffff  }
0x184: {  	v1 =	vld.idx.msk [tilespmem:v1+s21+$0x0], $0xffff  }
0x185: {  	v8 =	vld.idx.msk [tilespmem:v8+s22+$0x0], $0xffff  }
0x186: {  	v2 =	vld.idx.msk [tilespmem:v2+s21+$0x0], $0xffff  }
0x187: {  	v4 =	vld.idx.msk [tilespmem:v4+s22+$0x0], $0xffff;
	v5 =	vmul.f32 v5, v6  }
0x188: {  	v6 =	vld [tilespmem:$0x120]  }
0x189: {  	v3 =	vmul.f32 v7, v3;
	v7 =	vld [tilespmem:$0x520];
	v5 =	vadd.f32 $0.0e+00, v5;
	_ =	sdelay $0x1  }
0x18a: {  	v1 =	vmul.f32 v8, v1;
	v3 =	vadd.f32 v3, v5;
	_ =	sdelay $0x1  }
0x18b: {  	v5 =	vor.u32 $0x900, v0;
	v1 =	vadd.f32 v1, v3;
	v3 =	vand.u32 $0x7, v6  }
0x18c: {  	v2 =	vmul.f32 v4, v2;
	v4 =	vand.u32 $0x7, v7;
	v6 =	vor.u32 v5, v3  }
0x18d: {  	v7 =	vor.u32 $0x1900, v0;
	v5 =	vor.u32 v5, v4  }
0x18e: {  	v1 =	vadd.f32 v2, v1;
	v2 =	vor.u32 v7, v3  }
0x18f: {  	v8 =	vor.u32 $0x2900, v0;
	v7 =	vor.u32 v7, v4  }
0x190: {  	[tilespmem:$0x8910] =	vst v1;
	v1 =	vor.u32 v8, v3  }
0x191: {  	v9 =	vor.u32 $0x3900, v0;
	v8 =	vor.u32 v8, v4;
	v6 =	vld.idx.msk [tilespmem:v6+s21+$0x0], $0xffff  }
0x192: {  	v3 =	vor.u32 v9, v3;
	v5 =	vld.idx.msk [tilespmem:v5+s22+$0x0], $0xffff  }
0x193: {  	v4 =	vor.u32 v9, v4;
	v2 =	vld.idx.msk [tilespmem:v2+s21+$0x0], $0xffff  }
0x194: {  	v7 =	vld.idx.msk [tilespmem:v7+s22+$0x0], $0xffff  }
0x195: {  	v1 =	vld.idx.msk [tilespmem:v1+s21+$0x0], $0xffff  }
0x196: {  	v8 =	vld.idx.msk [tilespmem:v8+s22+$0x0], $0xffff  }
0x197: {  	v3 =	vld.idx.msk [tilespmem:v3+s21+$0x0], $0xffff  }
0x198: {  	v4 =	vld.idx.msk [tilespmem:v4+s22+$0x0], $0xffff;
	v5 =	vmul.f32 v5, v6  }
0x199: {  	v6 =	vld [tilespmem:$0x130]  }
0x19a: {  	v2 =	vmul.f32 v7, v2;
	v7 =	vld [tilespmem:$0x530];
	v5 =	vadd.f32 $0.0e+00, v5;
	_ =	sdelay $0x1  }
0x19b: {  	v1 =	vmul.f32 v8, v1;
	v2 =	vadd.f32 v2, v5;
	_ =	sdelay $0x1  }
0x19c: {  	v5 =	vor.u32 $0x980, v0;
	v1 =	vadd.f32 v1, v2;
	v2 =	vand.u32 $0x7, v6  }
0x19d: {  	v3 =	vmul.f32 v4, v3;
	v4 =	vand.u32 $0x7, v7;
	v6 =	vor.u32 v5, v2  }
0x19e: {  	v7 =	vor.u32 $0x1980, v0;
	v5 =	vor.u32 v5, v4  }
0x19f: {  	v1 =	vadd.f32 v3, v1;
	v3 =	vor.u32 v7, v2  }
0x1a0: {  	v8 =	vor.u32 $0x2980, v0;
	v7 =	vor.u32 v7, v4  }
0x1a1: {  	[tilespmem:$0x8920] =	vst v1;
	v1 =	vor.u32 v8, v2  }
0x1a2: {  	v9 =	vor.u32 $0x3980, v0;
	v8 =	vor.u32 v8, v4;
	v6 =	vld.idx.msk [tilespmem:v6+s21+$0x0], $0xffff  }
0x1a3: {  	v2 =	vor.u32 v9, v2;
	v5 =	vld.idx.msk [tilespmem:v5+s22+$0x0], $0xffff  }
0x1a4: {  	v4 =	vor.u32 v9, v4;
	v3 =	vld.idx.msk [tilespmem:v3+s21+$0x0], $0xffff  }
0x1a5: {  	v7 =	vld.idx.msk [tilespmem:v7+s22+$0x0], $0xffff  }
0x1a6: {  	v1 =	vld.idx.msk [tilespmem:v1+s21+$0x0], $0xffff  }
0x1a7: {  	v8 =	vld.idx.msk [tilespmem:v8+s22+$0x0], $0xffff  }
0x1a8: {  	v2 =	vld.idx.msk [tilespmem:v2+s21+$0x0], $0xffff  }
0x1a9: {  	v4 =	vld.idx.msk [tilespmem:v4+s22+$0x0], $0xffff;
	v5 =	vmul.f32 v5, v6  }
0x1aa: {  	v6 =	vld [tilespmem:$0x140]  }
0x1ab: {  	v3 =	vmul.f32 v7, v3;
	v7 =	vld [tilespmem:$0x540];
	v5 =	vadd.f32 $0.0e+00, v5;
	_ =	sdelay $0x1  }
0x1ac: {  	v1 =	vmul.f32 v8, v1;
	v3 =	vadd.f32 v3, v5;
	_ =	sdelay $0x1  }
0x1ad: {  	v5 =	vor.u32 $0xA00, v0;
	v1 =	vadd.f32 v1, v3;
	v3 =	vand.u32 $0x7, v6  }
0x1ae: {  	v2 =	vmul.f32 v4, v2;
	v4 =	vand.u32 $0x7, v7;
	v6 =	vor.u32 v5, v3  }
0x1af: {  	v7 =	vor.u32 $0x1A00, v0;
	v5 =	vor.u32 v5, v4  }
0x1b0: {  	v1 =	vadd.f32 v2, v1;
	v2 =	vor.u32 v7, v3  }
0x1b1: {  	v8 =	vor.u32 $0x2A00, v0;
	v7 =	vor.u32 v7, v4  }
0x1b2: {  	[tilespmem:$0x8930] =	vst v1;
	v1 =	vor.u32 v8, v3  }
0x1b3: {  	v9 =	vor.u32 $0x3A00, v0;
	v8 =	vor.u32 v8, v4;
	v6 =	vld.idx.msk [tilespmem:v6+s21+$0x0], $0xffff  }
0x1b4: {  	v3 =	vor.u32 v9, v3;
	v5 =	vld.idx.msk [tilespmem:v5+s22+$0x0], $0xffff  }
0x1b5: {  	v4 =	vor.u32 v9, v4;
	v2 =	vld.idx.msk [tilespmem:v2+s21+$0x0], $0xffff  }
0x1b6: {  	v7 =	vld.idx.msk [tilespmem:v7+s22+$0x0], $0xffff  }
0x1b7: {  	v1 =	vld.idx.msk [tilespmem:v1+s21+$0x0], $0xffff  }
0x1b8: {  	v8 =	vld.idx.msk [tilespmem:v8+s22+$0x0], $0xffff  }
0x1b9: {  	v3 =	vld.idx.msk [tilespmem:v3+s21+$0x0], $0xffff  }
0x1ba: {  	v4 =	vld.idx.msk [tilespmem:v4+s22+$0x0], $0xffff;
	v5 =	vmul.f32 v5, v6  }
0x1bb: {  	v6 =	vld [tilespmem:$0x150]  }
0x1bc: {  	v2 =	vmul.f32 v7, v2;
	v7 =	vld [tilespmem:$0x550];
	v5 =	vadd.f32 $0.0e+00, v5;
	_ =	sdelay $0x1  }
0x1bd: {  	v1 =	vmul.f32 v8, v1;
	v2 =	vadd.f32 v2, v5;
	_ =	sdelay $0x1  }
0x1be: {  	v5 =	vor.u32 $0xA80, v0;
	v1 =	vadd.f32 v1, v2;
	v2 =	vand.u32 $0x7, v6  }
0x1bf: {  	v3 =	vmul.f32 v4, v3;
	v4 =	vand.u32 $0x7, v7;
	v6 =	vor.u32 v5, v2  }
0x1c0: {  	v7 =	vor.u32 $0x1A80, v0;
	v5 =	vor.u32 v5, v4  }
0x1c1: {  	v1 =	vadd.f32 v3, v1;
	v3 =	vor.u32 v7, v2  }
0x1c2: {  	v8 =	vor.u32 $0x2A80, v0;
	v7 =	vor.u32 v7, v4  }
0x1c3: {  	[tilespmem:$0x8940] =	vst v1;
	v1 =	vor.u32 v8, v2  }
0x1c4: {  	v9 =	vor.u32 $0x3A80, v0;
	v8 =	vor.u32 v8, v4;
	v6 =	vld.idx.msk [tilespmem:v6+s21+$0x0], $0xffff  }
0x1c5: {  	v2 =	vor.u32 v9, v2;
	v5 =	vld.idx.msk [tilespmem:v5+s22+$0x0], $0xffff  }
0x1c6: {  	v4 =	vor.u32 v9, v4;
	v3 =	vld.idx.msk [tilespmem:v3+s21+$0x0], $0xffff  }
0x1c7: {  	v7 =	vld.idx.msk [tilespmem:v7+s22+$0x0], $0xffff  }
0x1c8: {  	v1 =	vld.idx.msk [tilespmem:v1+s21+$0x0], $0xffff  }
0x1c9: {  	v8 =	vld.idx.msk [tilespmem:v8+s22+$0x0], $0xffff  }
0x1ca: {  	v2 =	vld.idx.msk [tilespmem:v2+s21+$0x0], $0xffff  }
0x1cb: {  	v4 =	vld.idx.msk [tilespmem:v4+s22+$0x0], $0xffff;
	v5 =	vmul.f32 v5, v6  }
0x1cc: {  	v6 =	vld [tilespmem:$0x160]  }
0x1cd: {  	v3 =	vmul.f32 v7, v3;
	v7 =	vld [tilespmem:$0x560];
	v5 =	vadd.f32 $0.0e+00, v5;
	_ =	sdelay $0x1  }
0x1ce: {  	v1 =	vmul.f32 v8, v1;
	v3 =	vadd.f32 v3, v5;
	_ =	sdelay $0x1  }
0x1cf: {  	v5 =	vor.u32 $0xB00, v0;
	v1 =	vadd.f32 v1, v3;
	v3 =	vand.u32 $0x7, v6  }
0x1d0: {  	v2 =	vmul.f32 v4, v2;
	v4 =	vand.u32 $0x7, v7;
	v6 =	vor.u32 v5, v3  }
0x1d1: {  	v7 =	vor.u32 $0x1B00, v0;
	v5 =	vor.u32 v5, v4  }
0x1d2: {  	v1 =	vadd.f32 v2, v1;
	v2 =	vor.u32 v7, v3  }
0x1d3: {  	v8 =	vor.u32 $0x2B00, v0;
	v7 =	vor.u32 v7, v4  }
0x1d4: {  	[tilespmem:$0x8950] =	vst v1;
	v1 =	vor.u32 v8, v3  }
0x1d5: {  	v9 =	vor.u32 $0x3B00, v0;
	v8 =	vor.u32 v8, v4;
	v6 =	vld.idx.msk [tilespmem:v6+s21+$0x0], $0xffff  }
0x1d6: {  	v3 =	vor.u32 v9, v3;
	v5 =	vld.idx.msk [tilespmem:v5+s22+$0x0], $0xffff  }
0x1d7: {  	v4 =	vor.u32 v9, v4;
	v2 =	vld.idx.msk [tilespmem:v2+s21+$0x0], $0xffff  }
0x1d8: {  	v7 =	vld.idx.msk [tilespmem:v7+s22+$0x0], $0xffff  }
0x1d9: {  	v1 =	vld.idx.msk [tilespmem:v1+s21+$0x0], $0xffff  }
0x1da: {  	v8 =	vld.idx.msk [tilespmem:v8+s22+$0x0], $0xffff  }
0x1db: {  	v3 =	vld.idx.msk [tilespmem:v3+s21+$0x0], $0xffff  }
0x1dc: {  	v4 =	vld.idx.msk [tilespmem:v4+s22+$0x0], $0xffff;
	v5 =	vmul.f32 v5, v6  }
0x1dd: {  	v6 =	vld [tilespmem:$0x170]  }
0x1de: {  	v2 =	vmul.f32 v7, v2;
	v7 =	vld [tilespmem:$0x570];
	v5 =	vadd.f32 $0.0e+00, v5;
	_ =	sdelay $0x1  }
0x1df: {  	v1 =	vmul.f32 v8, v1;
	v2 =	vadd.f32 v2, v5;
	_ =	sdelay $0x1  }
0x1e0: {  	v5 =	vor.u32 $0xB80, v0;
	v1 =	vadd.f32 v1, v2;
	v2 =	vand.u32 $0x7, v6  }
0x1e1: {  	v3 =	vmul.f32 v4, v3;
	v4 =	vand.u32 $0x7, v7;
	v6 =	vor.u32 v5, v2  }
0x1e2: {  	v7 =	vor.u32 $0x1B80, v0;
	v5 =	vor.u32 v5, v4  }
0x1e3: {  	v1 =	vadd.f32 v3, v1;
	v3 =	vor.u32 v7, v2  }
0x1e4: {  	v8 =	vor.u32 $0x2B80, v0;
	v7 =	vor.u32 v7, v4  }
0x1e5: {  	[tilespmem:$0x8960] =	vst v1;
	v1 =	vor.u32 v8, v2  }
0x1e6: {  	v9 =	vor.u32 $0x3B80, v0;
	v8 =	vor.u32 v8, v4;
	v6 =	vld.idx.msk [tilespmem:v6+s21+$0x0], $0xffff  }
0x1e7: {  	v2 =	vor.u32 v9, v2;
	v5 =	vld.idx.msk [tilespmem:v5+s22+$0x0], $0xffff  }
0x1e8: {  	v4 =	vor.u32 v9, v4;
	v3 =	vld.idx.msk [tilespmem:v3+s21+$0x0], $0xffff  }
0x1e9: {  	v7 =	vld.idx.msk [tilespmem:v7+s22+$0x0], $0xffff  }
0x1ea: {  	v1 =	vld.idx.msk [tilespmem:v1+s21+$0x0], $0xffff  }
0x1eb: {  	v8 =	vld.idx.msk [tilespmem:v8+s22+$0x0], $0xffff  }
0x1ec: {  	v2 =	vld.idx.msk [tilespmem:v2+s21+$0x0], $0xffff  }
0x1ed: {  	v4 =	vld.idx.msk [tilespmem:v4+s22+$0x0], $0xffff;
	v5 =	vmul.f32 v5, v6  }
0x1ee: {  	v6 =	vld [tilespmem:$0x180]  }
0x1ef: {  	v3 =	vmul.f32 v7, v3;
	v7 =	vld [tilespmem:$0x580];
	v5 =	vadd.f32 $0.0e+00, v5;
	_ =	sdelay $0x1  }
0x1f0: {  	v1 =	vmul.f32 v8, v1;
	v3 =	vadd.f32 v3, v5;
	_ =	sdelay $0x1  }
0x1f1: {  	v5 =	vor.u32 $0xC00, v0;
	v1 =	vadd.f32 v1, v3;
	v3 =	vand.u32 $0x7, v6  }
0x1f2: {  	v2 =	vmul.f32 v4, v2;
	v4 =	vand.u32 $0x7, v7;
	v6 =	vor.u32 v5, v3  }
0x1f3: {  	v7 =	vor.u32 $0x1C00, v0;
	v5 =	vor.u32 v5, v4  }
0x1f4: {  	v1 =	vadd.f32 v2, v1;
	v2 =	vor.u32 v7, v3  }
0x1f5: {  	v8 =	vor.u32 $0x2C00, v0;
	v7 =	vor.u32 v7, v4  }
0x1f6: {  	[tilespmem:$0x8970] =	vst v1;
	v1 =	vor.u32 v8, v3  }
0x1f7: {  	v9 =	vor.u32 $0x3C00, v0;
	v8 =	vor.u32 v8, v4;
	v6 =	vld.idx.msk [tilespmem:v6+s21+$0x0], $0xffff  }
0x1f8: {  	v3 =	vor.u32 v9, v3;
	v5 =	vld.idx.msk [tilespmem:v5+s22+$0x0], $0xffff  }
0x1f9: {  	v4 =	vor.u32 v9, v4;
	v2 =	vld.idx.msk [tilespmem:v2+s21+$0x0], $0xffff  }
0x1fa: {  	v7 =	vld.idx.msk [tilespmem:v7+s22+$0x0], $0xffff  }
0x1fb: {  	v1 =	vld.idx.msk [tilespmem:v1+s21+$0x0], $0xffff  }
0x1fc: {  	v8 =	vld.idx.msk [tilespmem:v8+s22+$0x0], $0xffff  }
0x1fd: {  	v3 =	vld.idx.msk [tilespmem:v3+s21+$0x0], $0xffff  }
0x1fe: {  	v4 =	vld.idx.msk [tilespmem:v4+s22+$0x0], $0xffff;
	v5 =	vmul.f32 v5, v6  }
0x1ff: {  	v6 =	vld [tilespmem:$0x190]  }
0x200: {  	v2 =	vmul.f32 v7, v2;
	v7 =	vld [tilespmem:$0x590];
	v5 =	vadd.f32 $0.0e+00, v5;
	_ =	sdelay $0x1  }
0x201: {  	v1 =	vmul.f32 v8, v1;
	v2 =	vadd.f32 v2, v5;
	_ =	sdelay $0x1  }
0x202: {  	v5 =	vor.u32 $0xC80, v0;
	v1 =	vadd.f32 v1, v2;
	v2 =	vand.u32 $0x7, v6  }
0x203: {  	v3 =	vmul.f32 v4, v3;
	v4 =	vand.u32 $0x7, v7;
	v6 =	vor.u32 v5, v2  }
0x204: {  	v7 =	vor.u32 $0x1C80, v0;
	v5 =	vor.u32 v5, v4  }
0x205: {  	v1 =	vadd.f32 v3, v1;
	v3 =	vor.u32 v7, v2  }
0x206: {  	v8 =	vor.u32 $0x2C80, v0;
	v7 =	vor.u32 v7, v4  }
0x207: {  	[tilespmem:$0x8980] =	vst v1;
	v1 =	vor.u32 v8, v2  }
0x208: {  	v9 =	vor.u32 $0x3C80, v0;
	v8 =	vor.u32 v8, v4;
	v6 =	vld.idx.msk [tilespmem:v6+s21+$0x0], $0xffff  }
0x209: {  	v2 =	vor.u32 v9, v2;
	v5 =	vld.idx.msk [tilespmem:v5+s22+$0x0], $0xffff  }
0x20a: {  	v4 =	vor.u32 v9, v4;
	v3 =	vld.idx.msk [tilespmem:v3+s21+$0x0], $0xffff  }
0x20b: {  	v7 =	vld.idx.msk [tilespmem:v7+s22+$0x0], $0xffff  }
0x20c: {  	v1 =	vld.idx.msk [tilespmem:v1+s21+$0x0], $0xffff  }
0x20d: {  	v8 =	vld.idx.msk [tilespmem:v8+s22+$0x0], $0xffff  }
0x20e: {  	v2 =	vld.idx.msk [tilespmem:v2+s21+$0x0], $0xffff  }
0x20f: {  	v4 =	vld.idx.msk [tilespmem:v4+s22+$0x0], $0xffff;
	v5 =	vmul.f32 v5, v6  }
0x210: {  	v6 =	vld [tilespmem:$0x1A0]  }
0x211: {  	v3 =	vmul.f32 v7, v3;
	v7 =	vld [tilespmem:$0x5A0];
	v5 =	vadd.f32 $0.0e+00, v5;
	_ =	sdelay $0x1  }
0x212: {  	v1 =	vmul.f32 v8, v1;
	v3 =	vadd.f32 v3, v5;
	_ =	sdelay $0x1  }
0x213: {  	v5 =	vor.u32 $0xD00, v0;
	v1 =	vadd.f32 v1, v3;
	v3 =	vand.u32 $0x7, v6  }
0x214: {  	v2 =	vmul.f32 v4, v2;
	v4 =	vand.u32 $0x7, v7;
	v6 =	vor.u32 v5, v3  }
0x215: {  	v7 =	vor.u32 $0x1D00, v0;
	v5 =	vor.u32 v5, v4  }
0x216: {  	v1 =	vadd.f32 v2, v1;
	v2 =	vor.u32 v7, v3  }
0x217: {  	v8 =	vor.u32 $0x2D00, v0;
	v7 =	vor.u32 v7, v4  }
0x218: {  	[tilespmem:$0x8990] =	vst v1;
	v1 =	vor.u32 v8, v3  }
0x219: {  	v9 =	vor.u32 $0x3D00, v0;
	v8 =	vor.u32 v8, v4;
	v6 =	vld.idx.msk [tilespmem:v6+s21+$0x0], $0xffff  }
0x21a: {  	v3 =	vor.u32 v9, v3;
	v5 =	vld.idx.msk [tilespmem:v5+s22+$0x0], $0xffff  }
0x21b: {  	v4 =	vor.u32 v9, v4;
	v2 =	vld.idx.msk [tilespmem:v2+s21+$0x0], $0xffff  }
0x21c: {  	v7 =	vld.idx.msk [tilespmem:v7+s22+$0x0], $0xffff  }
0x21d: {  	v1 =	vld.idx.msk [tilespmem:v1+s21+$0x0], $0xffff  }
0x21e: {  	v8 =	vld.idx.msk [tilespmem:v8+s22+$0x0], $0xffff  }
0x21f: {  	v3 =	vld.idx.msk [tilespmem:v3+s21+$0x0], $0xffff  }
0x220: {  	v4 =	vld.idx.msk [tilespmem:v4+s22+$0x0], $0xffff;
	v5 =	vmul.f32 v5, v6  }
0x221: {  	v6 =	vld [tilespmem:$0x1B0]  }
0x222: {  	v2 =	vmul.f32 v7, v2;
	v7 =	vld [tilespmem:$0x5B0];
	v5 =	vadd.f32 $0.0e+00, v5;
	_ =	sdelay $0x1  }
0x223: {  	v1 =	vmul.f32 v8, v1;
	v2 =	vadd.f32 v2, v5;
	_ =	sdelay $0x1  }
0x224: {  	v5 =	vor.u32 $0xD80, v0;
	v1 =	vadd.f32 v1, v2;
	v2 =	vand.u32 $0x7, v6  }
0x225: {  	v3 =	vmul.f32 v4, v3;
	v4 =	vand.u32 $0x7, v7;
	v6 =	vor.u32 v5, v2  }
0x226: {  	v7 =	vor.u32 $0x1D80, v0;
	v5 =	vor.u32 v5, v4  }
0x227: {  	v1 =	vadd.f32 v3, v1;
	v3 =	vor.u32 v7, v2  }
0x228: {  	v8 =	vor.u32 $0x2D80, v0;
	v7 =	vor.u32 v7, v4  }
0x229: {  	[tilespmem:$0x89A0] =	vst v1;
	v1 =	vor.u32 v8, v2  }
0x22a: {  	v9 =	vor.u32 $0x3D80, v0;
	v8 =	vor.u32 v8, v4;
	v6 =	vld.idx.msk [tilespmem:v6+s21+$0x0], $0xffff  }
0x22b: {  	v2 =	vor.u32 v9, v2;
	v5 =	vld.idx.msk [tilespmem:v5+s22+$0x0], $0xffff  }
0x22c: {  	v4 =	vor.u32 v9, v4;
	v3 =	vld.idx.msk [tilespmem:v3+s21+$0x0], $0xffff  }
0x22d: {  	v7 =	vld.idx.msk [tilespmem:v7+s22+$0x0], $0xffff  }
0x22e: {  	v1 =	vld.idx.msk [tilespmem:v1+s21+$0x0], $0xffff  }
0x22f: {  	v8 =	vld.idx.msk [tilespmem:v8+s22+$0x0], $0xffff  }
0x230: {  	v2 =	vld.idx.msk [tilespmem:v2+s21+$0x0], $0xffff  }
0x231: {  	v4 =	vld.idx.msk [tilespmem:v4+s22+$0x0], $0xffff;
	v5 =	vmul.f32 v5, v6  }
0x232: {  	v6 =	vld [tilespmem:$0x1C0]  }
0x233: {  	v3 =	vmul.f32 v7, v3;
	v7 =	vld [tilespmem:$0x5C0];
	v5 =	vadd.f32 $0.0e+00, v5;
	_ =	sdelay $0x1  }
0x234: {  	v1 =	vmul.f32 v8, v1;
	v3 =	vadd.f32 v3, v5;
	_ =	sdelay $0x1  }
0x235: {  	v5 =	vor.u32 $0xE00, v0;
	v1 =	vadd.f32 v1, v3;
	v3 =	vand.u32 $0x7, v6  }
0x236: {  	v2 =	vmul.f32 v4, v2;
	v4 =	vand.u32 $0x7, v7;
	v6 =	vor.u32 v5, v3  }
0x237: {  	v7 =	vor.u32 $0x1E00, v0;
	v5 =	vor.u32 v5, v4  }
0x238: {  	v1 =	vadd.f32 v2, v1;
	v2 =	vor.u32 v7, v3  }
0x239: {  	v8 =	vor.u32 $0x2E00, v0;
	v7 =	vor.u32 v7, v4  }
0x23a: {  	[tilespmem:$0x89B0] =	vst v1;
	v1 =	vor.u32 v8, v3  }
0x23b: {  	v9 =	vor.u32 $0x3E00, v0;
	v8 =	vor.u32 v8, v4;
	v6 =	vld.idx.msk [tilespmem:v6+s21+$0x0], $0xffff  }
0x23c: {  	v3 =	vor.u32 v9, v3;
	v5 =	vld.idx.msk [tilespmem:v5+s22+$0x0], $0xffff  }
0x23d: {  	v4 =	vor.u32 v9, v4;
	v2 =	vld.idx.msk [tilespmem:v2+s21+$0x0], $0xffff  }
0x23e: {  	v7 =	vld.idx.msk [tilespmem:v7+s22+$0x0], $0xffff  }
0x23f: {  	v1 =	vld.idx.msk [tilespmem:v1+s21+$0x0], $0xffff  }
0x240: {  	v8 =	vld.idx.msk [tilespmem:v8+s22+$0x0], $0xffff  }
0x241: {  	v3 =	vld.idx.msk [tilespmem:v3+s21+$0x0], $0xffff  }
0x242: {  	v4 =	vld.idx.msk [tilespmem:v4+s22+$0x0], $0xffff;
	v5 =	vmul.f32 v5, v6  }
0x243: {  	v6 =	vld [tilespmem:$0x1D0]  }
0x244: {  	v2 =	vmul.f32 v7, v2;
	v7 =	vld [tilespmem:$0x5D0];
	v5 =	vadd.f32 $0.0e+00, v5;
	_ =	sdelay $0x1  }
0x245: {  	v1 =	vmul.f32 v8, v1;
	v2 =	vadd.f32 v2, v5;
	_ =	sdelay $0x1  }
0x246: {  	v5 =	vor.u32 $0xE80, v0;
	v1 =	vadd.f32 v1, v2;
	v2 =	vand.u32 $0x7, v6  }
0x247: {  	v3 =	vmul.f32 v4, v3;
	v4 =	vand.u32 $0x7, v7;
	v6 =	vor.u32 v5, v2  }
0x248: {  	v7 =	vor.u32 $0x1E80, v0;
	v5 =	vor.u32 v5, v4  }
0x249: {  	v1 =	vadd.f32 v3, v1;
	v3 =	vor.u32 v7, v2  }
0x24a: {  	v8 =	vor.u32 $0x2E80, v0;
	v7 =	vor.u32 v7, v4  }
0x24b: {  	[tilespmem:$0x89C0] =	vst v1;
	v1 =	vor.u32 v8, v2  }
0x24c: {  	v9 =	vor.u32 $0x3E80, v0;
	v8 =	vor.u32 v8, v4;
	v6 =	vld.idx.msk [tilespmem:v6+s21+$0x0], $0xffff  }
0x24d: {  	v2 =	vor.u32 v9, v2;
	v5 =	vld.idx.msk [tilespmem:v5+s22+$0x0], $0xffff  }
0x24e: {  	v4 =	vor.u32 v9, v4;
	v3 =	vld.idx.msk [tilespmem:v3+s21+$0x0], $0xffff  }
0x24f: {  	v7 =	vld.idx.msk [tilespmem:v7+s22+$0x0], $0xffff  }
0x250: {  	v1 =	vld.idx.msk [tilespmem:v1+s21+$0x0], $0xffff  }
0x251: {  	v8 =	vld.idx.msk [tilespmem:v8+s22+$0x0], $0xffff  }
0x252: {  	v2 =	vld.idx.msk [tilespmem:v2+s21+$0x0], $0xffff  }
0x253: {  	v4 =	vld.idx.msk [tilespmem:v4+s22+$0x0], $0xffff;
	v5 =	vmul.f32 v5, v6  }
0x254: {  	v6 =	vld [tilespmem:$0x1E0]  }
0x255: {  	v3 =	vmul.f32 v7, v3;
	v7 =	vld [tilespmem:$0x5E0];
	v5 =	vadd.f32 $0.0e+00, v5;
	_ =	sdelay $0x1  }
0x256: {  	v1 =	vmul.f32 v8, v1;
	v3 =	vadd.f32 v3, v5;
	_ =	sdelay $0x1  }
0x257: {  	v5 =	vor.u32 $0xF00, v0;
	v1 =	vadd.f32 v1, v3;
	v3 =	vand.u32 $0x7, v6  }
0x258: {  	v2 =	vmul.f32 v4, v2;
	v4 =	vand.u32 $0x7, v7;
	v6 =	vor.u32 v5, v3  }
0x259: {  	v7 =	vor.u32 $0x1F00, v0;
	v5 =	vor.u32 v5, v4  }
0x25a: {  	v1 =	vadd.f32 v2, v1;
	v2 =	vor.u32 v7, v3  }
0x25b: {  	v8 =	vor.u32 $0x2F00, v0;
	v7 =	vor.u32 v7, v4  }
0x25c: {  	[tilespmem:$0x89D0] =	vst v1;
	v1 =	vor.u32 v8, v3  }
0x25d: {  	v9 =	vor.u32 $0x3F00, v0;
	v8 =	vor.u32 v8, v4;
	v6 =	vld.idx.msk [tilespmem:v6+s21+$0x0], $0xffff  }
0x25e: {  	v3 =	vor.u32 v9, v3;
	v5 =	vld.idx.msk [tilespmem:v5+s22+$0x0], $0xffff  }
0x25f: {  	v4 =	vor.u32 v9, v4;
	v2 =	vld.idx.msk [tilespmem:v2+s21+$0x0], $0xffff  }
0x260: {  	v7 =	vld.idx.msk [tilespmem:v7+s22+$0x0], $0xffff  }
0x261: {  	v1 =	vld.idx.msk [tilespmem:v1+s21+$0x0], $0xffff  }
0x262: {  	v8 =	vld.idx.msk [tilespmem:v8+s22+$0x0], $0xffff  }
0x263: {  	v3 =	vld.idx.msk [tilespmem:v3+s21+$0x0], $0xffff  }
0x264: {  	v4 =	vld.idx.msk [tilespmem:v4+s22+$0x0], $0xffff;
	v5 =	vmul.f32 v5, v6  }
0x265: {  	v6 =	vld [tilespmem:$0x1F0]  }
0x266: {  	v2 =	vmul.f32 v7, v2;
	v7 =	vld [tilespmem:$0x5F0];
	v5 =	vadd.f32 $0.0e+00, v5;
	_ =	sdelay $0x1  }
0x267: {  	v1 =	vmul.f32 v8, v1;
	v2 =	vadd.f32 v2, v5;
	_ =	sdelay $0x1  }
0x268: {  	v5 =	vor.u32 $0xF80, v0;
	v1 =	vadd.f32 v1, v2;
	v2 =	vand.u32 $0x7, v6  }
0x269: {  	v3 =	vmul.f32 v4, v3;
	v4 =	vand.u32 $0x7, v7;
	v6 =	vor.u32 v5, v2  }
0x26a: {  	v7 =	vor.u32 $0x1F80, v0;
	v5 =	vor.u32 v5, v4  }
0x26b: {  	v1 =	vadd.f32 v3, v1;
	v3 =	vor.u32 v7, v2  }
0x26c: {  	v8 =	vor.u32 $0x2F80, v0;
	v7 =	vor.u32 v7, v4  }
0x26d: {  	[tilespmem:$0x89E0] =	vst v1;
	v1 =	vor.u32 v8, v2  }
0x26e: {  	v9 =	vor.u32 $0x3F80, v0;
	v8 =	vor.u32 v8, v4;
	v6 =	vld.idx.msk [tilespmem:v6+s21+$0x0], $0xffff  }
0x26f: {  	v2 =	vor.u32 v9, v2;
	v5 =	vld.idx.msk [tilespmem:v5+s22+$0x0], $0xffff  }
0x270: {  	v4 =	vor.u32 v9, v4;
	v3 =	vld.idx.msk [tilespmem:v3+s21+$0x0], $0xffff  }
0x271: {  	v7 =	vld.idx.msk [tilespmem:v7+s22+$0x0], $0xffff  }
0x272: {  	v1 =	vld.idx.msk [tilespmem:v1+s21+$0x0], $0xffff  }
0x273: {  	v8 =	vld.idx.msk [tilespmem:v8+s22+$0x0], $0xffff  }
0x274: {  	v2 =	vld.idx.msk [tilespmem:v2+s21+$0x0], $0xffff;
	v5 =	vmul.f32 v5, v6  }
0x275: {  	v4 =	vld.idx.msk [tilespmem:v4+s22+$0x0], $0xffff  }
0x276: {  	v3 =	vmul.f32 v7, v3;
	v5 =	vadd.f32 $0.0e+00, v5;
	_ =	sdelay $0x1  }
0x277: {  	v1 =	vmul.f32 v8, v1;
	v3 =	vadd.f32 v3, v5;
	_ =	sdelay $0x1  }
0x278: {  	v2 =	vmul.f32 v4, v2;
	v1 =	vadd.f32 v1, v3;
	_ =	sdelay $0x1  }
0x279: {  	v1 =	vadd.f32 v2, v1  }
0x27a: {  	p0 =	sne.s32 s16, $0x1  }
.Ltmp0:
0x27b: {  	[tilespmem:$0x89F0] =	vst v1;
	(pc) =	sbr.rel @p0 .LBB2_1-.Ltmp0, $4  }
0x27c: {  	[hbm4b:s15+s1] =	stream.linear.scatter [tilespmem:s31], [sflag:$0x2], $0x200, $0x38;
	[tilespmem:$0x8A00] =	vst v63  }
0x27d: {  	_ =	swait.ge [sflag:s17], $0x200  }
0x27e: {  	[sflag:s17] =	ssyncset.done $0x0  }
0x27f: {  	s16 =	sadd.s32 $0xFFFFFFFF, s16;
	[sflag:s17] =	ssyncadd.s32 $0xFFFFFE00  }
0x280: {  	_ =	sfence.sel $0x180000  }
0x281: {  	[bflag:$0x0] =	sbarrier.arrive $0xFFFF  }
0x282: {  	p0 =	sne.s32 s4, $0x0;
	_ =	strace $0x90000047  }
0x283: {  	s0 =	sadd.s32 @!p0 $0x100000, s0;
	[bflag:$0x2] =	sbarrier.arrive $0xFFFF  }
0x284: {  	[sflag:s0] =	ssyncadd.tile.s32 @!p0 $0x1;
	_ =	shalt  }
.Lfunc_end2:
_tile_overlayer_lowered:
.L_overlay_start_2:
0x285: {  	(tag) =	ssettag $0x2  }
0x286: {  	s0 =	rddreg [dreg:$0x0];
	s2 =	stileid.u32  }
0x287: {  	s1 =	rddreg [dreg:$0x1];
	p0 =	sne.s32 s2, $0x0  }
0x288: {  	s3 =	rddreg [dreg:$0x2];
	[bflag:$0x3] =	sbarrier.arrive $0xFFFF;
	s2 =	simm.s32 @!p0 $0x1C02  }
0x289: {  	[timem:s3], [sflag:s2] =	dma.local @!p0 [hbm:s0], s1  }
0x28a: {  	s0 =	simm.s32 @!p0 $0x2  }
0x28b: {  	_ =	swait.ge @!p0 [sflag:s0], s1  }
0x28c: {  	s1 =	ssub.s32 @!p0 $0x0, s1;
	[sflag:s0] =	ssyncset.done @!p0 $0x0  }
0x28d: {  	[sflag:s0] =	ssyncadd.s32 @!p0 s1  }
0x28e: {  	[bflag:$0x3] =	sbarrier.arrive $0xFFFF  }
0x28f: {  	_ =	shalt  }

</sc_bundles>
